<compile_context>
chip_gen: v7x
topology: tpu7x:2x2x1
jax: 0.10.2.dev20260603
libtpu: 0.0.44.dev20260713+nightly
codegen_flags: <defaults>
</compile_context>

<pallas_src>
import jax
import jax.numpy as jnp
from jax import lax
from jax.experimental import pallas as pl
from jax.experimental.pallas import tpu as pltpu
from jax.experimental.pallas import tpu_sc as plsc
import functools

NC = 2
NS = 16
NW = NC * NS
L = 16
B = 64
S = 16
V = 100000
N = B * S
RPW = N // NW
WL = 128


def _sc_gather_kernel(prob_hbm, tgt_hbm, rew_hbm, sel_hbm,
                      tgt_v, rew_v, win_v, out_v, sem):
    w = lax.axis_index("c") * NS + lax.axis_index("s")
    base = pl.multiple_of(w * RPW, RPW)
    b0 = 2 * w

    pltpu.sync_copy(tgt_hbm, tgt_v)
    pltpu.sync_copy(rew_hbm, rew_v)

    iota = lax.iota(jnp.int32, L)
    negi = jnp.full((L,), -1, jnp.int32)

    tks = []
    copies = []
    for k in range(RPW):
        tv = tgt_v[pl.ds(base + (k // L) * L, L)]
        t = jnp.max(jnp.where(iota == (k % L), tv, negi))
        tks.append(t)
        tcol = pl.multiple_of(jnp.bitwise_and(t, -WL), WL)
        copies.append(pltpu.async_copy(
            prob_hbm.at[b0 + k // S, k % S, pl.ds(tcol, WL)],
            win_v.at[k], sem))
    for cp in copies:
        cp.wait()

    ninf = jnp.full((L,), -jnp.inf, jnp.float32)
    rbase = pl.multiple_of(jnp.bitwise_and(b0, -L), L)
    rvec = rew_v[pl.ds(rbase, L)]
    rlane = jnp.bitwise_and(b0, L - 1)
    rews = [jnp.max(jnp.where(iota == rlane + h, rvec, ninf))
            for h in range(2)]

    for half in range(RPW // L):
        acc = jnp.zeros((L,), jnp.float32)
        for kk in range(L):
            k = half * L + kk
            t = tks[k]
            lw = pl.multiple_of(jnp.bitwise_and(t, WL - L), L)
            w16 = win_v.at[k][pl.ds(lw, L)]
            lanepos = jnp.bitwise_and(t, L - 1)
            v = jnp.max(jnp.where(iota == lanepos, w16, ninf))
            acc = jnp.where(iota == kk, jnp.full((L,), v), acc)
        out_v[pl.ds(half * L, L)] = acc * jnp.full((L,), rews[half])
    for g in range(RPW // L, WL // L):
        out_v[pl.ds(g * L, L)] = jnp.zeros((L,), jnp.float32)

    pltpu.sync_copy(out_v, sel_hbm.at[w])


@functools.partial(
    pl.kernel,
    out_type=jax.ShapeDtypeStruct((NW, WL), jnp.float32),
    mesh=plsc.VectorSubcoreMesh(
        core_axis_name="c", subcore_axis_name="s",
        num_cores=NC, num_subcores=NS),
    compiler_params=pltpu.CompilerParams(
        needs_layout_passes=False, use_tc_tiling_on_sc=True,
        skip_device_barrier=True),
    scratch_types=[
        pltpu.VMEM((N,), jnp.int32),
        pltpu.VMEM((B,), jnp.float32),
        pltpu.VMEM((RPW, WL), jnp.float32),
        pltpu.VMEM((WL,), jnp.float32),
        pltpu.SemaphoreType.DMA,
    ],
)
def _sc_gather(prob_hbm, tgt_hbm, rew_hbm, sel_hbm, *scratch):
    _sc_gather_kernel(prob_hbm, tgt_hbm, rew_hbm, sel_hbm, *scratch)


def _tc_reduce_kernel(sel_ref, out_ref):
    out_ref[0, 0] = -jnp.sum(sel_ref[...])


_tc_reduce = pl.pallas_call(
    _tc_reduce_kernel,
    out_shape=jax.ShapeDtypeStruct((1, 1), jnp.float32),
    out_specs=pl.BlockSpec(memory_space=pltpu.SMEM),
)


def kernel(prob, target, reward):
    sel = _sc_gather(prob, target.astype(jnp.int32).reshape(-1), reward)
    loss = _tc_reduce(sel)
    return loss[0, 0]

# --- scband reference (transcript-rebuilt; emitter-appended) ---
"""Pipeline reference for scband-rl-loss-61143154426508 (READ-ONLY COPY).

The authoritative reference and input builder live on the scoring server;
editing this copy changes nothing except your own understanding.
"""

import jax, jax.numpy as jnp
import numpy as np


def setup_inputs(seed: int = 0) -> dict:
    key = jax.random.key(seed)
    k1, k2, k3 = jax.random.split(key, 3)
    prob = jax.random.normal(k1, (64, 16, 100000), dtype=jnp.float32)
    target = jax.random.randint(k2, (64, 16), 0, 100000, dtype=jnp.int64)
    reward = jax.random.normal(k3, (64,), dtype=jnp.float32)
    return {"prob": prob, "target": target, "reward": reward}


def reference(prob, target, reward):
    # reward: (batch,) -> (batch, seq) via unsqueeze(-1).repeat(1, seq)
    reward = jnp.repeat(reward[:, None], target.shape[-1], axis=1)
    V = prob.shape[-1]
    prob2 = prob.reshape(-1, V)
    tgt = target.reshape(-1)
    rew = reward.reshape(-1)
    # masked_select with one-hot mask == gather prob at the target index per row
    sel = jnp.take_along_axis(prob2, tgt[:, None], axis=1)[:, 0]
    loss = sel * rew
    loss = -jnp.sum(loss)
    return loss

if __name__ == "__main__":
    import jax
    _d = setup_inputs()
    print(jax.jit(kernel)(*tuple(_d.values())))

</pallas_src>

<mosaic_0001>
#map = affine_map<(d0, d1) -> (0, 0, 0)>
#map1 = affine_map<(d0, d1) -> (0)>
#map2 = affine_map<(d0, d1) -> (0, 0)>
module attributes {stable_mosaic.version = 14 : i64} {
  func.func @_sc_gather(%arg0: i32, %arg1: i32, %arg2: memref<64x16x100000xf32, #tpu.memory_space<hbm>>, %arg3: memref<1024xi32, #tpu.memory_space<hbm>>, %arg4: memref<64xf32, #tpu.memory_space<hbm>>, %arg5: memref<32x128xf32, #tpu.memory_space<hbm>>, %arg6: memref<1024xi32, #tpu.memory_space<vmem>>, %arg7: memref<64xf32, #tpu.memory_space<vmem>>, %arg8: memref<32x128xf32, #tpu.memory_space<vmem>>, %arg9: memref<128xf32, #tpu.memory_space<vmem>>, %arg10: memref<!tpu.dma_semaphore, #tpu.memory_space<semaphore_mem>>) attributes {dimension_semantics = [#tpu.dimension_semantics<core_parallel>, #tpu.dimension_semantics<subcore_parallel>], iteration_bounds = array<i64: 2, 16>, scalar_prefetch = 0 : i64, scratch_operands = 5 : i64, tpu.core_type = #tpu.core_type<sc_vector_subcore>, window_params = [{transform_indices = #map}, {transform_indices = #map1}, {transform_indices = #map1}, {transform_indices = #map2}]} {
    %mul3A = arith.constant 16 : i32
    %mul3A_0 = arith.muli %arg0, %mul3A : i32
    %add3A = arith.addi %mul3A_0, %arg1 : i32
    %mul3A_1 = arith.constant 32 : i32
    %mul3A_2 = arith.muli %add3A, %mul3A_1 : i32
    %multiple_of3A = tpu.assume_multiple %mul3A_2, 32 : i32
    %mul3A_3 = arith.constant 2 : i32
    %mul3A_4 = arith.muli %mul3A_3, %add3A : i32
    "tpu.region"() ({
      %run_scoped3A = tpu.sem_alloc : memref<!tpu.dma_semaphore, #tpu.memory_space<semaphore_mem>>
      tpu.enqueue_dma source(%arg3 : memref<1024xi32, #tpu.memory_space<hbm>>) target(%arg6 : memref<1024xi32, #tpu.memory_space<vmem>>) target_semaphore(%run_scoped3A : memref<!tpu.dma_semaphore, #tpu.memory_space<semaphore_mem>>)
      tpu.wait_dma2 semaphore(%run_scoped3A : memref<!tpu.dma_semaphore, #tpu.memory_space<semaphore_mem>>) src(%arg3 : memref<1024xi32, #tpu.memory_space<hbm>>) dst(%arg6 : memref<1024xi32, #tpu.memory_space<vmem>>)
      tpu.yield
    }) : () -> ()
    "tpu.region"() ({
      %run_scoped3A = tpu.sem_alloc : memref<!tpu.dma_semaphore, #tpu.memory_space<semaphore_mem>>
      tpu.enqueue_dma source(%arg4 : memref<64xf32, #tpu.memory_space<hbm>>) target(%arg7 : memref<64xf32, #tpu.memory_space<vmem>>) target_semaphore(%run_scoped3A : memref<!tpu.dma_semaphore, #tpu.memory_space<semaphore_mem>>)
      tpu.wait_dma2 semaphore(%run_scoped3A : memref<!tpu.dma_semaphore, #tpu.memory_space<semaphore_mem>>) src(%arg4 : memref<64xf32, #tpu.memory_space<hbm>>) dst(%arg7 : memref<64xf32, #tpu.memory_space<vmem>>)
      tpu.yield
    }) : () -> ()
    %iota3A = tpu.iota {dimensions = array<i32: 0>} : vector<16xi32>
    %broadcast_in_dim3A = arith.constant -1 : i32
    %broadcast_in_dim3A_5 = vector.broadcast %broadcast_in_dim3A : i32 to vector<16xi32>
    %add3A_6 = arith.constant 0 : i32
    %add3A_7 = arith.addi %multiple_of3A, %add3A_6 : i32
    %get3A = arith.index_cast %add3A_7 : i32 to index
    %get3A_8 = tpu.vector_load %arg6[%get3A] {strides = array<i32>} : memref<1024xi32, #tpu.memory_space<vmem>>, vector<16xi32>,
    %eq3A = arith.constant 0 : i32
    %eq3A_9 = vector.broadcast %eq3A : i32 to vector<16xi32>
    %eq3A_10 = arith.cmpi eq, %iota3A, %eq3A_9 : vector<16xi32>
    %select_n3A = arith.select %eq3A_10, %get3A_8, %broadcast_in_dim3A_5 : vector<16xi1>, vector<16xi32>
    %reduce_max3A = arith.constant true
    %reduce_max3A_11 = vector.broadcast %reduce_max3A : i1 to vector<16xi1>
    %reduce_max3A_12 = arith.constant -2147483648 : i32
    %reduce_max3A_13 = vector.broadcast %reduce_max3A_12 : i32 to vector<16xi32>
    %reduce_max3A_14 = arith.xori %select_n3A, %reduce_max3A_13 : vector<16xi32>
    %reduce_max3A_15 = tpu.scan <max>, %reduce_max3A_14 masked %reduce_max3A_11 : vector<16xi32>, vector<16xi1> -> vector<16xi32>
    %reduce_max3A_16 = arith.xori %reduce_max3A_15, %reduce_max3A_13 : vector<16xi32>
    %reduce_max3A_17 = vector.extract %reduce_max3A_16[15] : i32 from vector<16xi32>
    %and3A = arith.constant -128 : i32
    %and3A_18 = arith.andi %reduce_max3A_17, %and3A : i32
    %multiple_of3A_19 = tpu.assume_multiple %and3A_18, 128 : i32
    %add3A_20 = arith.constant 0 : i32
    %add3A_21 = arith.addi %mul3A_4, %add3A_20 : i32
    %dma_start3A = arith.constant 0 : i32
    %dma_start3A_22 = arith.constant 0 : i32
    %dma_start3A_23 = arith.constant 0 : i32
    %dma_start3A_24 = tpu.memref_slice %arg8[%dma_start3A_22, %dma_start3A_23] : memref<32x128xf32, #tpu.memory_space<vmem>> -> memref<1x128xf32, #tpu.memory_space<vmem>>
    %dma_start3A_25 = tpu.memref_squeeze %dma_start3A_24 : memref<1x128xf32, #tpu.memory_space<vmem>> -> memref<128xf32, #tpu.memory_space<vmem>>
    %dma_start3A_26 = tpu.memref_slice %arg2[%add3A_21, %dma_start3A, %multiple_of3A_19] : memref<64x16x100000xf32, #tpu.memory_space<hbm>> -> memref<1x1x128xf32, #tpu.memory_space<hbm>>
    %dma_start3A_27 = tpu.memref_squeeze %dma_start3A_26 : memref<1x1x128xf32, #tpu.memory_space<hbm>> -> memref<128xf32, #tpu.memory_space<hbm>>
    %dma_start3A_28 = arith.constant 0 : i32
    %dma_start3A_29 = tpu.memref_slice %arg8[%dma_start3A_22, %dma_start3A_28] : memref<32x128xf32, #tpu.memory_space<vmem>> -> memref<1x128xf32, #tpu.memory_space<vmem>>
    %dma_start3A_30 = tpu.memref_squeeze %dma_start3A_29 : memref<1x128xf32, #tpu.memory_space<vmem>> -> memref<128xf32, #tpu.memory_space<vmem>>
    %dma_start3A_31 = tpu.memref_slice %arg2[%add3A_21, %dma_start3A, %multiple_of3A_19] : memref<64x16x100000xf32, #tpu.memory_space<hbm>> -> memref<1x1x128xf32, #tpu.memory_space<hbm>>
    %dma_start3A_32 = tpu.memref_squeeze %dma_start3A_31 : memref<1x1x128xf32, #tpu.memory_space<hbm>> -> memref<128xf32, #tpu.memory_space<hbm>>
    tpu.enqueue_dma source(%dma_start3A_32 : memref<128xf32, #tpu.memory_space<hbm>>) target(%dma_start3A_30 : memref<128xf32, #tpu.memory_space<vmem>>) target_semaphore(%arg10 : memref<!tpu.dma_semaphore, #tpu.memory_space<semaphore_mem>>)
    %add3A_33 = arith.constant 0 : i32
    %add3A_34 = arith.addi %multiple_of3A, %add3A_33 : i32
    %get3A_35 = arith.index_cast %add3A_34 : i32 to index
    %get3A_36 = tpu.vector_load %arg6[%get3A_35] {strides = array<i32>} : memref<1024xi32, #tpu.memory_space<vmem>>, vector<16xi32>,
    %eq3A_37 = arith.constant 1 : i32
    %eq3A_38 = vector.broadcast %eq3A_37 : i32 to vector<16xi32>
    %eq3A_39 = arith.cmpi eq, %iota3A, %eq3A_38 : vector<16xi32>
    %select_n3A_40 = arith.select %eq3A_39, %get3A_36, %broadcast_in_dim3A_5 : vector<16xi1>, vector<16xi32>
    %reduce_max3A_41 = arith.constant true
    %reduce_max3A_42 = vector.broadcast %reduce_max3A_41 : i1 to vector<16xi1>
    %reduce_max3A_43 = arith.constant -2147483648 : i32
    %reduce_max3A_44 = vector.broadcast %reduce_max3A_43 : i32 to vector<16xi32>
    %reduce_max3A_45 = arith.xori %select_n3A_40, %reduce_max3A_44 : vector<16xi32>
    %reduce_max3A_46 = tpu.scan <max>, %reduce_max3A_45 masked %reduce_max3A_42 : vector<16xi32>, vector<16xi1> -> vector<16xi32>
    %reduce_max3A_47 = arith.xori %reduce_max3A_46, %reduce_max3A_44 : vector<16xi32>
    %reduce_max3A_48 = vector.extract %reduce_max3A_47[15] : i32 from vector<16xi32>
    %and3A_49 = arith.constant -128 : i32
    %and3A_50 = arith.andi %reduce_max3A_48, %and3A_49 : i32
    %multiple_of3A_51 = tpu.assume_multiple %and3A_50, 128 : i32
    %add3A_52 = arith.constant 0 : i32
    %add3A_53 = arith.addi %mul3A_4, %add3A_52 : i32
    %dma_start3A_54 = arith.constant 1 : i32
    %dma_start3A_55 = arith.constant 1 : i32
    %dma_start3A_56 = arith.constant 0 : i32
    %dma_start3A_57 = tpu.memref_slice %arg8[%dma_start3A_55, %dma_start3A_56] : memref<32x128xf32, #tpu.memory_space<vmem>> -> memref<1x128xf32, #tpu.memory_space<vmem>>
    %dma_start3A_58 = tpu.memref_squeeze %dma_start3A_57 : memref<1x128xf32, #tpu.memory_space<vmem>> -> memref<128xf32, #tpu.memory_space<vmem>>
    %dma_start3A_59 = tpu.memref_slice %arg2[%add3A_53, %dma_start3A_54, %multiple_of3A_51] : memref<64x16x100000xf32, #tpu.memory_space<hbm>> -> memref<1x1x128xf32, #tpu.memory_space<hbm>>
    %dma_start3A_60 = tpu.memref_squeeze %dma_start3A_59 : memref<1x1x128xf32, #tpu.memory_space<hbm>> -> memref<128xf32, #tpu.memory_space<hbm>>
    %dma_start3A_61 = arith.constant 0 : i32
    %dma_start3A_62 = tpu.memref_slice %arg8[%dma_start3A_55, %dma_start3A_61] : memref<32x128xf32, #tpu.memory_space<vmem>> -> memref<1x128xf32, #tpu.memory_space<vmem>>
    %dma_start3A_63 = tpu.memref_squeeze %dma_start3A_62 : memref<1x128xf32, #tpu.memory_space<vmem>> -> memref<128xf32, #tpu.memory_space<vmem>>
    %dma_start3A_64 = tpu.memref_slice %arg2[%add3A_53, %dma_start3A_54, %multiple_of3A_51] : memref<64x16x100000xf32, #tpu.memory_space<hbm>> -> memref<1x1x128xf32, #tpu.memory_space<hbm>>
    %dma_start3A_65 = tpu.memref_squeeze %dma_start3A_64 : memref<1x1x128xf32, #tpu.memory_space<hbm>> -> memref<128xf32, #tpu.memory_space<hbm>>
    tpu.enqueue_dma source(%dma_start3A_65 : memref<128xf32, #tpu.memory_space<hbm>>) target(%dma_start3A_63 : memref<128xf32, #tpu.memory_space<vmem>>) target_semaphore(%arg10 : memref<!tpu.dma_semaphore, #tpu.memory_space<semaphore_mem>>)
    %add3A_66 = arith.constant 0 : i32
    %add3A_67 = arith.addi %multiple_of3A, %add3A_66 : i32
    %get3A_68 = arith.index_cast %add3A_67 : i32 to index
    %get3A_69 = tpu.vector_load %arg6[%get3A_68] {strides = array<i32>} : memref<1024xi32, #tpu.memory_space<vmem>>, vector<16xi32>,
    %eq3A_70 = arith.constant 2 : i32
    %eq3A_71 = vector.broadcast %eq3A_70 : i32 to vector<16xi32>
    %eq3A_72 = arith.cmpi eq, %iota3A, %eq3A_71 : vector<16xi32>
    %select_n3A_73 = arith.select %eq3A_72, %get3A_69, %broadcast_in_dim3A_5 : vector<16xi1>, vector<16xi32>
    %reduce_max3A_74 = arith.constant true
    %reduce_max3A_75 = vector.broadcast %reduce_max3A_74 : i1 to vector<16xi1>
    %reduce_max3A_76 = arith.constant -2147483648 : i32
    %reduce_max3A_77 = vector.broadcast %reduce_max3A_76 : i32 to vector<16xi32>
    %reduce_max3A_78 = arith.xori %select_n3A_73, %reduce_max3A_77 : vector<16xi32>
    %reduce_max3A_79 = tpu.scan <max>, %reduce_max3A_78 masked %reduce_max3A_75 : vector<16xi32>, vector<16xi1> -> vector<16xi32>
    %reduce_max3A_80 = arith.xori %reduce_max3A_79, %reduce_max3A_77 : vector<16xi32>
    %reduce_max3A_81 = vector.extract %reduce_max3A_80[15] : i32 from vector<16xi32>
    %and3A_82 = arith.constant -128 : i32
    %and3A_83 = arith.andi %reduce_max3A_81, %and3A_82 : i32
    %multiple_of3A_84 = tpu.assume_multiple %and3A_83, 128 : i32
    %add3A_85 = arith.constant 0 : i32
    %add3A_86 = arith.addi %mul3A_4, %add3A_85 : i32
    %dma_start3A_87 = arith.constant 2 : i32
    %dma_start3A_88 = arith.constant 2 : i32
    %dma_start3A_89 = arith.constant 0 : i32
    %dma_start3A_90 = tpu.memref_slice %arg8[%dma_start3A_88, %dma_start3A_89] : memref<32x128xf32, #tpu.memory_space<vmem>> -> memref<1x128xf32, #tpu.memory_space<vmem>>
    %dma_start3A_91 = tpu.memref_squeeze %dma_start3A_90 : memref<1x128xf32, #tpu.memory_space<vmem>> -> memref<128xf32, #tpu.memory_space<vmem>>
    %dma_start3A_92 = tpu.memref_slice %arg2[%add3A_86, %dma_start3A_87, %multiple_of3A_84] : memref<64x16x100000xf32, #tpu.memory_space<hbm>> -> memref<1x1x128xf32, #tpu.memory_space<hbm>>
    %dma_start3A_93 = tpu.memref_squeeze %dma_start3A_92 : memref<1x1x128xf32, #tpu.memory_space<hbm>> -> memref<128xf32, #tpu.memory_space<hbm>>
    %dma_start3A_94 = arith.constant 0 : i32
    %dma_start3A_95 = tpu.memref_slice %arg8[%dma_start3A_88, %dma_start3A_94] : memref<32x128xf32, #tpu.memory_space<vmem>> -> memref<1x128xf32, #tpu.memory_space<vmem>>
    %dma_start3A_96 = tpu.memref_squeeze %dma_start3A_95 : memref<1x128xf32, #tpu.memory_space<vmem>> -> memref<128xf32, #tpu.memory_space<vmem>>
    %dma_start3A_97 = tpu.memref_slice %arg2[%add3A_86, %dma_start3A_87, %multiple_of3A_84] : memref<64x16x100000xf32, #tpu.memory_space<hbm>> -> memref<1x1x128xf32, #tpu.memory_space<hbm>>
    %dma_start3A_98 = tpu.memref_squeeze %dma_start3A_97 : memref<1x1x128xf32, #tpu.memory_space<hbm>> -> memref<128xf32, #tpu.memory_space<hbm>>
    tpu.enqueue_dma source(%dma_start3A_98 : memref<128xf32, #tpu.memory_space<hbm>>) target(%dma_start3A_96 : memref<128xf32, #tpu.memory_space<vmem>>) target_semaphore(%arg10 : memref<!tpu.dma_semaphore, #tpu.memory_space<semaphore_mem>>)
    %add3A_99 = arith.constant 0 : i32
    %add3A_100 = arith.addi %multiple_of3A, %add3A_99 : i32
    %get3A_101 = arith.index_cast %add3A_100 : i32 to index
    %get3A_102 = tpu.vector_load %arg6[%get3A_101] {strides = array<i32>} : memref<1024xi32, #tpu.memory_space<vmem>>, vector<16xi32>,
    %eq3A_103 = arith.constant 3 : i32
    %eq3A_104 = vector.broadcast %eq3A_103 : i32 to vector<16xi32>
    %eq3A_105 = arith.cmpi eq, %iota3A, %eq3A_104 : vector<16xi32>
    %select_n3A_106 = arith.select %eq3A_105, %get3A_102, %broadcast_in_dim3A_5 : vector<16xi1>, vector<16xi32>
    %reduce_max3A_107 = arith.constant true
    %reduce_max3A_108 = vector.broadcast %reduce_max3A_107 : i1 to vector<16xi1>
    %reduce_max3A_109 = arith.constant -2147483648 : i32
    %reduce_max3A_110 = vector.broadcast %reduce_max3A_109 : i32 to vector<16xi32>
    %reduce_max3A_111 = arith.xori %select_n3A_106, %reduce_max3A_110 : vector<16xi32>
    %reduce_max3A_112 = tpu.scan <max>, %reduce_max3A_111 masked %reduce_max3A_108 : vector<16xi32>, vector<16xi1> -> vector<16xi32>
    %reduce_max3A_113 = arith.xori %reduce_max3A_112, %reduce_max3A_110 : vector<16xi32>
    %reduce_max3A_114 = vector.extract %reduce_max3A_113[15] : i32 from vector<16xi32>
    %and3A_115 = arith.constant -128 : i32
    %and3A_116 = arith.andi %reduce_max3A_114, %and3A_115 : i32
    %multiple_of3A_117 = tpu.assume_multiple %and3A_116, 128 : i32
    %add3A_118 = arith.constant 0 : i32
    %add3A_119 = arith.addi %mul3A_4, %add3A_118 : i32
    %dma_start3A_120 = arith.constant 3 : i32
    %dma_start3A_121 = arith.constant 3 : i32
    %dma_start3A_122 = arith.constant 0 : i32
    %dma_start3A_123 = tpu.memref_slice %arg8[%dma_start3A_121, %dma_start3A_122] : memref<32x128xf32, #tpu.memory_space<vmem>> -> memref<1x128xf32, #tpu.memory_space<vmem>>
    %dma_start3A_124 = tpu.memref_squeeze %dma_start3A_123 : memref<1x128xf32, #tpu.memory_space<vmem>> -> memref<128xf32, #tpu.memory_space<vmem>>
    %dma_start3A_125 = tpu.memref_slice %arg2[%add3A_119, %dma_start3A_120, %multiple_of3A_117] : memref<64x16x100000xf32, #tpu.memory_space<hbm>> -> memref<1x1x128xf32, #tpu.memory_space<hbm>>
    %dma_start3A_126 = tpu.memref_squeeze %dma_start3A_125 : memref<1x1x128xf32, #tpu.memory_space<hbm>> -> memref<128xf32, #tpu.memory_space<hbm>>
    %dma_start3A_127 = arith.constant 0 : i32
    %dma_start3A_128 = tpu.memref_slice %arg8[%dma_start3A_121, %dma_start3A_127] : memref<32x128xf32, #tpu.memory_space<vmem>> -> memref<1x128xf32, #tpu.memory_space<vmem>>
    %dma_start3A_129 = tpu.memref_squeeze %dma_start3A_128 : memref<1x128xf32, #tpu.memory_space<vmem>> -> memref<128xf32, #tpu.memory_space<vmem>>
    %dma_start3A_130 = tpu.memref_slice %arg2[%add3A_119, %dma_start3A_120, %multiple_of3A_117] : memref<64x16x100000xf32, #tpu.memory_space<hbm>> -> memref<1x1x128xf32, #tpu.memory_space<hbm>>
    %dma_start3A_131 = tpu.memref_squeeze %dma_start3A_130 : memref<1x1x128xf32, #tpu.memory_space<hbm>> -> memref<128xf32, #tpu.memory_space<hbm>>
    tpu.enqueue_dma source(%dma_start3A_131 : memref<128xf32, #tpu.memory_space<hbm>>) target(%dma_start3A_129 : memref<128xf32, #tpu.memory_space<vmem>>) target_semaphore(%arg10 : memref<!tpu.dma_semaphore, #tpu.memory_space<semaphore_mem>>)
    %add3A_132 = arith.constant 0 : i32
    %add3A_133 = arith.addi %multiple_of3A, %add3A_132 : i32
    %get3A_134 = arith.index_cast %add3A_133 : i32 to index
    %get3A_135 = tpu.vector_load %arg6[%get3A_134] {strides = array<i32>} : memref<1024xi32, #tpu.memory_space<vmem>>, vector<16xi32>,
    %eq3A_136 = arith.constant 4 : i32
    %eq3A_137 = vector.broadcast %eq3A_136 : i32 to vector<16xi32>
    %eq3A_138 = arith.cmpi eq, %iota3A, %eq3A_137 : vector<16xi32>
    %select_n3A_139 = arith.select %eq3A_138, %get3A_135, %broadcast_in_dim3A_5 : vector<16xi1>, vector<16xi32>
    %reduce_max3A_140 = arith.constant true
    %reduce_max3A_141 = vector.broadcast %reduce_max3A_140 : i1 to vector<16xi1>
    %reduce_max3A_142 = arith.constant -2147483648 : i32
    %reduce_max3A_143 = vector.broadcast %reduce_max3A_142 : i32 to vector<16xi32>
    %reduce_max3A_144 = arith.xori %select_n3A_139, %reduce_max3A_143 : vector<16xi32>
    %reduce_max3A_145 = tpu.scan <max>, %reduce_max3A_144 masked %reduce_max3A_141 : vector<16xi32>, vector<16xi1> -> vector<16xi32>
    %reduce_max3A_146 = arith.xori %reduce_max3A_145, %reduce_max3A_143 : vector<16xi32>
    %reduce_max3A_147 = vector.extract %reduce_max3A_146[15] : i32 from vector<16xi32>
    %and3A_148 = arith.constant -128 : i32
    %and3A_149 = arith.andi %reduce_max3A_147, %and3A_148 : i32
    %multiple_of3A_150 = tpu.assume_multiple %and3A_149, 128 : i32
    %add3A_151 = arith.constant 0 : i32
    %add3A_152 = arith.addi %mul3A_4, %add3A_151 : i32
    %dma_start3A_153 = arith.constant 4 : i32
    %dma_start3A_154 = arith.constant 4 : i32
    %dma_start3A_155 = arith.constant 0 : i32
    %dma_start3A_156 = tpu.memref_slice %arg8[%dma_start3A_154, %dma_start3A_155] : memref<32x128xf32, #tpu.memory_space<vmem>> -> memref<1x128xf32, #tpu.memory_space<vmem>>
    %dma_start3A_157 = tpu.memref_squeeze %dma_start3A_156 : memref<1x128xf32, #tpu.memory_space<vmem>> -> memref<128xf32, #tpu.memory_space<vmem>>
    %dma_start3A_158 = tpu.memref_slice %arg2[%add3A_152, %dma_start3A_153, %multiple_of3A_150] : memref<64x16x100000xf32, #tpu.memory_space<hbm>> -> memref<1x1x128xf32, #tpu.memory_space<hbm>>
    %dma_start3A_159 = tpu.memref_squeeze %dma_start3A_158 : memref<1x1x128xf32, #tpu.memory_space<hbm>> -> memref<128xf32, #tpu.memory_space<hbm>>
    %dma_start3A_160 = arith.constant 0 : i32
    %dma_start3A_161 = tpu.memref_slice %arg8[%dma_start3A_154, %dma_start3A_160] : memref<32x128xf32, #tpu.memory_space<vmem>> -> memref<1x128xf32, #tpu.memory_space<vmem>>
    %dma_start3A_162 = tpu.memref_squeeze %dma_start3A_161 : memref<1x128xf32, #tpu.memory_space<vmem>> -> memref<128xf32, #tpu.memory_space<vmem>>
    %dma_start3A_163 = tpu.memref_slice %arg2[%add3A_152, %dma_start3A_153, %multiple_of3A_150] : memref<64x16x100000xf32, #tpu.memory_space<hbm>> -> memref<1x1x128xf32, #tpu.memory_space<hbm>>
    %dma_start3A_164 = tpu.memref_squeeze %dma_start3A_163 : memref<1x1x128xf32, #tpu.memory_space<hbm>> -> memref<128xf32, #tpu.memory_space<hbm>>
    tpu.enqueue_dma source(%dma_start3A_164 : memref<128xf32, #tpu.memory_space<hbm>>) target(%dma_start3A_162 : memref<128xf32, #tpu.memory_space<vmem>>) target_semaphore(%arg10 : memref<!tpu.dma_semaphore, #tpu.memory_space<semaphore_mem>>)
    %add3A_165 = arith.constant 0 : i32
    %add3A_166 = arith.addi %multiple_of3A, %add3A_165 : i32
    %get3A_167 = arith.index_cast %add3A_166 : i32 to index
    %get3A_168 = tpu.vector_load %arg6[%get3A_167] {strides = array<i32>} : memref<1024xi32, #tpu.memory_space<vmem>>, vector<16xi32>,
    %eq3A_169 = arith.constant 5 : i32
    %eq3A_170 = vector.broadcast %eq3A_169 : i32 to vector<16xi32>
    %eq3A_171 = arith.cmpi eq, %iota3A, %eq3A_170 : vector<16xi32>
    %select_n3A_172 = arith.select %eq3A_171, %get3A_168, %broadcast_in_dim3A_5 : vector<16xi1>, vector<16xi32>
    %reduce_max3A_173 = arith.constant true
    %reduce_max3A_174 = vector.broadcast %reduce_max3A_173 : i1 to vector<16xi1>
    %reduce_max3A_175 = arith.constant -2147483648 : i32
    %reduce_max3A_176 = vector.broadcast %reduce_max3A_175 : i32 to vector<16xi32>
    %reduce_max3A_177 = arith.xori %select_n3A_172, %reduce_max3A_176 : vector<16xi32>
    %reduce_max3A_178 = tpu.scan <max>, %reduce_max3A_177 masked %reduce_max3A_174 : vector<16xi32>, vector<16xi1> -> vector<16xi32>
    %reduce_max3A_179 = arith.xori %reduce_max3A_178, %reduce_max3A_176 : vector<16xi32>
    %reduce_max3A_180 = vector.extract %reduce_max3A_179[15] : i32 from vector<16xi32>
    %and3A_181 = arith.constant -128 : i32
    %and3A_182 = arith.andi %reduce_max3A_180, %and3A_181 : i32
    %multiple_of3A_183 = tpu.assume_multiple %and3A_182, 128 : i32
    %add3A_184 = arith.constant 0 : i32
    %add3A_185 = arith.addi %mul3A_4, %add3A_184 : i32
    %dma_start3A_186 = arith.constant 5 : i32
    %dma_start3A_187 = arith.constant 5 : i32
    %dma_start3A_188 = arith.constant 0 : i32
    %dma_start3A_189 = tpu.memref_slice %arg8[%dma_start3A_187, %dma_start3A_188] : memref<32x128xf32, #tpu.memory_space<vmem>> -> memref<1x128xf32, #tpu.memory_space<vmem>>
    %dma_start3A_190 = tpu.memref_squeeze %dma_start3A_189 : memref<1x128xf32, #tpu.memory_space<vmem>> -> memref<128xf32, #tpu.memory_space<vmem>>
    %dma_start3A_191 = tpu.memref_slice %arg2[%add3A_185, %dma_start3A_186, %multiple_of3A_183] : memref<64x16x100000xf32, #tpu.memory_space<hbm>> -> memref<1x1x128xf32, #tpu.memory_space<hbm>>
    %dma_start3A_192 = tpu.memref_squeeze %dma_start3A_191 : memref<1x1x128xf32, #tpu.memory_space<hbm>> -> memref<128xf32, #tpu.memory_space<hbm>>
    %dma_start3A_193 = arith.constant 0 : i32
    %dma_start3A_194 = tpu.memref_slice %arg8[%dma_start3A_187, %dma_start3A_193] : memref<32x128xf32, #tpu.memory_space<vmem>> -> memref<1x128xf32, #tpu.memory_space<vmem>>
    %dma_start3A_195 = tpu.memref_squeeze %dma_start3A_194 : memref<1x128xf32, #tpu.memory_space<vmem>> -> memref<128xf32, #tpu.memory_space<vmem>>
    %dma_start3A_196 = tpu.memref_slice %arg2[%add3A_185, %dma_start3A_186, %multiple_of3A_183] : memref<64x16x100000xf32, #tpu.memory_space<hbm>> -> memref<1x1x128xf32, #tpu.memory_space<hbm>>
    %dma_start3A_197 = tpu.memref_squeeze %dma_start3A_196 : memref<1x1x128xf32, #tpu.memory_space<hbm>> -> memref<128xf32, #tpu.memory_space<hbm>>
    tpu.enqueue_dma source(%dma_start3A_197 : memref<128xf32, #tpu.memory_space<hbm>>) target(%dma_start3A_195 : memref<128xf32, #tpu.memory_space<vmem>>) target_semaphore(%arg10 : memref<!tpu.dma_semaphore, #tpu.memory_space<semaphore_mem>>)
    %add3A_198 = arith.constant 0 : i32
    %add3A_199 = arith.addi %multiple_of3A, %add3A_198 : i32
    %get3A_200 = arith.index_cast %add3A_199 : i32 to index
    %get3A_201 = tpu.vector_load %arg6[%get3A_200] {strides = array<i32>} : memref<1024xi32, #tpu.memory_space<vmem>>, vector<16xi32>,
    %eq3A_202 = arith.constant 6 : i32
    %eq3A_203 = vector.broadcast %eq3A_202 : i32 to vector<16xi32>
    %eq3A_204 = arith.cmpi eq, %iota3A, %eq3A_203 : vector<16xi32>
    %select_n3A_205 = arith.select %eq3A_204, %get3A_201, %broadcast_in_dim3A_5 : vector<16xi1>, vector<16xi32>
    %reduce_max3A_206 = arith.constant true
    %reduce_max3A_207 = vector.broadcast %reduce_max3A_206 : i1 to vector<16xi1>
    %reduce_max3A_208 = arith.constant -2147483648 : i32
    %reduce_max3A_209 = vector.broadcast %reduce_max3A_208 : i32 to vector<16xi32>
    %reduce_max3A_210 = arith.xori %select_n3A_205, %reduce_max3A_209 : vector<16xi32>
    %reduce_max3A_211 = tpu.scan <max>, %reduce_max3A_210 masked %reduce_max3A_207 : vector<16xi32>, vector<16xi1> -> vector<16xi32>
    %reduce_max3A_212 = arith.xori %reduce_max3A_211, %reduce_max3A_209 : vector<16xi32>
    %reduce_max3A_213 = vector.extract %reduce_max3A_212[15] : i32 from vector<16xi32>
    %and3A_214 = arith.constant -128 : i32
    %and3A_215 = arith.andi %reduce_max3A_213, %and3A_214 : i32
    %multiple_of3A_216 = tpu.assume_multiple %and3A_215, 128 : i32
    %add3A_217 = arith.constant 0 : i32
    %add3A_218 = arith.addi %mul3A_4, %add3A_217 : i32
    %dma_start3A_219 = arith.constant 6 : i32
    %dma_start3A_220 = arith.constant 6 : i32
    %dma_start3A_221 = arith.constant 0 : i32
    %dma_start3A_222 = tpu.memref_slice %arg8[%dma_start3A_220, %dma_start3A_221] : memref<32x128xf32, #tpu.memory_space<vmem>> -> memref<1x128xf32, #tpu.memory_space<vmem>>
    %dma_start3A_223 = tpu.memref_squeeze %dma_start3A_222 : memref<1x128xf32, #tpu.memory_space<vmem>> -> memref<128xf32, #tpu.memory_space<vmem>>
    %dma_start3A_224 = tpu.memref_slice %arg2[%add3A_218, %dma_start3A_219, %multiple_of3A_216] : memref<64x16x100000xf32, #tpu.memory_space<hbm>> -> memref<1x1x128xf32, #tpu.memory_space<hbm>>
    %dma_start3A_225 = tpu.memref_squeeze %dma_start3A_224 : memref<1x1x128xf32, #tpu.memory_space<hbm>> -> memref<128xf32, #tpu.memory_space<hbm>>
    %dma_start3A_226 = arith.constant 0 : i32
    %dma_start3A_227 = tpu.memref_slice %arg8[%dma_start3A_220, %dma_start3A_226] : memref<32x128xf32, #tpu.memory_space<vmem>> -> memref<1x128xf32, #tpu.memory_space<vmem>>
    %dma_start3A_228 = tpu.memref_squeeze %dma_start3A_227 : memref<1x128xf32, #tpu.memory_space<vmem>> -> memref<128xf32, #tpu.memory_space<vmem>>
    %dma_start3A_229 = tpu.memref_slice %arg2[%add3A_218, %dma_start3A_219, %multiple_of3A_216] : memref<64x16x100000xf32, #tpu.memory_space<hbm>> -> memref<1x1x128xf32, #tpu.memory_space<hbm>>
    %dma_start3A_230 = tpu.memref_squeeze %dma_start3A_229 : memref<1x1x128xf32, #tpu.memory_space<hbm>> -> memref<128xf32, #tpu.memory_space<hbm>>
    tpu.enqueue_dma source(%dma_start3A_230 : memref<128xf32, #tpu.memory_space<hbm>>) target(%dma_start3A_228 : memref<128xf32, #tpu.memory_space<vmem>>) target_semaphore(%arg10 : memref<!tpu.dma_semaphore, #tpu.memory_space<semaphore_mem>>)
    %add3A_231 = arith.constant 0 : i32
    %add3A_232 = arith.addi %multiple_of3A, %add3A_231 : i32
    %get3A_233 = arith.index_cast %add3A_232 : i32 to index
    %get3A_234 = tpu.vector_load %arg6[%get3A_233] {strides = array<i32>} : memref<1024xi32, #tpu.memory_space<vmem>>, vector<16xi32>,
    %eq3A_235 = arith.constant 7 : i32
    %eq3A_236 = vector.broadcast %eq3A_235 : i32 to vector<16xi32>
    %eq3A_237 = arith.cmpi eq, %iota3A, %eq3A_236 : vector<16xi32>
    %select_n3A_238 = arith.select %eq3A_237, %get3A_234, %broadcast_in_dim3A_5 : vector<16xi1>, vector<16xi32>
    %reduce_max3A_239 = arith.constant true
    %reduce_max3A_240 = vector.broadcast %reduce_max3A_239 : i1 to vector<16xi1>
    %reduce_max3A_241 = arith.constant -2147483648 : i32
    %reduce_max3A_242 = vector.broadcast %reduce_max3A_241 : i32 to vector<16xi32>
    %reduce_max3A_243 = arith.xori %select_n3A_238, %reduce_max3A_242 : vector<16xi32>
    %reduce_max3A_244 = tpu.scan <max>, %reduce_max3A_243 masked %reduce_max3A_240 : vector<16xi32>, vector<16xi1> -> vector<16xi32>
    %reduce_max3A_245 = arith.xori %reduce_max3A_244, %reduce_max3A_242 : vector<16xi32>
    %reduce_max3A_246 = vector.extract %reduce_max3A_245[15] : i32 from vector<16xi32>
    %and3A_247 = arith.constant -128 : i32
    %and3A_248 = arith.andi %reduce_max3A_246, %and3A_247 : i32
    %multiple_of3A_249 = tpu.assume_multiple %and3A_248, 128 : i32
    %add3A_250 = arith.constant 0 : i32
    %add3A_251 = arith.addi %mul3A_4, %add3A_250 : i32
    %dma_start3A_252 = arith.constant 7 : i32
    %dma_start3A_253 = arith.constant 7 : i32
    %dma_start3A_254 = arith.constant 0 : i32
    %dma_start3A_255 = tpu.memref_slice %arg8[%dma_start3A_253, %dma_start3A_254] : memref<32x128xf32, #tpu.memory_space<vmem>> -> memref<1x128xf32, #tpu.memory_space<vmem>>
    %dma_start3A_256 = tpu.memref_squeeze %dma_start3A_255 : memref<1x128xf32, #tpu.memory_space<vmem>> -> memref<128xf32, #tpu.memory_space<vmem>>
    %dma_start3A_257 = tpu.memref_slice %arg2[%add3A_251, %dma_start3A_252, %multiple_of3A_249] : memref<64x16x100000xf32, #tpu.memory_space<hbm>> -> memref<1x1x128xf32, #tpu.memory_space<hbm>>
    %dma_start3A_258 = tpu.memref_squeeze %dma_start3A_257 : memref<1x1x128xf32, #tpu.memory_space<hbm>> -> memref<128xf32, #tpu.memory_space<hbm>>
    %dma_start3A_259 = arith.constant 0 : i32
    %dma_start3A_260 = tpu.memref_slice %arg8[%dma_start3A_253, %dma_start3A_259] : memref<32x128xf32, #tpu.memory_space<vmem>> -> memref<1x128xf32, #tpu.memory_space<vmem>>
    %dma_start3A_261 = tpu.memref_squeeze %dma_start3A_260 : memref<1x128xf32, #tpu.memory_space<vmem>> -> memref<128xf32, #tpu.memory_space<vmem>>
    %dma_start3A_262 = tpu.memref_slice %arg2[%add3A_251, %dma_start3A_252, %multiple_of3A_249] : memref<64x16x100000xf32, #tpu.memory_space<hbm>> -> memref<1x1x128xf32, #tpu.memory_space<hbm>>
    %dma_start3A_263 = tpu.memref_squeeze %dma_start3A_262 : memref<1x1x128xf32, #tpu.memory_space<hbm>> -> memref<128xf32, #tpu.memory_space<hbm>>
    tpu.enqueue_dma source(%dma_start3A_263 : memref<128xf32, #tpu.memory_space<hbm>>) target(%dma_start3A_261 : memref<128xf32, #tpu.memory_space<vmem>>) target_semaphore(%arg10 : memref<!tpu.dma_semaphore, #tpu.memory_space<semaphore_mem>>)
    %add3A_264 = arith.constant 0 : i32
    %add3A_265 = arith.addi %multiple_of3A, %add3A_264 : i32
    %get3A_266 = arith.index_cast %add3A_265 : i32 to index
    %get3A_267 = tpu.vector_load %arg6[%get3A_266] {strides = array<i32>} : memref<1024xi32, #tpu.memory_space<vmem>>, vector<16xi32>,
    %eq3A_268 = arith.constant 8 : i32
    %eq3A_269 = vector.broadcast %eq3A_268 : i32 to vector<16xi32>
    %eq3A_270 = arith.cmpi eq, %iota3A, %eq3A_269 : vector<16xi32>
    %select_n3A_271 = arith.select %eq3A_270, %get3A_267, %broadcast_in_dim3A_5 : vector<16xi1>, vector<16xi32>
    %reduce_max3A_272 = arith.constant true
    %reduce_max3A_273 = vector.broadcast %reduce_max3A_272 : i1 to vector<16xi1>
    %reduce_max3A_274 = arith.constant -2147483648 : i32
    %reduce_max3A_275 = vector.broadcast %reduce_max3A_274 : i32 to vector<16xi32>
    %reduce_max3A_276 = arith.xori %select_n3A_271, %reduce_max3A_275 : vector<16xi32>
    %reduce_max3A_277 = tpu.scan <max>, %reduce_max3A_276 masked %reduce_max3A_273 : vector<16xi32>, vector<16xi1> -> vector<16xi32>
    %reduce_max3A_278 = arith.xori %reduce_max3A_277, %reduce_max3A_275 : vector<16xi32>
    %reduce_max3A_279 = vector.extract %reduce_max3A_278[15] : i32 from vector<16xi32>
    %and3A_280 = arith.constant -128 : i32
    %and3A_281 = arith.andi %reduce_max3A_279, %and3A_280 : i32
    %multiple_of3A_282 = tpu.assume_multiple %and3A_281, 128 : i32
    %add3A_283 = arith.constant 0 : i32
    %add3A_284 = arith.addi %mul3A_4, %add3A_283 : i32
    %dma_start3A_285 = arith.constant 8 : i32
    %dma_start3A_286 = arith.constant 8 : i32
    %dma_start3A_287 = arith.constant 0 : i32
    %dma_start3A_288 = tpu.memref_slice %arg8[%dma_start3A_286, %dma_start3A_287] : memref<32x128xf32, #tpu.memory_space<vmem>> -> memref<1x128xf32, #tpu.memory_space<vmem>>
    %dma_start3A_289 = tpu.memref_squeeze %dma_start3A_288 : memref<1x128xf32, #tpu.memory_space<vmem>> -> memref<128xf32, #tpu.memory_space<vmem>>
    %dma_start3A_290 = tpu.memref_slice %arg2[%add3A_284, %dma_start3A_285, %multiple_of3A_282] : memref<64x16x100000xf32, #tpu.memory_space<hbm>> -> memref<1x1x128xf32, #tpu.memory_space<hbm>>
    %dma_start3A_291 = tpu.memref_squeeze %dma_start3A_290 : memref<1x1x128xf32, #tpu.memory_space<hbm>> -> memref<128xf32, #tpu.memory_space<hbm>>
    %dma_start3A_292 = arith.constant 0 : i32
    %dma_start3A_293 = tpu.memref_slice %arg8[%dma_start3A_286, %dma_start3A_292] : memref<32x128xf32, #tpu.memory_space<vmem>> -> memref<1x128xf32, #tpu.memory_space<vmem>>
    %dma_start3A_294 = tpu.memref_squeeze %dma_start3A_293 : memref<1x128xf32, #tpu.memory_space<vmem>> -> memref<128xf32, #tpu.memory_space<vmem>>
    %dma_start3A_295 = tpu.memref_slice %arg2[%add3A_284, %dma_start3A_285, %multiple_of3A_282] : memref<64x16x100000xf32, #tpu.memory_space<hbm>> -> memref<1x1x128xf32, #tpu.memory_space<hbm>>
    %dma_start3A_296 = tpu.memref_squeeze %dma_start3A_295 : memref<1x1x128xf32, #tpu.memory_space<hbm>> -> memref<128xf32, #tpu.memory_space<hbm>>
    tpu.enqueue_dma source(%dma_start3A_296 : memref<128xf32, #tpu.memory_space<hbm>>) target(%dma_start3A_294 : memref<128xf32, #tpu.memory_space<vmem>>) target_semaphore(%arg10 : memref<!tpu.dma_semaphore, #tpu.memory_space<semaphore_mem>>)
    %add3A_297 = arith.constant 0 : i32
    %add3A_298 = arith.addi %multiple_of3A, %add3A_297 : i32
    %get3A_299 = arith.index_cast %add3A_298 : i32 to index
    %get3A_300 = tpu.vector_load %arg6[%get3A_299] {strides = array<i32>} : memref<1024xi32, #tpu.memory_space<vmem>>, vector<16xi32>,
    %eq3A_301 = arith.constant 9 : i32
    %eq3A_302 = vector.broadcast %eq3A_301 : i32 to vector<16xi32>
    %eq3A_303 = arith.cmpi eq, %iota3A, %eq3A_302 : vector<16xi32>
    %select_n3A_304 = arith.select %eq3A_303, %get3A_300, %broadcast_in_dim3A_5 : vector<16xi1>, vector<16xi32>
    %reduce_max3A_305 = arith.constant true
    %reduce_max3A_306 = vector.broadcast %reduce_max3A_305 : i1 to vector<16xi1>
    %reduce_max3A_307 = arith.constant -2147483648 : i32
    %reduce_max3A_308 = vector.broadcast %reduce_max3A_307 : i32 to vector<16xi32>
    %reduce_max3A_309 = arith.xori %select_n3A_304, %reduce_max3A_308 : vector<16xi32>
    %reduce_max3A_310 = tpu.scan <max>, %reduce_max3A_309 masked %reduce_max3A_306 : vector<16xi32>, vector<16xi1> -> vector<16xi32>
    %reduce_max3A_311 = arith.xori %reduce_max3A_310, %reduce_max3A_308 : vector<16xi32>
    %reduce_max3A_312 = vector.extract %reduce_max3A_311[15] : i32 from vector<16xi32>
    %and3A_313 = arith.constant -128 : i32
    %and3A_314 = arith.andi %reduce_max3A_312, %and3A_313 : i32
    %multiple_of3A_315 = tpu.assume_multiple %and3A_314, 128 : i32
    %add3A_316 = arith.constant 0 : i32
    %add3A_317 = arith.addi %mul3A_4, %add3A_316 : i32
    %dma_start3A_318 = arith.constant 9 : i32
    %dma_start3A_319 = arith.constant 9 : i32
    %dma_start3A_320 = arith.constant 0 : i32
    %dma_start3A_321 = tpu.memref_slice %arg8[%dma_start3A_319, %dma_start3A_320] : memref<32x128xf32, #tpu.memory_space<vmem>> -> memref<1x128xf32, #tpu.memory_space<vmem>>
    %dma_start3A_322 = tpu.memref_squeeze %dma_start3A_321 : memref<1x128xf32, #tpu.memory_space<vmem>> -> memref<128xf32, #tpu.memory_space<vmem>>
    %dma_start3A_323 = tpu.memref_slice %arg2[%add3A_317, %dma_start3A_318, %multiple_of3A_315] : memref<64x16x100000xf32, #tpu.memory_space<hbm>> -> memref<1x1x128xf32, #tpu.memory_space<hbm>>
    %dma_start3A_324 = tpu.memref_squeeze %dma_start3A_323 : memref<1x1x128xf32, #tpu.memory_space<hbm>> -> memref<128xf32, #tpu.memory_space<hbm>>
    %dma_start3A_325 = arith.constant 0 : i32
    %dma_start3A_326 = tpu.memref_slice %arg8[%dma_start3A_319, %dma_start3A_325] : memref<32x128xf32, #tpu.memory_space<vmem>> -> memref<1x128xf32, #tpu.memory_space<vmem>>
    %dma_start3A_327 = tpu.memref_squeeze %dma_start3A_326 : memref<1x128xf32, #tpu.memory_space<vmem>> -> memref<128xf32, #tpu.memory_space<vmem>>
    %dma_start3A_328 = tpu.memref_slice %arg2[%add3A_317, %dma_start3A_318, %multiple_of3A_315] : memref<64x16x100000xf32, #tpu.memory_space<hbm>> -> memref<1x1x128xf32, #tpu.memory_space<hbm>>
    %dma_start3A_329 = tpu.memref_squeeze %dma_start3A_328 : memref<1x1x128xf32, #tpu.memory_space<hbm>> -> memref<128xf32, #tpu.memory_space<hbm>>
    tpu.enqueue_dma source(%dma_start3A_329 : memref<128xf32, #tpu.memory_space<hbm>>) target(%dma_start3A_327 : memref<128xf32, #tpu.memory_space<vmem>>) target_semaphore(%arg10 : memref<!tpu.dma_semaphore, #tpu.memory_space<semaphore_mem>>)
    %add3A_330 = arith.constant 0 : i32
    %add3A_331 = arith.addi %multiple_of3A, %add3A_330 : i32
    %get3A_332 = arith.index_cast %add3A_331 : i32 to index
    %get3A_333 = tpu.vector_load %arg6[%get3A_332] {strides = array<i32>} : memref<1024xi32, #tpu.memory_space<vmem>>, vector<16xi32>,
    %eq3A_334 = arith.constant 10 : i32
    %eq3A_335 = vector.broadcast %eq3A_334 : i32 to vector<16xi32>
    %eq3A_336 = arith.cmpi eq, %iota3A, %eq3A_335 : vector<16xi32>
    %select_n3A_337 = arith.select %eq3A_336, %get3A_333, %broadcast_in_dim3A_5 : vector<16xi1>, vector<16xi32>
    %reduce_max3A_338 = arith.constant true
    %reduce_max3A_339 = vector.broadcast %reduce_max3A_338 : i1 to vector<16xi1>
    %reduce_max3A_340 = arith.constant -2147483648 : i32
    %reduce_max3A_341 = vector.broadcast %reduce_max3A_340 : i32 to vector<16xi32>
    %reduce_max3A_342 = arith.xori %select_n3A_337, %reduce_max3A_341 : vector<16xi32>
    %reduce_max3A_343 = tpu.scan <max>, %reduce_max3A_342 masked %reduce_max3A_339 : vector<16xi32>, vector<16xi1> -> vector<16xi32>
    %reduce_max3A_344 = arith.xori %reduce_max3A_343, %reduce_max3A_341 : vector<16xi32>
    %reduce_max3A_345 = vector.extract %reduce_max3A_344[15] : i32 from vector<16xi32>
    %and3A_346 = arith.constant -128 : i32
    %and3A_347 = arith.andi %reduce_max3A_345, %and3A_346 : i32
    %multiple_of3A_348 = tpu.assume_multiple %and3A_347, 128 : i32
    %add3A_349 = arith.constant 0 : i32
    %add3A_350 = arith.addi %mul3A_4, %add3A_349 : i32
    %dma_start3A_351 = arith.constant 10 : i32
    %dma_start3A_352 = arith.constant 10 : i32
    %dma_start3A_353 = arith.constant 0 : i32
    %dma_start3A_354 = tpu.memref_slice %arg8[%dma_start3A_352, %dma_start3A_353] : memref<32x128xf32, #tpu.memory_space<vmem>> -> memref<1x128xf32, #tpu.memory_space<vmem>>
    %dma_start3A_355 = tpu.memref_squeeze %dma_start3A_354 : memref<1x128xf32, #tpu.memory_space<vmem>> -> memref<128xf32, #tpu.memory_space<vmem>>
    %dma_start3A_356 = tpu.memref_slice %arg2[%add3A_350, %dma_start3A_351, %multiple_of3A_348] : memref<64x16x100000xf32, #tpu.memory_space<hbm>> -> memref<1x1x128xf32, #tpu.memory_space<hbm>>
    %dma_start3A_357 = tpu.memref_squeeze %dma_start3A_356 : memref<1x1x128xf32, #tpu.memory_space<hbm>> -> memref<128xf32, #tpu.memory_space<hbm>>
    %dma_start3A_358 = arith.constant 0 : i32
    %dma_start3A_359 = tpu.memref_slice %arg8[%dma_start3A_352, %dma_start3A_358] : memref<32x128xf32, #tpu.memory_space<vmem>> -> memref<1x128xf32, #tpu.memory_space<vmem>>
    %dma_start3A_360 = tpu.memref_squeeze %dma_start3A_359 : memref<1x128xf32, #tpu.memory_space<vmem>> -> memref<128xf32, #tpu.memory_space<vmem>>
    %dma_start3A_361 = tpu.memref_slice %arg2[%add3A_350, %dma_start3A_351, %multiple_of3A_348] : memref<64x16x100000xf32, #tpu.memory_space<hbm>> -> memref<1x1x128xf32, #tpu.memory_space<hbm>>
    %dma_start3A_362 = tpu.memref_squeeze %dma_start3A_361 : memref<1x1x128xf32, #tpu.memory_space<hbm>> -> memref<128xf32, #tpu.memory_space<hbm>>
    tpu.enqueue_dma source(%dma_start3A_362 : memref<128xf32, #tpu.memory_space<hbm>>) target(%dma_start3A_360 : memref<128xf32, #tpu.memory_space<vmem>>) target_semaphore(%arg10 : memref<!tpu.dma_semaphore, #tpu.memory_space<semaphore_mem>>)
    %add3A_363 = arith.constant 0 : i32
    %add3A_364 = arith.addi %multiple_of3A, %add3A_363 : i32
    %get3A_365 = arith.index_cast %add3A_364 : i32 to index
    %get3A_366 = tpu.vector_load %arg6[%get3A_365] {strides = array<i32>} : memref<1024xi32, #tpu.memory_space<vmem>>, vector<16xi32>,
    %eq3A_367 = arith.constant 11 : i32
    %eq3A_368 = vector.broadcast %eq3A_367 : i32 to vector<16xi32>
    %eq3A_369 = arith.cmpi eq, %iota3A, %eq3A_368 : vector<16xi32>
    %select_n3A_370 = arith.select %eq3A_369, %get3A_366, %broadcast_in_dim3A_5 : vector<16xi1>, vector<16xi32>
    %reduce_max3A_371 = arith.constant true
    %reduce_max3A_372 = vector.broadcast %reduce_max3A_371 : i1 to vector<16xi1>
    %reduce_max3A_373 = arith.constant -2147483648 : i32
    %reduce_max3A_374 = vector.broadcast %reduce_max3A_373 : i32 to vector<16xi32>
    %reduce_max3A_375 = arith.xori %select_n3A_370, %reduce_max3A_374 : vector<16xi32>
    %reduce_max3A_376 = tpu.scan <max>, %reduce_max3A_375 masked %reduce_max3A_372 : vector<16xi32>, vector<16xi1> -> vector<16xi32>
    %reduce_max3A_377 = arith.xori %reduce_max3A_376, %reduce_max3A_374 : vector<16xi32>
    %reduce_max3A_378 = vector.extract %reduce_max3A_377[15] : i32 from vector<16xi32>
    %and3A_379 = arith.constant -128 : i32
    %and3A_380 = arith.andi %reduce_max3A_378, %and3A_379 : i32
    %multiple_of3A_381 = tpu.assume_multiple %and3A_380, 128 : i32
    %add3A_382 = arith.constant 0 : i32
    %add3A_383 = arith.addi %mul3A_4, %add3A_382 : i32
    %dma_start3A_384 = arith.constant 11 : i32
    %dma_start3A_385 = arith.constant 11 : i32
    %dma_start3A_386 = arith.constant 0 : i32
    %dma_start3A_387 = tpu.memref_slice %arg8[%dma_start3A_385, %dma_start3A_386] : memref<32x128xf32, #tpu.memory_space<vmem>> -> memref<1x128xf32, #tpu.memory_space<vmem>>
    %dma_start3A_388 = tpu.memref_squeeze %dma_start3A_387 : memref<1x128xf32, #tpu.memory_space<vmem>> -> memref<128xf32, #tpu.memory_space<vmem>>
    %dma_start3A_389 = tpu.memref_slice %arg2[%add3A_383, %dma_start3A_384, %multiple_of3A_381] : memref<64x16x100000xf32, #tpu.memory_space<hbm>> -> memref<1x1x128xf32, #tpu.memory_space<hbm>>
    %dma_start3A_390 = tpu.memref_squeeze %dma_start3A_389 : memref<1x1x128xf32, #tpu.memory_space<hbm>> -> memref<128xf32, #tpu.memory_space<hbm>>
    %dma_start3A_391 = arith.constant 0 : i32
    %dma_start3A_392 = tpu.memref_slice %arg8[%dma_start3A_385, %dma_start3A_391] : memref<32x128xf32, #tpu.memory_space<vmem>> -> memref<1x128xf32, #tpu.memory_space<vmem>>
    %dma_start3A_393 = tpu.memref_squeeze %dma_start3A_392 : memref<1x128xf32, #tpu.memory_space<vmem>> -> memref<128xf32, #tpu.memory_space<vmem>>
    %dma_start3A_394 = tpu.memref_slice %arg2[%add3A_383, %dma_start3A_384, %multiple_of3A_381] : memref<64x16x100000xf32, #tpu.memory_space<hbm>> -> memref<1x1x128xf32, #tpu.memory_space<hbm>>
    %dma_start3A_395 = tpu.memref_squeeze %dma_start3A_394 : memref<1x1x128xf32, #tpu.memory_space<hbm>> -> memref<128xf32, #tpu.memory_space<hbm>>
    tpu.enqueue_dma source(%dma_start3A_395 : memref<128xf32, #tpu.memory_space<hbm>>) target(%dma_start3A_393 : memref<128xf32, #tpu.memory_space<vmem>>) target_semaphore(%arg10 : memref<!tpu.dma_semaphore, #tpu.memory_space<semaphore_mem>>)
    %add3A_396 = arith.constant 0 : i32
    %add3A_397 = arith.addi %multiple_of3A, %add3A_396 : i32
    %get3A_398 = arith.index_cast %add3A_397 : i32 to index
    %get3A_399 = tpu.vector_load %arg6[%get3A_398] {strides = array<i32>} : memref<1024xi32, #tpu.memory_space<vmem>>, vector<16xi32>,
    %eq3A_400 = arith.constant 12 : i32
    %eq3A_401 = vector.broadcast %eq3A_400 : i32 to vector<16xi32>
    %eq3A_402 = arith.cmpi eq, %iota3A, %eq3A_401 : vector<16xi32>
    %select_n3A_403 = arith.select %eq3A_402, %get3A_399, %broadcast_in_dim3A_5 : vector<16xi1>, vector<16xi32>
    %reduce_max3A_404 = arith.constant true
    %reduce_max3A_405 = vector.broadcast %reduce_max3A_404 : i1 to vector<16xi1>
    %reduce_max3A_406 = arith.constant -2147483648 : i32
    %reduce_max3A_407 = vector.broadcast %reduce_max3A_406 : i32 to vector<16xi32>
    %reduce_max3A_408 = arith.xori %select_n3A_403, %reduce_max3A_407 : vector<16xi32>
    %reduce_max3A_409 = tpu.scan <max>, %reduce_max3A_408 masked %reduce_max3A_405 : vector<16xi32>, vector<16xi1> -> vector<16xi32>
    %reduce_max3A_410 = arith.xori %reduce_max3A_409, %reduce_max3A_407 : vector<16xi32>
    %reduce_max3A_411 = vector.extract %reduce_max3A_410[15] : i32 from vector<16xi32>
    %and3A_412 = arith.constant -128 : i32
    %and3A_413 = arith.andi %reduce_max3A_411, %and3A_412 : i32
    %multiple_of3A_414 = tpu.assume_multiple %and3A_413, 128 : i32
    %add3A_415 = arith.constant 0 : i32
    %add3A_416 = arith.addi %mul3A_4, %add3A_415 : i32
    %dma_start3A_417 = arith.constant 12 : i32
    %dma_start3A_418 = arith.constant 12 : i32
    %dma_start3A_419 = arith.constant 0 : i32
    %dma_start3A_420 = tpu.memref_slice %arg8[%dma_start3A_418, %dma_start3A_419] : memref<32x128xf32, #tpu.memory_space<vmem>> -> memref<1x128xf32, #tpu.memory_space<vmem>>
    %dma_start3A_421 = tpu.memref_squeeze %dma_start3A_420 : memref<1x128xf32, #tpu.memory_space<vmem>> -> memref<128xf32, #tpu.memory_space<vmem>>
    %dma_start3A_422 = tpu.memref_slice %arg2[%add3A_416, %dma_start3A_417, %multiple_of3A_414] : memref<64x16x100000xf32, #tpu.memory_space<hbm>> -> memref<1x1x128xf32, #tpu.memory_space<hbm>>
    %dma_start3A_423 = tpu.memref_squeeze %dma_start3A_422 : memref<1x1x128xf32, #tpu.memory_space<hbm>> -> memref<128xf32, #tpu.memory_space<hbm>>
    %dma_start3A_424 = arith.constant 0 : i32
    %dma_start3A_425 = tpu.memref_slice %arg8[%dma_start3A_418, %dma_start3A_424] : memref<32x128xf32, #tpu.memory_space<vmem>> -> memref<1x128xf32, #tpu.memory_space<vmem>>
    %dma_start3A_426 = tpu.memref_squeeze %dma_start3A_425 : memref<1x128xf32, #tpu.memory_space<vmem>> -> memref<128xf32, #tpu.memory_space<vmem>>
    %dma_start3A_427 = tpu.memref_slice %arg2[%add3A_416, %dma_start3A_417, %multiple_of3A_414] : memref<64x16x100000xf32, #tpu.memory_space<hbm>> -> memref<1x1x128xf32, #tpu.memory_space<hbm>>
    %dma_start3A_428 = tpu.memref_squeeze %dma_start3A_427 : memref<1x1x128xf32, #tpu.memory_space<hbm>> -> memref<128xf32, #tpu.memory_space<hbm>>
    tpu.enqueue_dma source(%dma_start3A_428 : memref<128xf32, #tpu.memory_space<hbm>>) target(%dma_start3A_426 : memref<128xf32, #tpu.memory_space<vmem>>) target_semaphore(%arg10 : memref<!tpu.dma_semaphore, #tpu.memory_space<semaphore_mem>>)
    %add3A_429 = arith.constant 0 : i32
    %add3A_430 = arith.addi %multiple_of3A, %add3A_429 : i32
    %get3A_431 = arith.index_cast %add3A_430 : i32 to index
    %get3A_432 = tpu.vector_load %arg6[%get3A_431] {strides = array<i32>} : memref<1024xi32, #tpu.memory_space<vmem>>, vector<16xi32>,
    %eq3A_433 = arith.constant 13 : i32
    %eq3A_434 = vector.broadcast %eq3A_433 : i32 to vector<16xi32>
    %eq3A_435 = arith.cmpi eq, %iota3A, %eq3A_434 : vector<16xi32>
    %select_n3A_436 = arith.select %eq3A_435, %get3A_432, %broadcast_in_dim3A_5 : vector<16xi1>, vector<16xi32>
    %reduce_max3A_437 = arith.constant true
    %reduce_max3A_438 = vector.broadcast %reduce_max3A_437 : i1 to vector<16xi1>
    %reduce_max3A_439 = arith.constant -2147483648 : i32
    %reduce_max3A_440 = vector.broadcast %reduce_max3A_439 : i32 to vector<16xi32>
    %reduce_max3A_441 = arith.xori %select_n3A_436, %reduce_max3A_440 : vector<16xi32>
    %reduce_max3A_442 = tpu.scan <max>, %reduce_max3A_441 masked %reduce_max3A_438 : vector<16xi32>, vector<16xi1> -> vector<16xi32>
    %reduce_max3A_443 = arith.xori %reduce_max3A_442, %reduce_max3A_440 : vector<16xi32>
    %reduce_max3A_444 = vector.extract %reduce_max3A_443[15] : i32 from vector<16xi32>
    %and3A_445 = arith.constant -128 : i32
    %and3A_446 = arith.andi %reduce_max3A_444, %and3A_445 : i32
    %multiple_of3A_447 = tpu.assume_multiple %and3A_446, 128 : i32
    %add3A_448 = arith.constant 0 : i32
    %add3A_449 = arith.addi %mul3A_4, %add3A_448 : i32
    %dma_start3A_450 = arith.constant 13 : i32
    %dma_start3A_451 = arith.constant 13 : i32
    %dma_start3A_452 = arith.constant 0 : i32
    %dma_start3A_453 = tpu.memref_slice %arg8[%dma_start3A_451, %dma_start3A_452] : memref<32x128xf32, #tpu.memory_space<vmem>> -> memref<1x128xf32, #tpu.memory_space<vmem>>
    %dma_start3A_454 = tpu.memref_squeeze %dma_start3A_453 : memref<1x128xf32, #tpu.memory_space<vmem>> -> memref<128xf32, #tpu.memory_space<vmem>>
    %dma_start3A_455 = tpu.memref_slice %arg2[%add3A_449, %dma_start3A_450, %multiple_of3A_447] : memref<64x16x100000xf32, #tpu.memory_space<hbm>> -> memref<1x1x128xf32, #tpu.memory_space<hbm>>
    %dma_start3A_456 = tpu.memref_squeeze %dma_start3A_455 : memref<1x1x128xf32, #tpu.memory_space<hbm>> -> memref<128xf32, #tpu.memory_space<hbm>>
    %dma_start3A_457 = arith.constant 0 : i32
    %dma_start3A_458 = tpu.memref_slice %arg8[%dma_start3A_451, %dma_start3A_457] : memref<32x128xf32, #tpu.memory_space<vmem>> -> memref<1x128xf32, #tpu.memory_space<vmem>>
    %dma_start3A_459 = tpu.memref_squeeze %dma_start3A_458 : memref<1x128xf32, #tpu.memory_space<vmem>> -> memref<128xf32, #tpu.memory_space<vmem>>
    %dma_start3A_460 = tpu.memref_slice %arg2[%add3A_449, %dma_start3A_450, %multiple_of3A_447] : memref<64x16x100000xf32, #tpu.memory_space<hbm>> -> memref<1x1x128xf32, #tpu.memory_space<hbm>>
    %dma_start3A_461 = tpu.memref_squeeze %dma_start3A_460 : memref<1x1x128xf32, #tpu.memory_space<hbm>> -> memref<128xf32, #tpu.memory_space<hbm>>
    tpu.enqueue_dma source(%dma_start3A_461 : memref<128xf32, #tpu.memory_space<hbm>>) target(%dma_start3A_459 : memref<128xf32, #tpu.memory_space<vmem>>) target_semaphore(%arg10 : memref<!tpu.dma_semaphore, #tpu.memory_space<semaphore_mem>>)
    %add3A_462 = arith.constant 0 : i32
    %add3A_463 = arith.addi %multiple_of3A, %add3A_462 : i32
    %get3A_464 = arith.index_cast %add3A_463 : i32 to index
    %get3A_465 = tpu.vector_load %arg6[%get3A_464] {strides = array<i32>} : memref<1024xi32, #tpu.memory_space<vmem>>, vector<16xi32>,
    %eq3A_466 = arith.constant 14 : i32
    %eq3A_467 = vector.broadcast %eq3A_466 : i32 to vector<16xi32>
    %eq3A_468 = arith.cmpi eq, %iota3A, %eq3A_467 : vector<16xi32>
    %select_n3A_469 = arith.select %eq3A_468, %get3A_465, %broadcast_in_dim3A_5 : vector<16xi1>, vector<16xi32>
    %reduce_max3A_470 = arith.constant true
    %reduce_max3A_471 = vector.broadcast %reduce_max3A_470 : i1 to vector<16xi1>
    %reduce_max3A_472 = arith.constant -2147483648 : i32
    %reduce_max3A_473 = vector.broadcast %reduce_max3A_472 : i32 to vector<16xi32>
    %reduce_max3A_474 = arith.xori %select_n3A_469, %reduce_max3A_473 : vector<16xi32>
    %reduce_max3A_475 = tpu.scan <max>, %reduce_max3A_474 masked %reduce_max3A_471 : vector<16xi32>, vector<16xi1> -> vector<16xi32>
    %reduce_max3A_476 = arith.xori %reduce_max3A_475, %reduce_max3A_473 : vector<16xi32>
    %reduce_max3A_477 = vector.extract %reduce_max3A_476[15] : i32 from vector<16xi32>
    %and3A_478 = arith.constant -128 : i32
    %and3A_479 = arith.andi %reduce_max3A_477, %and3A_478 : i32
    %multiple_of3A_480 = tpu.assume_multiple %and3A_479, 128 : i32
    %add3A_481 = arith.constant 0 : i32
    %add3A_482 = arith.addi %mul3A_4, %add3A_481 : i32
    %dma_start3A_483 = arith.constant 14 : i32
    %dma_start3A_484 = arith.constant 14 : i32
    %dma_start3A_485 = arith.constant 0 : i32
    %dma_start3A_486 = tpu.memref_slice %arg8[%dma_start3A_484, %dma_start3A_485] : memref<32x128xf32, #tpu.memory_space<vmem>> -> memref<1x128xf32, #tpu.memory_space<vmem>>
    %dma_start3A_487 = tpu.memref_squeeze %dma_start3A_486 : memref<1x128xf32, #tpu.memory_space<vmem>> -> memref<128xf32, #tpu.memory_space<vmem>>
    %dma_start3A_488 = tpu.memref_slice %arg2[%add3A_482, %dma_start3A_483, %multiple_of3A_480] : memref<64x16x100000xf32, #tpu.memory_space<hbm>> -> memref<1x1x128xf32, #tpu.memory_space<hbm>>
    %dma_start3A_489 = tpu.memref_squeeze %dma_start3A_488 : memref<1x1x128xf32, #tpu.memory_space<hbm>> -> memref<128xf32, #tpu.memory_space<hbm>>
    %dma_start3A_490 = arith.constant 0 : i32
    %dma_start3A_491 = tpu.memref_slice %arg8[%dma_start3A_484, %dma_start3A_490] : memref<32x128xf32, #tpu.memory_space<vmem>> -> memref<1x128xf32, #tpu.memory_space<vmem>>
    %dma_start3A_492 = tpu.memref_squeeze %dma_start3A_491 : memref<1x128xf32, #tpu.memory_space<vmem>> -> memref<128xf32, #tpu.memory_space<vmem>>
    %dma_start3A_493 = tpu.memref_slice %arg2[%add3A_482, %dma_start3A_483, %multiple_of3A_480] : memref<64x16x100000xf32, #tpu.memory_space<hbm>> -> memref<1x1x128xf32, #tpu.memory_space<hbm>>
    %dma_start3A_494 = tpu.memref_squeeze %dma_start3A_493 : memref<1x1x128xf32, #tpu.memory_space<hbm>> -> memref<128xf32, #tpu.memory_space<hbm>>
    tpu.enqueue_dma source(%dma_start3A_494 : memref<128xf32, #tpu.memory_space<hbm>>) target(%dma_start3A_492 : memref<128xf32, #tpu.memory_space<vmem>>) target_semaphore(%arg10 : memref<!tpu.dma_semaphore, #tpu.memory_space<semaphore_mem>>)
    %add3A_495 = arith.constant 0 : i32
    %add3A_496 = arith.addi %multiple_of3A, %add3A_495 : i32
    %get3A_497 = arith.index_cast %add3A_496 : i32 to index
    %get3A_498 = tpu.vector_load %arg6[%get3A_497] {strides = array<i32>} : memref<1024xi32, #tpu.memory_space<vmem>>, vector<16xi32>,
    %eq3A_499 = arith.constant 15 : i32
    %eq3A_500 = vector.broadcast %eq3A_499 : i32 to vector<16xi32>
    %eq3A_501 = arith.cmpi eq, %iota3A, %eq3A_500 : vector<16xi32>
    %select_n3A_502 = arith.select %eq3A_501, %get3A_498, %broadcast_in_dim3A_5 : vector<16xi1>, vector<16xi32>
    %reduce_max3A_503 = arith.constant true
    %reduce_max3A_504 = vector.broadcast %reduce_max3A_503 : i1 to vector<16xi1>
    %reduce_max3A_505 = arith.constant -2147483648 : i32
    %reduce_max3A_506 = vector.broadcast %reduce_max3A_505 : i32 to vector<16xi32>
    %reduce_max3A_507 = arith.xori %select_n3A_502, %reduce_max3A_506 : vector<16xi32>
    %reduce_max3A_508 = tpu.scan <max>, %reduce_max3A_507 masked %reduce_max3A_504 : vector<16xi32>, vector<16xi1> -> vector<16xi32>
    %reduce_max3A_509 = arith.xori %reduce_max3A_508, %reduce_max3A_506 : vector<16xi32>
    %reduce_max3A_510 = vector.extract %reduce_max3A_509[15] : i32 from vector<16xi32>
    %and3A_511 = arith.constant -128 : i32
    %and3A_512 = arith.andi %reduce_max3A_510, %and3A_511 : i32
    %multiple_of3A_513 = tpu.assume_multiple %and3A_512, 128 : i32
    %add3A_514 = arith.constant 0 : i32
    %add3A_515 = arith.addi %mul3A_4, %add3A_514 : i32
    %dma_start3A_516 = arith.constant 15 : i32
    %dma_start3A_517 = arith.constant 15 : i32
    %dma_start3A_518 = arith.constant 0 : i32
    %dma_start3A_519 = tpu.memref_slice %arg8[%dma_start3A_517, %dma_start3A_518] : memref<32x128xf32, #tpu.memory_space<vmem>> -> memref<1x128xf32, #tpu.memory_space<vmem>>
    %dma_start3A_520 = tpu.memref_squeeze %dma_start3A_519 : memref<1x128xf32, #tpu.memory_space<vmem>> -> memref<128xf32, #tpu.memory_space<vmem>>
    %dma_start3A_521 = tpu.memref_slice %arg2[%add3A_515, %dma_start3A_516, %multiple_of3A_513] : memref<64x16x100000xf32, #tpu.memory_space<hbm>> -> memref<1x1x128xf32, #tpu.memory_space<hbm>>
    %dma_start3A_522 = tpu.memref_squeeze %dma_start3A_521 : memref<1x1x128xf32, #tpu.memory_space<hbm>> -> memref<128xf32, #tpu.memory_space<hbm>>
    %dma_start3A_523 = arith.constant 0 : i32
    %dma_start3A_524 = tpu.memref_slice %arg8[%dma_start3A_517, %dma_start3A_523] : memref<32x128xf32, #tpu.memory_space<vmem>> -> memref<1x128xf32, #tpu.memory_space<vmem>>
    %dma_start3A_525 = tpu.memref_squeeze %dma_start3A_524 : memref<1x128xf32, #tpu.memory_space<vmem>> -> memref<128xf32, #tpu.memory_space<vmem>>
    %dma_start3A_526 = tpu.memref_slice %arg2[%add3A_515, %dma_start3A_516, %multiple_of3A_513] : memref<64x16x100000xf32, #tpu.memory_space<hbm>> -> memref<1x1x128xf32, #tpu.memory_space<hbm>>
    %dma_start3A_527 = tpu.memref_squeeze %dma_start3A_526 : memref<1x1x128xf32, #tpu.memory_space<hbm>> -> memref<128xf32, #tpu.memory_space<hbm>>
    tpu.enqueue_dma source(%dma_start3A_527 : memref<128xf32, #tpu.memory_space<hbm>>) target(%dma_start3A_525 : memref<128xf32, #tpu.memory_space<vmem>>) target_semaphore(%arg10 : memref<!tpu.dma_semaphore, #tpu.memory_space<semaphore_mem>>)
    %add3A_528 = arith.constant 16 : i32
    %add3A_529 = arith.addi %multiple_of3A, %add3A_528 : i32
    %get3A_530 = arith.index_cast %add3A_529 : i32 to index
    %get3A_531 = tpu.vector_load %arg6[%get3A_530] {strides = array<i32>} : memref<1024xi32, #tpu.memory_space<vmem>>, vector<16xi32>,
    %eq3A_532 = arith.constant 0 : i32
    %eq3A_533 = vector.broadcast %eq3A_532 : i32 to vector<16xi32>
    %eq3A_534 = arith.cmpi eq, %iota3A, %eq3A_533 : vector<16xi32>
    %select_n3A_535 = arith.select %eq3A_534, %get3A_531, %broadcast_in_dim3A_5 : vector<16xi1>, vector<16xi32>
    %reduce_max3A_536 = arith.constant true
    %reduce_max3A_537 = vector.broadcast %reduce_max3A_536 : i1 to vector<16xi1>
    %reduce_max3A_538 = arith.constant -2147483648 : i32
    %reduce_max3A_539 = vector.broadcast %reduce_max3A_538 : i32 to vector<16xi32>
    %reduce_max3A_540 = arith.xori %select_n3A_535, %reduce_max3A_539 : vector<16xi32>
    %reduce_max3A_541 = tpu.scan <max>, %reduce_max3A_540 masked %reduce_max3A_537 : vector<16xi32>, vector<16xi1> -> vector<16xi32>
    %reduce_max3A_542 = arith.xori %reduce_max3A_541, %reduce_max3A_539 : vector<16xi32>
    %reduce_max3A_543 = vector.extract %reduce_max3A_542[15] : i32 from vector<16xi32>
    %and3A_544 = arith.constant -128 : i32
    %and3A_545 = arith.andi %reduce_max3A_543, %and3A_544 : i32
    %multiple_of3A_546 = tpu.assume_multiple %and3A_545, 128 : i32
    %add3A_547 = arith.constant 1 : i32
    %add3A_548 = arith.addi %mul3A_4, %add3A_547 : i32
    %dma_start3A_549 = arith.constant 0 : i32
    %dma_start3A_550 = arith.constant 16 : i32
    %dma_start3A_551 = arith.constant 0 : i32
    %dma_start3A_552 = tpu.memref_slice %arg8[%dma_start3A_550, %dma_start3A_551] : memref<32x128xf32, #tpu.memory_space<vmem>> -> memref<1x128xf32, #tpu.memory_space<vmem>>
    %dma_start3A_553 = tpu.memref_squeeze %dma_start3A_552 : memref<1x128xf32, #tpu.memory_space<vmem>> -> memref<128xf32, #tpu.memory_space<vmem>>
    %dma_start3A_554 = tpu.memref_slice %arg2[%add3A_548, %dma_start3A_549, %multiple_of3A_546] : memref<64x16x100000xf32, #tpu.memory_space<hbm>> -> memref<1x1x128xf32, #tpu.memory_space<hbm>>
    %dma_start3A_555 = tpu.memref_squeeze %dma_start3A_554 : memref<1x1x128xf32, #tpu.memory_space<hbm>> -> memref<128xf32, #tpu.memory_space<hbm>>
    %dma_start3A_556 = arith.constant 0 : i32
    %dma_start3A_557 = tpu.memref_slice %arg8[%dma_start3A_550, %dma_start3A_556] : memref<32x128xf32, #tpu.memory_space<vmem>> -> memref<1x128xf32, #tpu.memory_space<vmem>>
    %dma_start3A_558 = tpu.memref_squeeze %dma_start3A_557 : memref<1x128xf32, #tpu.memory_space<vmem>> -> memref<128xf32, #tpu.memory_space<vmem>>
    %dma_start3A_559 = tpu.memref_slice %arg2[%add3A_548, %dma_start3A_549, %multiple_of3A_546] : memref<64x16x100000xf32, #tpu.memory_space<hbm>> -> memref<1x1x128xf32, #tpu.memory_space<hbm>>
    %dma_start3A_560 = tpu.memref_squeeze %dma_start3A_559 : memref<1x1x128xf32, #tpu.memory_space<hbm>> -> memref<128xf32, #tpu.memory_space<hbm>>
    tpu.enqueue_dma source(%dma_start3A_560 : memref<128xf32, #tpu.memory_space<hbm>>) target(%dma_start3A_558 : memref<128xf32, #tpu.memory_space<vmem>>) target_semaphore(%arg10 : memref<!tpu.dma_semaphore, #tpu.memory_space<semaphore_mem>>)
    %add3A_561 = arith.constant 16 : i32
    %add3A_562 = arith.addi %multiple_of3A, %add3A_561 : i32
    %get3A_563 = arith.index_cast %add3A_562 : i32 to index
    %get3A_564 = tpu.vector_load %arg6[%get3A_563] {strides = array<i32>} : memref<1024xi32, #tpu.memory_space<vmem>>, vector<16xi32>,
    %eq3A_565 = arith.constant 1 : i32
    %eq3A_566 = vector.broadcast %eq3A_565 : i32 to vector<16xi32>
    %eq3A_567 = arith.cmpi eq, %iota3A, %eq3A_566 : vector<16xi32>
    %select_n3A_568 = arith.select %eq3A_567, %get3A_564, %broadcast_in_dim3A_5 : vector<16xi1>, vector<16xi32>
    %reduce_max3A_569 = arith.constant true
    %reduce_max3A_570 = vector.broadcast %reduce_max3A_569 : i1 to vector<16xi1>
    %reduce_max3A_571 = arith.constant -2147483648 : i32
    %reduce_max3A_572 = vector.broadcast %reduce_max3A_571 : i32 to vector<16xi32>
    %reduce_max3A_573 = arith.xori %select_n3A_568, %reduce_max3A_572 : vector<16xi32>
    %reduce_max3A_574 = tpu.scan <max>, %reduce_max3A_573 masked %reduce_max3A_570 : vector<16xi32>, vector<16xi1> -> vector<16xi32>
    %reduce_max3A_575 = arith.xori %reduce_max3A_574, %reduce_max3A_572 : vector<16xi32>
    %reduce_max3A_576 = vector.extract %reduce_max3A_575[15] : i32 from vector<16xi32>
    %and3A_577 = arith.constant -128 : i32
    %and3A_578 = arith.andi %reduce_max3A_576, %and3A_577 : i32
    %multiple_of3A_579 = tpu.assume_multiple %and3A_578, 128 : i32
    %add3A_580 = arith.constant 1 : i32
    %add3A_581 = arith.addi %mul3A_4, %add3A_580 : i32
    %dma_start3A_582 = arith.constant 1 : i32
    %dma_start3A_583 = arith.constant 17 : i32
    %dma_start3A_584 = arith.constant 0 : i32
    %dma_start3A_585 = tpu.memref_slice %arg8[%dma_start3A_583, %dma_start3A_584] : memref<32x128xf32, #tpu.memory_space<vmem>> -> memref<1x128xf32, #tpu.memory_space<vmem>>
    %dma_start3A_586 = tpu.memref_squeeze %dma_start3A_585 : memref<1x128xf32, #tpu.memory_space<vmem>> -> memref<128xf32, #tpu.memory_space<vmem>>
    %dma_start3A_587 = tpu.memref_slice %arg2[%add3A_581, %dma_start3A_582, %multiple_of3A_579] : memref<64x16x100000xf32, #tpu.memory_space<hbm>> -> memref<1x1x128xf32, #tpu.memory_space<hbm>>
    %dma_start3A_588 = tpu.memref_squeeze %dma_start3A_587 : memref<1x1x128xf32, #tpu.memory_space<hbm>> -> memref<128xf32, #tpu.memory_space<hbm>>
    %dma_start3A_589 = arith.constant 0 : i32
    %dma_start3A_590 = tpu.memref_slice %arg8[%dma_start3A_583, %dma_start3A_589] : memref<32x128xf32, #tpu.memory_space<vmem>> -> memref<1x128xf32, #tpu.memory_space<vmem>>
    %dma_start3A_591 = tpu.memref_squeeze %dma_start3A_590 : memref<1x128xf32, #tpu.memory_space<vmem>> -> memref<128xf32, #tpu.memory_space<vmem>>
    %dma_start3A_592 = tpu.memref_slice %arg2[%add3A_581, %dma_start3A_582, %multiple_of3A_579] : memref<64x16x100000xf32, #tpu.memory_space<hbm>> -> memref<1x1x128xf32, #tpu.memory_space<hbm>>
    %dma_start3A_593 = tpu.memref_squeeze %dma_start3A_592 : memref<1x1x128xf32, #tpu.memory_space<hbm>> -> memref<128xf32, #tpu.memory_space<hbm>>
    tpu.enqueue_dma source(%dma_start3A_593 : memref<128xf32, #tpu.memory_space<hbm>>) target(%dma_start3A_591 : memref<128xf32, #tpu.memory_space<vmem>>) target_semaphore(%arg10 : memref<!tpu.dma_semaphore, #tpu.memory_space<semaphore_mem>>)
    %add3A_594 = arith.constant 16 : i32
    %add3A_595 = arith.addi %multiple_of3A, %add3A_594 : i32
    %get3A_596 = arith.index_cast %add3A_595 : i32 to index
    %get3A_597 = tpu.vector_load %arg6[%get3A_596] {strides = array<i32>} : memref<1024xi32, #tpu.memory_space<vmem>>, vector<16xi32>,
    %eq3A_598 = arith.constant 2 : i32
    %eq3A_599 = vector.broadcast %eq3A_598 : i32 to vector<16xi32>
    %eq3A_600 = arith.cmpi eq, %iota3A, %eq3A_599 : vector<16xi32>
    %select_n3A_601 = arith.select %eq3A_600, %get3A_597, %broadcast_in_dim3A_5 : vector<16xi1>, vector<16xi32>
    %reduce_max3A_602 = arith.constant true
    %reduce_max3A_603 = vector.broadcast %reduce_max3A_602 : i1 to vector<16xi1>
    %reduce_max3A_604 = arith.constant -2147483648 : i32
    %reduce_max3A_605 = vector.broadcast %reduce_max3A_604 : i32 to vector<16xi32>
    %reduce_max3A_606 = arith.xori %select_n3A_601, %reduce_max3A_605 : vector<16xi32>
    %reduce_max3A_607 = tpu.scan <max>, %reduce_max3A_606 masked %reduce_max3A_603 : vector<16xi32>, vector<16xi1> -> vector<16xi32>
    %reduce_max3A_608 = arith.xori %reduce_max3A_607, %reduce_max3A_605 : vector<16xi32>
    %reduce_max3A_609 = vector.extract %reduce_max3A_608[15] : i32 from vector<16xi32>
    %and3A_610 = arith.constant -128 : i32
    %and3A_611 = arith.andi %reduce_max3A_609, %and3A_610 : i32
    %multiple_of3A_612 = tpu.assume_multiple %and3A_611, 128 : i32
    %add3A_613 = arith.constant 1 : i32
    %add3A_614 = arith.addi %mul3A_4, %add3A_613 : i32
    %dma_start3A_615 = arith.constant 2 : i32
    %dma_start3A_616 = arith.constant 18 : i32
    %dma_start3A_617 = arith.constant 0 : i32
    %dma_start3A_618 = tpu.memref_slice %arg8[%dma_start3A_616, %dma_start3A_617] : memref<32x128xf32, #tpu.memory_space<vmem>> -> memref<1x128xf32, #tpu.memory_space<vmem>>
    %dma_start3A_619 = tpu.memref_squeeze %dma_start3A_618 : memref<1x128xf32, #tpu.memory_space<vmem>> -> memref<128xf32, #tpu.memory_space<vmem>>
    %dma_start3A_620 = tpu.memref_slice %arg2[%add3A_614, %dma_start3A_615, %multiple_of3A_612] : memref<64x16x100000xf32, #tpu.memory_space<hbm>> -> memref<1x1x128xf32, #tpu.memory_space<hbm>>
    %dma_start3A_621 = tpu.memref_squeeze %dma_start3A_620 : memref<1x1x128xf32, #tpu.memory_space<hbm>> -> memref<128xf32, #tpu.memory_space<hbm>>
    %dma_start3A_622 = arith.constant 0 : i32
    %dma_start3A_623 = tpu.memref_slice %arg8[%dma_start3A_616, %dma_start3A_622] : memref<32x128xf32, #tpu.memory_space<vmem>> -> memref<1x128xf32, #tpu.memory_space<vmem>>
    %dma_start3A_624 = tpu.memref_squeeze %dma_start3A_623 : memref<1x128xf32, #tpu.memory_space<vmem>> -> memref<128xf32, #tpu.memory_space<vmem>>
    %dma_start3A_625 = tpu.memref_slice %arg2[%add3A_614, %dma_start3A_615, %multiple_of3A_612] : memref<64x16x100000xf32, #tpu.memory_space<hbm>> -> memref<1x1x128xf32, #tpu.memory_space<hbm>>
    %dma_start3A_626 = tpu.memref_squeeze %dma_start3A_625 : memref<1x1x128xf32, #tpu.memory_space<hbm>> -> memref<128xf32, #tpu.memory_space<hbm>>
    tpu.enqueue_dma source(%dma_start3A_626 : memref<128xf32, #tpu.memory_space<hbm>>) target(%dma_start3A_624 : memref<128xf32, #tpu.memory_space<vmem>>) target_semaphore(%arg10 : memref<!tpu.dma_semaphore, #tpu.memory_space<semaphore_mem>>)
    %add3A_627 = arith.constant 16 : i32
    %add3A_628 = arith.addi %multiple_of3A, %add3A_627 : i32
    %get3A_629 = arith.index_cast %add3A_628 : i32 to index
    %get3A_630 = tpu.vector_load %arg6[%get3A_629] {strides = array<i32>} : memref<1024xi32, #tpu.memory_space<vmem>>, vector<16xi32>,
    %eq3A_631 = arith.constant 3 : i32
    %eq3A_632 = vector.broadcast %eq3A_631 : i32 to vector<16xi32>
    %eq3A_633 = arith.cmpi eq, %iota3A, %eq3A_632 : vector<16xi32>
    %select_n3A_634 = arith.select %eq3A_633, %get3A_630, %broadcast_in_dim3A_5 : vector<16xi1>, vector<16xi32>
    %reduce_max3A_635 = arith.constant true
    %reduce_max3A_636 = vector.broadcast %reduce_max3A_635 : i1 to vector<16xi1>
    %reduce_max3A_637 = arith.constant -2147483648 : i32
    %reduce_max3A_638 = vector.broadcast %reduce_max3A_637 : i32 to vector<16xi32>
    %reduce_max3A_639 = arith.xori %select_n3A_634, %reduce_max3A_638 : vector<16xi32>
    %reduce_max3A_640 = tpu.scan <max>, %reduce_max3A_639 masked %reduce_max3A_636 : vector<16xi32>, vector<16xi1> -> vector<16xi32>
    %reduce_max3A_641 = arith.xori %reduce_max3A_640, %reduce_max3A_638 : vector<16xi32>
    %reduce_max3A_642 = vector.extract %reduce_max3A_641[15] : i32 from vector<16xi32>
    %and3A_643 = arith.constant -128 : i32
    %and3A_644 = arith.andi %reduce_max3A_642, %and3A_643 : i32
    %multiple_of3A_645 = tpu.assume_multiple %and3A_644, 128 : i32
    %add3A_646 = arith.constant 1 : i32
    %add3A_647 = arith.addi %mul3A_4, %add3A_646 : i32
    %dma_start3A_648 = arith.constant 3 : i32
    %dma_start3A_649 = arith.constant 19 : i32
    %dma_start3A_650 = arith.constant 0 : i32
    %dma_start3A_651 = tpu.memref_slice %arg8[%dma_start3A_649, %dma_start3A_650] : memref<32x128xf32, #tpu.memory_space<vmem>> -> memref<1x128xf32, #tpu.memory_space<vmem>>
    %dma_start3A_652 = tpu.memref_squeeze %dma_start3A_651 : memref<1x128xf32, #tpu.memory_space<vmem>> -> memref<128xf32, #tpu.memory_space<vmem>>
    %dma_start3A_653 = tpu.memref_slice %arg2[%add3A_647, %dma_start3A_648, %multiple_of3A_645] : memref<64x16x100000xf32, #tpu.memory_space<hbm>> -> memref<1x1x128xf32, #tpu.memory_space<hbm>>
    %dma_start3A_654 = tpu.memref_squeeze %dma_start3A_653 : memref<1x1x128xf32, #tpu.memory_space<hbm>> -> memref<128xf32, #tpu.memory_space<hbm>>
    %dma_start3A_655 = arith.constant 0 : i32
    %dma_start3A_656 = tpu.memref_slice %arg8[%dma_start3A_649, %dma_start3A_655] : memref<32x128xf32, #tpu.memory_space<vmem>> -> memref<1x128xf32, #tpu.memory_space<vmem>>
    %dma_start3A_657 = tpu.memref_squeeze %dma_start3A_656 : memref<1x128xf32, #tpu.memory_space<vmem>> -> memref<128xf32, #tpu.memory_space<vmem>>
    %dma_start3A_658 = tpu.memref_slice %arg2[%add3A_647, %dma_start3A_648, %multiple_of3A_645] : memref<64x16x100000xf32, #tpu.memory_space<hbm>> -> memref<1x1x128xf32, #tpu.memory_space<hbm>>
    %dma_start3A_659 = tpu.memref_squeeze %dma_start3A_658 : memref<1x1x128xf32, #tpu.memory_space<hbm>> -> memref<128xf32, #tpu.memory_space<hbm>>
    tpu.enqueue_dma source(%dma_start3A_659 : memref<128xf32, #tpu.memory_space<hbm>>) target(%dma_start3A_657 : memref<128xf32, #tpu.memory_space<vmem>>) target_semaphore(%arg10 : memref<!tpu.dma_semaphore, #tpu.memory_space<semaphore_mem>>)
    %add3A_660 = arith.constant 16 : i32
    %add3A_661 = arith.addi %multiple_of3A, %add3A_660 : i32
    %get3A_662 = arith.index_cast %add3A_661 : i32 to index
    %get3A_663 = tpu.vector_load %arg6[%get3A_662] {strides = array<i32>} : memref<1024xi32, #tpu.memory_space<vmem>>, vector<16xi32>,
    %eq3A_664 = arith.constant 4 : i32
    %eq3A_665 = vector.broadcast %eq3A_664 : i32 to vector<16xi32>
    %eq3A_666 = arith.cmpi eq, %iota3A, %eq3A_665 : vector<16xi32>
    %select_n3A_667 = arith.select %eq3A_666, %get3A_663, %broadcast_in_dim3A_5 : vector<16xi1>, vector<16xi32>
    %reduce_max3A_668 = arith.constant true
    %reduce_max3A_669 = vector.broadcast %reduce_max3A_668 : i1 to vector<16xi1>
    %reduce_max3A_670 = arith.constant -2147483648 : i32
    %reduce_max3A_671 = vector.broadcast %reduce_max3A_670 : i32 to vector<16xi32>
    %reduce_max3A_672 = arith.xori %select_n3A_667, %reduce_max3A_671 : vector<16xi32>
    %reduce_max3A_673 = tpu.scan <max>, %reduce_max3A_672 masked %reduce_max3A_669 : vector<16xi32>, vector<16xi1> -> vector<16xi32>
    %reduce_max3A_674 = arith.xori %reduce_max3A_673, %reduce_max3A_671 : vector<16xi32>
    %reduce_max3A_675 = vector.extract %reduce_max3A_674[15] : i32 from vector<16xi32>
    %and3A_676 = arith.constant -128 : i32
    %and3A_677 = arith.andi %reduce_max3A_675, %and3A_676 : i32
    %multiple_of3A_678 = tpu.assume_multiple %and3A_677, 128 : i32
    %add3A_679 = arith.constant 1 : i32
    %add3A_680 = arith.addi %mul3A_4, %add3A_679 : i32
    %dma_start3A_681 = arith.constant 4 : i32
    %dma_start3A_682 = arith.constant 20 : i32
    %dma_start3A_683 = arith.constant 0 : i32
    %dma_start3A_684 = tpu.memref_slice %arg8[%dma_start3A_682, %dma_start3A_683] : memref<32x128xf32, #tpu.memory_space<vmem>> -> memref<1x128xf32, #tpu.memory_space<vmem>>
    %dma_start3A_685 = tpu.memref_squeeze %dma_start3A_684 : memref<1x128xf32, #tpu.memory_space<vmem>> -> memref<128xf32, #tpu.memory_space<vmem>>
    %dma_start3A_686 = tpu.memref_slice %arg2[%add3A_680, %dma_start3A_681, %multiple_of3A_678] : memref<64x16x100000xf32, #tpu.memory_space<hbm>> -> memref<1x1x128xf32, #tpu.memory_space<hbm>>
    %dma_start3A_687 = tpu.memref_squeeze %dma_start3A_686 : memref<1x1x128xf32, #tpu.memory_space<hbm>> -> memref<128xf32, #tpu.memory_space<hbm>>
    %dma_start3A_688 = arith.constant 0 : i32
    %dma_start3A_689 = tpu.memref_slice %arg8[%dma_start3A_682, %dma_start3A_688] : memref<32x128xf32, #tpu.memory_space<vmem>> -> memref<1x128xf32, #tpu.memory_space<vmem>>
    %dma_start3A_690 = tpu.memref_squeeze %dma_start3A_689 : memref<1x128xf32, #tpu.memory_space<vmem>> -> memref<128xf32, #tpu.memory_space<vmem>>
    %dma_start3A_691 = tpu.memref_slice %arg2[%add3A_680, %dma_start3A_681, %multiple_of3A_678] : memref<64x16x100000xf32, #tpu.memory_space<hbm>> -> memref<1x1x128xf32, #tpu.memory_space<hbm>>
    %dma_start3A_692 = tpu.memref_squeeze %dma_start3A_691 : memref<1x1x128xf32, #tpu.memory_space<hbm>> -> memref<128xf32, #tpu.memory_space<hbm>>
    tpu.enqueue_dma source(%dma_start3A_692 : memref<128xf32, #tpu.memory_space<hbm>>) target(%dma_start3A_690 : memref<128xf32, #tpu.memory_space<vmem>>) target_semaphore(%arg10 : memref<!tpu.dma_semaphore, #tpu.memory_space<semaphore_mem>>)
    %add3A_693 = arith.constant 16 : i32
    %add3A_694 = arith.addi %multiple_of3A, %add3A_693 : i32
    %get3A_695 = arith.index_cast %add3A_694 : i32 to index
    %get3A_696 = tpu.vector_load %arg6[%get3A_695] {strides = array<i32>} : memref<1024xi32, #tpu.memory_space<vmem>>, vector<16xi32>,
    %eq3A_697 = arith.constant 5 : i32
    %eq3A_698 = vector.broadcast %eq3A_697 : i32 to vector<16xi32>
    %eq3A_699 = arith.cmpi eq, %iota3A, %eq3A_698 : vector<16xi32>
    %select_n3A_700 = arith.select %eq3A_699, %get3A_696, %broadcast_in_dim3A_5 : vector<16xi1>, vector<16xi32>
    %reduce_max3A_701 = arith.constant true
    %reduce_max3A_702 = vector.broadcast %reduce_max3A_701 : i1 to vector<16xi1>
    %reduce_max3A_703 = arith.constant -2147483648 : i32
    %reduce_max3A_704 = vector.broadcast %reduce_max3A_703 : i32 to vector<16xi32>
    %reduce_max3A_705 = arith.xori %select_n3A_700, %reduce_max3A_704 : vector<16xi32>
    %reduce_max3A_706 = tpu.scan <max>, %reduce_max3A_705 masked %reduce_max3A_702 : vector<16xi32>, vector<16xi1> -> vector<16xi32>
    %reduce_max3A_707 = arith.xori %reduce_max3A_706, %reduce_max3A_704 : vector<16xi32>
    %reduce_max3A_708 = vector.extract %reduce_max3A_707[15] : i32 from vector<16xi32>
    %and3A_709 = arith.constant -128 : i32
    %and3A_710 = arith.andi %reduce_max3A_708, %and3A_709 : i32
    %multiple_of3A_711 = tpu.assume_multiple %and3A_710, 128 : i32
    %add3A_712 = arith.constant 1 : i32
    %add3A_713 = arith.addi %mul3A_4, %add3A_712 : i32
    %dma_start3A_714 = arith.constant 5 : i32
    %dma_start3A_715 = arith.constant 21 : i32
    %dma_start3A_716 = arith.constant 0 : i32
    %dma_start3A_717 = tpu.memref_slice %arg8[%dma_start3A_715, %dma_start3A_716] : memref<32x128xf32, #tpu.memory_space<vmem>> -> memref<1x128xf32, #tpu.memory_space<vmem>>
    %dma_start3A_718 = tpu.memref_squeeze %dma_start3A_717 : memref<1x128xf32, #tpu.memory_space<vmem>> -> memref<128xf32, #tpu.memory_space<vmem>>
    %dma_start3A_719 = tpu.memref_slice %arg2[%add3A_713, %dma_start3A_714, %multiple_of3A_711] : memref<64x16x100000xf32, #tpu.memory_space<hbm>> -> memref<1x1x128xf32, #tpu.memory_space<hbm>>
    %dma_start3A_720 = tpu.memref_squeeze %dma_start3A_719 : memref<1x1x128xf32, #tpu.memory_space<hbm>> -> memref<128xf32, #tpu.memory_space<hbm>>
    %dma_start3A_721 = arith.constant 0 : i32
    %dma_start3A_722 = tpu.memref_slice %arg8[%dma_start3A_715, %dma_start3A_721] : memref<32x128xf32, #tpu.memory_space<vmem>> -> memref<1x128xf32, #tpu.memory_space<vmem>>
    %dma_start3A_723 = tpu.memref_squeeze %dma_start3A_722 : memref<1x128xf32, #tpu.memory_space<vmem>> -> memref<128xf32, #tpu.memory_space<vmem>>
    %dma_start3A_724 = tpu.memref_slice %arg2[%add3A_713, %dma_start3A_714, %multiple_of3A_711] : memref<64x16x100000xf32, #tpu.memory_space<hbm>> -> memref<1x1x128xf32, #tpu.memory_space<hbm>>
    %dma_start3A_725 = tpu.memref_squeeze %dma_start3A_724 : memref<1x1x128xf32, #tpu.memory_space<hbm>> -> memref<128xf32, #tpu.memory_space<hbm>>
    tpu.enqueue_dma source(%dma_start3A_725 : memref<128xf32, #tpu.memory_space<hbm>>) target(%dma_start3A_723 : memref<128xf32, #tpu.memory_space<vmem>>) target_semaphore(%arg10 : memref<!tpu.dma_semaphore, #tpu.memory_space<semaphore_mem>>)
    %add3A_726 = arith.constant 16 : i32
    %add3A_727 = arith.addi %multiple_of3A, %add3A_726 : i32
    %get3A_728 = arith.index_cast %add3A_727 : i32 to index
    %get3A_729 = tpu.vector_load %arg6[%get3A_728] {strides = array<i32>} : memref<1024xi32, #tpu.memory_space<vmem>>, vector<16xi32>,
    %eq3A_730 = arith.constant 6 : i32
    %eq3A_731 = vector.broadcast %eq3A_730 : i32 to vector<16xi32>
    %eq3A_732 = arith.cmpi eq, %iota3A, %eq3A_731 : vector<16xi32>
    %select_n3A_733 = arith.select %eq3A_732, %get3A_729, %broadcast_in_dim3A_5 : vector<16xi1>, vector<16xi32>
    %reduce_max3A_734 = arith.constant true
    %reduce_max3A_735 = vector.broadcast %reduce_max3A_734 : i1 to vector<16xi1>
    %reduce_max3A_736 = arith.constant -2147483648 : i32
    %reduce_max3A_737 = vector.broadcast %reduce_max3A_736 : i32 to vector<16xi32>
    %reduce_max3A_738 = arith.xori %select_n3A_733, %reduce_max3A_737 : vector<16xi32>
    %reduce_max3A_739 = tpu.scan <max>, %reduce_max3A_738 masked %reduce_max3A_735 : vector<16xi32>, vector<16xi1> -> vector<16xi32>
    %reduce_max3A_740 = arith.xori %reduce_max3A_739, %reduce_max3A_737 : vector<16xi32>
    %reduce_max3A_741 = vector.extract %reduce_max3A_740[15] : i32 from vector<16xi32>
    %and3A_742 = arith.constant -128 : i32
    %and3A_743 = arith.andi %reduce_max3A_741, %and3A_742 : i32
    %multiple_of3A_744 = tpu.assume_multiple %and3A_743, 128 : i32
    %add3A_745 = arith.constant 1 : i32
    %add3A_746 = arith.addi %mul3A_4, %add3A_745 : i32
    %dma_start3A_747 = arith.constant 6 : i32
    %dma_start3A_748 = arith.constant 22 : i32
    %dma_start3A_749 = arith.constant 0 : i32
    %dma_start3A_750 = tpu.memref_slice %arg8[%dma_start3A_748, %dma_start3A_749] : memref<32x128xf32, #tpu.memory_space<vmem>> -> memref<1x128xf32, #tpu.memory_space<vmem>>
    %dma_start3A_751 = tpu.memref_squeeze %dma_start3A_750 : memref<1x128xf32, #tpu.memory_space<vmem>> -> memref<128xf32, #tpu.memory_space<vmem>>
    %dma_start3A_752 = tpu.memref_slice %arg2[%add3A_746, %dma_start3A_747, %multiple_of3A_744] : memref<64x16x100000xf32, #tpu.memory_space<hbm>> -> memref<1x1x128xf32, #tpu.memory_space<hbm>>
    %dma_start3A_753 = tpu.memref_squeeze %dma_start3A_752 : memref<1x1x128xf32, #tpu.memory_space<hbm>> -> memref<128xf32, #tpu.memory_space<hbm>>
    %dma_start3A_754 = arith.constant 0 : i32
    %dma_start3A_755 = tpu.memref_slice %arg8[%dma_start3A_748, %dma_start3A_754] : memref<32x128xf32, #tpu.memory_space<vmem>> -> memref<1x128xf32, #tpu.memory_space<vmem>>
    %dma_start3A_756 = tpu.memref_squeeze %dma_start3A_755 : memref<1x128xf32, #tpu.memory_space<vmem>> -> memref<128xf32, #tpu.memory_space<vmem>>
    %dma_start3A_757 = tpu.memref_slice %arg2[%add3A_746, %dma_start3A_747, %multiple_of3A_744] : memref<64x16x100000xf32, #tpu.memory_space<hbm>> -> memref<1x1x128xf32, #tpu.memory_space<hbm>>
    %dma_start3A_758 = tpu.memref_squeeze %dma_start3A_757 : memref<1x1x128xf32, #tpu.memory_space<hbm>> -> memref<128xf32, #tpu.memory_space<hbm>>
    tpu.enqueue_dma source(%dma_start3A_758 : memref<128xf32, #tpu.memory_space<hbm>>) target(%dma_start3A_756 : memref<128xf32, #tpu.memory_space<vmem>>) target_semaphore(%arg10 : memref<!tpu.dma_semaphore, #tpu.memory_space<semaphore_mem>>)
    %add3A_759 = arith.constant 16 : i32
    %add3A_760 = arith.addi %multiple_of3A, %add3A_759 : i32
    %get3A_761 = arith.index_cast %add3A_760 : i32 to index
    %get3A_762 = tpu.vector_load %arg6[%get3A_761] {strides = array<i32>} : memref<1024xi32, #tpu.memory_space<vmem>>, vector<16xi32>,
    %eq3A_763 = arith.constant 7 : i32
    %eq3A_764 = vector.broadcast %eq3A_763 : i32 to vector<16xi32>
    %eq3A_765 = arith.cmpi eq, %iota3A, %eq3A_764 : vector<16xi32>
    %select_n3A_766 = arith.select %eq3A_765, %get3A_762, %broadcast_in_dim3A_5 : vector<16xi1>, vector<16xi32>
    %reduce_max3A_767 = arith.constant true
    %reduce_max3A_768 = vector.broadcast %reduce_max3A_767 : i1 to vector<16xi1>
    %reduce_max3A_769 = arith.constant -2147483648 : i32
    %reduce_max3A_770 = vector.broadcast %reduce_max3A_769 : i32 to vector<16xi32>
    %reduce_max3A_771 = arith.xori %select_n3A_766, %reduce_max3A_770 : vector<16xi32>
    %reduce_max3A_772 = tpu.scan <max>, %reduce_max3A_771 masked %reduce_max3A_768 : vector<16xi32>, vector<16xi1> -> vector<16xi32>
    %reduce_max3A_773 = arith.xori %reduce_max3A_772, %reduce_max3A_770 : vector<16xi32>
    %reduce_max3A_774 = vector.extract %reduce_max3A_773[15] : i32 from vector<16xi32>
    %and3A_775 = arith.constant -128 : i32
    %and3A_776 = arith.andi %reduce_max3A_774, %and3A_775 : i32
    %multiple_of3A_777 = tpu.assume_multiple %and3A_776, 128 : i32
    %add3A_778 = arith.constant 1 : i32
    %add3A_779 = arith.addi %mul3A_4, %add3A_778 : i32
    %dma_start3A_780 = arith.constant 7 : i32
    %dma_start3A_781 = arith.constant 23 : i32
    %dma_start3A_782 = arith.constant 0 : i32
    %dma_start3A_783 = tpu.memref_slice %arg8[%dma_start3A_781, %dma_start3A_782] : memref<32x128xf32, #tpu.memory_space<vmem>> -> memref<1x128xf32, #tpu.memory_space<vmem>>
    %dma_start3A_784 = tpu.memref_squeeze %dma_start3A_783 : memref<1x128xf32, #tpu.memory_space<vmem>> -> memref<128xf32, #tpu.memory_space<vmem>>
    %dma_start3A_785 = tpu.memref_slice %arg2[%add3A_779, %dma_start3A_780, %multiple_of3A_777] : memref<64x16x100000xf32, #tpu.memory_space<hbm>> -> memref<1x1x128xf32, #tpu.memory_space<hbm>>
    %dma_start3A_786 = tpu.memref_squeeze %dma_start3A_785 : memref<1x1x128xf32, #tpu.memory_space<hbm>> -> memref<128xf32, #tpu.memory_space<hbm>>
    %dma_start3A_787 = arith.constant 0 : i32
    %dma_start3A_788 = tpu.memref_slice %arg8[%dma_start3A_781, %dma_start3A_787] : memref<32x128xf32, #tpu.memory_space<vmem>> -> memref<1x128xf32, #tpu.memory_space<vmem>>
    %dma_start3A_789 = tpu.memref_squeeze %dma_start3A_788 : memref<1x128xf32, #tpu.memory_space<vmem>> -> memref<128xf32, #tpu.memory_space<vmem>>
    %dma_start3A_790 = tpu.memref_slice %arg2[%add3A_779, %dma_start3A_780, %multiple_of3A_777] : memref<64x16x100000xf32, #tpu.memory_space<hbm>> -> memref<1x1x128xf32, #tpu.memory_space<hbm>>
    %dma_start3A_791 = tpu.memref_squeeze %dma_start3A_790 : memref<1x1x128xf32, #tpu.memory_space<hbm>> -> memref<128xf32, #tpu.memory_space<hbm>>
    tpu.enqueue_dma source(%dma_start3A_791 : memref<128xf32, #tpu.memory_space<hbm>>) target(%dma_start3A_789 : memref<128xf32, #tpu.memory_space<vmem>>) target_semaphore(%arg10 : memref<!tpu.dma_semaphore, #tpu.memory_space<semaphore_mem>>)
    %add3A_792 = arith.constant 16 : i32
    %add3A_793 = arith.addi %multiple_of3A, %add3A_792 : i32
    %get3A_794 = arith.index_cast %add3A_793 : i32 to index
    %get3A_795 = tpu.vector_load %arg6[%get3A_794] {strides = array<i32>} : memref<1024xi32, #tpu.memory_space<vmem>>, vector<16xi32>,
    %eq3A_796 = arith.constant 8 : i32
    %eq3A_797 = vector.broadcast %eq3A_796 : i32 to vector<16xi32>
    %eq3A_798 = arith.cmpi eq, %iota3A, %eq3A_797 : vector<16xi32>
    %select_n3A_799 = arith.select %eq3A_798, %get3A_795, %broadcast_in_dim3A_5 : vector<16xi1>, vector<16xi32>
    %reduce_max3A_800 = arith.constant true
    %reduce_max3A_801 = vector.broadcast %reduce_max3A_800 : i1 to vector<16xi1>
    %reduce_max3A_802 = arith.constant -2147483648 : i32
    %reduce_max3A_803 = vector.broadcast %reduce_max3A_802 : i32 to vector<16xi32>
    %reduce_max3A_804 = arith.xori %select_n3A_799, %reduce_max3A_803 : vector<16xi32>
    %reduce_max3A_805 = tpu.scan <max>, %reduce_max3A_804 masked %reduce_max3A_801 : vector<16xi32>, vector<16xi1> -> vector<16xi32>
    %reduce_max3A_806 = arith.xori %reduce_max3A_805, %reduce_max3A_803 : vector<16xi32>
    %reduce_max3A_807 = vector.extract %reduce_max3A_806[15] : i32 from vector<16xi32>
    %and3A_808 = arith.constant -128 : i32
    %and3A_809 = arith.andi %reduce_max3A_807, %and3A_808 : i32
    %multiple_of3A_810 = tpu.assume_multiple %and3A_809, 128 : i32
    %add3A_811 = arith.constant 1 : i32
    %add3A_812 = arith.addi %mul3A_4, %add3A_811 : i32
    %dma_start3A_813 = arith.constant 8 : i32
    %dma_start3A_814 = arith.constant 24 : i32
    %dma_start3A_815 = arith.constant 0 : i32
    %dma_start3A_816 = tpu.memref_slice %arg8[%dma_start3A_814, %dma_start3A_815] : memref<32x128xf32, #tpu.memory_space<vmem>> -> memref<1x128xf32, #tpu.memory_space<vmem>>
    %dma_start3A_817 = tpu.memref_squeeze %dma_start3A_816 : memref<1x128xf32, #tpu.memory_space<vmem>> -> memref<128xf32, #tpu.memory_space<vmem>>
    %dma_start3A_818 = tpu.memref_slice %arg2[%add3A_812, %dma_start3A_813, %multiple_of3A_810] : memref<64x16x100000xf32, #tpu.memory_space<hbm>> -> memref<1x1x128xf32, #tpu.memory_space<hbm>>
    %dma_start3A_819 = tpu.memref_squeeze %dma_start3A_818 : memref<1x1x128xf32, #tpu.memory_space<hbm>> -> memref<128xf32, #tpu.memory_space<hbm>>
    %dma_start3A_820 = arith.constant 0 : i32
    %dma_start3A_821 = tpu.memref_slice %arg8[%dma_start3A_814, %dma_start3A_820] : memref<32x128xf32, #tpu.memory_space<vmem>> -> memref<1x128xf32, #tpu.memory_space<vmem>>
    %dma_start3A_822 = tpu.memref_squeeze %dma_start3A_821 : memref<1x128xf32, #tpu.memory_space<vmem>> -> memref<128xf32, #tpu.memory_space<vmem>>
    %dma_start3A_823 = tpu.memref_slice %arg2[%add3A_812, %dma_start3A_813, %multiple_of3A_810] : memref<64x16x100000xf32, #tpu.memory_space<hbm>> -> memref<1x1x128xf32, #tpu.memory_space<hbm>>
    %dma_start3A_824 = tpu.memref_squeeze %dma_start3A_823 : memref<1x1x128xf32, #tpu.memory_space<hbm>> -> memref<128xf32, #tpu.memory_space<hbm>>
    tpu.enqueue_dma source(%dma_start3A_824 : memref<128xf32, #tpu.memory_space<hbm>>) target(%dma_start3A_822 : memref<128xf32, #tpu.memory_space<vmem>>) target_semaphore(%arg10 : memref<!tpu.dma_semaphore, #tpu.memory_space<semaphore_mem>>)
    %add3A_825 = arith.constant 16 : i32
    %add3A_826 = arith.addi %multiple_of3A, %add3A_825 : i32
    %get3A_827 = arith.index_cast %add3A_826 : i32 to index
    %get3A_828 = tpu.vector_load %arg6[%get3A_827] {strides = array<i32>} : memref<1024xi32, #tpu.memory_space<vmem>>, vector<16xi32>,
    %eq3A_829 = arith.constant 9 : i32
    %eq3A_830 = vector.broadcast %eq3A_829 : i32 to vector<16xi32>
    %eq3A_831 = arith.cmpi eq, %iota3A, %eq3A_830 : vector<16xi32>
    %select_n3A_832 = arith.select %eq3A_831, %get3A_828, %broadcast_in_dim3A_5 : vector<16xi1>, vector<16xi32>
    %reduce_max3A_833 = arith.constant true
    %reduce_max3A_834 = vector.broadcast %reduce_max3A_833 : i1 to vector<16xi1>
    %reduce_max3A_835 = arith.constant -2147483648 : i32
    %reduce_max3A_836 = vector.broadcast %reduce_max3A_835 : i32 to vector<16xi32>
    %reduce_max3A_837 = arith.xori %select_n3A_832, %reduce_max3A_836 : vector<16xi32>
    %reduce_max3A_838 = tpu.scan <max>, %reduce_max3A_837 masked %reduce_max3A_834 : vector<16xi32>, vector<16xi1> -> vector<16xi32>
    %reduce_max3A_839 = arith.xori %reduce_max3A_838, %reduce_max3A_836 : vector<16xi32>
    %reduce_max3A_840 = vector.extract %reduce_max3A_839[15] : i32 from vector<16xi32>
    %and3A_841 = arith.constant -128 : i32
    %and3A_842 = arith.andi %reduce_max3A_840, %and3A_841 : i32
    %multiple_of3A_843 = tpu.assume_multiple %and3A_842, 128 : i32
    %add3A_844 = arith.constant 1 : i32
    %add3A_845 = arith.addi %mul3A_4, %add3A_844 : i32
    %dma_start3A_846 = arith.constant 9 : i32
    %dma_start3A_847 = arith.constant 25 : i32
    %dma_start3A_848 = arith.constant 0 : i32
    %dma_start3A_849 = tpu.memref_slice %arg8[%dma_start3A_847, %dma_start3A_848] : memref<32x128xf32, #tpu.memory_space<vmem>> -> memref<1x128xf32, #tpu.memory_space<vmem>>
    %dma_start3A_850 = tpu.memref_squeeze %dma_start3A_849 : memref<1x128xf32, #tpu.memory_space<vmem>> -> memref<128xf32, #tpu.memory_space<vmem>>
    %dma_start3A_851 = tpu.memref_slice %arg2[%add3A_845, %dma_start3A_846, %multiple_of3A_843] : memref<64x16x100000xf32, #tpu.memory_space<hbm>> -> memref<1x1x128xf32, #tpu.memory_space<hbm>>
    %dma_start3A_852 = tpu.memref_squeeze %dma_start3A_851 : memref<1x1x128xf32, #tpu.memory_space<hbm>> -> memref<128xf32, #tpu.memory_space<hbm>>
    %dma_start3A_853 = arith.constant 0 : i32
    %dma_start3A_854 = tpu.memref_slice %arg8[%dma_start3A_847, %dma_start3A_853] : memref<32x128xf32, #tpu.memory_space<vmem>> -> memref<1x128xf32, #tpu.memory_space<vmem>>
    %dma_start3A_855 = tpu.memref_squeeze %dma_start3A_854 : memref<1x128xf32, #tpu.memory_space<vmem>> -> memref<128xf32, #tpu.memory_space<vmem>>
    %dma_start3A_856 = tpu.memref_slice %arg2[%add3A_845, %dma_start3A_846, %multiple_of3A_843] : memref<64x16x100000xf32, #tpu.memory_space<hbm>> -> memref<1x1x128xf32, #tpu.memory_space<hbm>>
    %dma_start3A_857 = tpu.memref_squeeze %dma_start3A_856 : memref<1x1x128xf32, #tpu.memory_space<hbm>> -> memref<128xf32, #tpu.memory_space<hbm>>
    tpu.enqueue_dma source(%dma_start3A_857 : memref<128xf32, #tpu.memory_space<hbm>>) target(%dma_start3A_855 : memref<128xf32, #tpu.memory_space<vmem>>) target_semaphore(%arg10 : memref<!tpu.dma_semaphore, #tpu.memory_space<semaphore_mem>>)
    %add3A_858 = arith.constant 16 : i32
    %add3A_859 = arith.addi %multiple_of3A, %add3A_858 : i32
    %get3A_860 = arith.index_cast %add3A_859 : i32 to index
    %get3A_861 = tpu.vector_load %arg6[%get3A_860] {strides = array<i32>} : memref<1024xi32, #tpu.memory_space<vmem>>, vector<16xi32>,
    %eq3A_862 = arith.constant 10 : i32
    %eq3A_863 = vector.broadcast %eq3A_862 : i32 to vector<16xi32>
    %eq3A_864 = arith.cmpi eq, %iota3A, %eq3A_863 : vector<16xi32>
    %select_n3A_865 = arith.select %eq3A_864, %get3A_861, %broadcast_in_dim3A_5 : vector<16xi1>, vector<16xi32>
    %reduce_max3A_866 = arith.constant true
    %reduce_max3A_867 = vector.broadcast %reduce_max3A_866 : i1 to vector<16xi1>
    %reduce_max3A_868 = arith.constant -2147483648 : i32
    %reduce_max3A_869 = vector.broadcast %reduce_max3A_868 : i32 to vector<16xi32>
    %reduce_max3A_870 = arith.xori %select_n3A_865, %reduce_max3A_869 : vector<16xi32>
    %reduce_max3A_871 = tpu.scan <max>, %reduce_max3A_870 masked %reduce_max3A_867 : vector<16xi32>, vector<16xi1> -> vector<16xi32>
    %reduce_max3A_872 = arith.xori %reduce_max3A_871, %reduce_max3A_869 : vector<16xi32>
    %reduce_max3A_873 = vector.extract %reduce_max3A_872[15] : i32 from vector<16xi32>
    %and3A_874 = arith.constant -128 : i32
    %and3A_875 = arith.andi %reduce_max3A_873, %and3A_874 : i32
    %multiple_of3A_876 = tpu.assume_multiple %and3A_875, 128 : i32
    %add3A_877 = arith.constant 1 : i32
    %add3A_878 = arith.addi %mul3A_4, %add3A_877 : i32
    %dma_start3A_879 = arith.constant 10 : i32
    %dma_start3A_880 = arith.constant 26 : i32
    %dma_start3A_881 = arith.constant 0 : i32
    %dma_start3A_882 = tpu.memref_slice %arg8[%dma_start3A_880, %dma_start3A_881] : memref<32x128xf32, #tpu.memory_space<vmem>> -> memref<1x128xf32, #tpu.memory_space<vmem>>
    %dma_start3A_883 = tpu.memref_squeeze %dma_start3A_882 : memref<1x128xf32, #tpu.memory_space<vmem>> -> memref<128xf32, #tpu.memory_space<vmem>>
    %dma_start3A_884 = tpu.memref_slice %arg2[%add3A_878, %dma_start3A_879, %multiple_of3A_876] : memref<64x16x100000xf32, #tpu.memory_space<hbm>> -> memref<1x1x128xf32, #tpu.memory_space<hbm>>
    %dma_start3A_885 = tpu.memref_squeeze %dma_start3A_884 : memref<1x1x128xf32, #tpu.memory_space<hbm>> -> memref<128xf32, #tpu.memory_space<hbm>>
    %dma_start3A_886 = arith.constant 0 : i32
    %dma_start3A_887 = tpu.memref_slice %arg8[%dma_start3A_880, %dma_start3A_886] : memref<32x128xf32, #tpu.memory_space<vmem>> -> memref<1x128xf32, #tpu.memory_space<vmem>>
    %dma_start3A_888 = tpu.memref_squeeze %dma_start3A_887 : memref<1x128xf32, #tpu.memory_space<vmem>> -> memref<128xf32, #tpu.memory_space<vmem>>
    %dma_start3A_889 = tpu.memref_slice %arg2[%add3A_878, %dma_start3A_879, %multiple_of3A_876] : memref<64x16x100000xf32, #tpu.memory_space<hbm>> -> memref<1x1x128xf32, #tpu.memory_space<hbm>>
    %dma_start3A_890 = tpu.memref_squeeze %dma_start3A_889 : memref<1x1x128xf32, #tpu.memory_space<hbm>> -> memref<128xf32, #tpu.memory_space<hbm>>
    tpu.enqueue_dma source(%dma_start3A_890 : memref<128xf32, #tpu.memory_space<hbm>>) target(%dma_start3A_888 : memref<128xf32, #tpu.memory_space<vmem>>) target_semaphore(%arg10 : memref<!tpu.dma_semaphore, #tpu.memory_space<semaphore_mem>>)
    %add3A_891 = arith.constant 16 : i32
    %add3A_892 = arith.addi %multiple_of3A, %add3A_891 : i32
    %get3A_893 = arith.index_cast %add3A_892 : i32 to index
    %get3A_894 = tpu.vector_load %arg6[%get3A_893] {strides = array<i32>} : memref<1024xi32, #tpu.memory_space<vmem>>, vector<16xi32>,
    %eq3A_895 = arith.constant 11 : i32
    %eq3A_896 = vector.broadcast %eq3A_895 : i32 to vector<16xi32>
    %eq3A_897 = arith.cmpi eq, %iota3A, %eq3A_896 : vector<16xi32>
    %select_n3A_898 = arith.select %eq3A_897, %get3A_894, %broadcast_in_dim3A_5 : vector<16xi1>, vector<16xi32>
    %reduce_max3A_899 = arith.constant true
    %reduce_max3A_900 = vector.broadcast %reduce_max3A_899 : i1 to vector<16xi1>
    %reduce_max3A_901 = arith.constant -2147483648 : i32
    %reduce_max3A_902 = vector.broadcast %reduce_max3A_901 : i32 to vector<16xi32>
    %reduce_max3A_903 = arith.xori %select_n3A_898, %reduce_max3A_902 : vector<16xi32>
    %reduce_max3A_904 = tpu.scan <max>, %reduce_max3A_903 masked %reduce_max3A_900 : vector<16xi32>, vector<16xi1> -> vector<16xi32>
    %reduce_max3A_905 = arith.xori %reduce_max3A_904, %reduce_max3A_902 : vector<16xi32>
    %reduce_max3A_906 = vector.extract %reduce_max3A_905[15] : i32 from vector<16xi32>
    %and3A_907 = arith.constant -128 : i32
    %and3A_908 = arith.andi %reduce_max3A_906, %and3A_907 : i32
    %multiple_of3A_909 = tpu.assume_multiple %and3A_908, 128 : i32
    %add3A_910 = arith.constant 1 : i32
    %add3A_911 = arith.addi %mul3A_4, %add3A_910 : i32
    %dma_start3A_912 = arith.constant 11 : i32
    %dma_start3A_913 = arith.constant 27 : i32
    %dma_start3A_914 = arith.constant 0 : i32
    %dma_start3A_915 = tpu.memref_slice %arg8[%dma_start3A_913, %dma_start3A_914] : memref<32x128xf32, #tpu.memory_space<vmem>> -> memref<1x128xf32, #tpu.memory_space<vmem>>
    %dma_start3A_916 = tpu.memref_squeeze %dma_start3A_915 : memref<1x128xf32, #tpu.memory_space<vmem>> -> memref<128xf32, #tpu.memory_space<vmem>>
    %dma_start3A_917 = tpu.memref_slice %arg2[%add3A_911, %dma_start3A_912, %multiple_of3A_909] : memref<64x16x100000xf32, #tpu.memory_space<hbm>> -> memref<1x1x128xf32, #tpu.memory_space<hbm>>
    %dma_start3A_918 = tpu.memref_squeeze %dma_start3A_917 : memref<1x1x128xf32, #tpu.memory_space<hbm>> -> memref<128xf32, #tpu.memory_space<hbm>>
    %dma_start3A_919 = arith.constant 0 : i32
    %dma_start3A_920 = tpu.memref_slice %arg8[%dma_start3A_913, %dma_start3A_919] : memref<32x128xf32, #tpu.memory_space<vmem>> -> memref<1x128xf32, #tpu.memory_space<vmem>>
    %dma_start3A_921 = tpu.memref_squeeze %dma_start3A_920 : memref<1x128xf32, #tpu.memory_space<vmem>> -> memref<128xf32, #tpu.memory_space<vmem>>
    %dma_start3A_922 = tpu.memref_slice %arg2[%add3A_911, %dma_start3A_912, %multiple_of3A_909] : memref<64x16x100000xf32, #tpu.memory_space<hbm>> -> memref<1x1x128xf32, #tpu.memory_space<hbm>>
    %dma_start3A_923 = tpu.memref_squeeze %dma_start3A_922 : memref<1x1x128xf32, #tpu.memory_space<hbm>> -> memref<128xf32, #tpu.memory_space<hbm>>
    tpu.enqueue_dma source(%dma_start3A_923 : memref<128xf32, #tpu.memory_space<hbm>>) target(%dma_start3A_921 : memref<128xf32, #tpu.memory_space<vmem>>) target_semaphore(%arg10 : memref<!tpu.dma_semaphore, #tpu.memory_space<semaphore_mem>>)
    %add3A_924 = arith.constant 16 : i32
    %add3A_925 = arith.addi %multiple_of3A, %add3A_924 : i32
    %get3A_926 = arith.index_cast %add3A_925 : i32 to index
    %get3A_927 = tpu.vector_load %arg6[%get3A_926] {strides = array<i32>} : memref<1024xi32, #tpu.memory_space<vmem>>, vector<16xi32>,
    %eq3A_928 = arith.constant 12 : i32
    %eq3A_929 = vector.broadcast %eq3A_928 : i32 to vector<16xi32>
    %eq3A_930 = arith.cmpi eq, %iota3A, %eq3A_929 : vector<16xi32>
    %select_n3A_931 = arith.select %eq3A_930, %get3A_927, %broadcast_in_dim3A_5 : vector<16xi1>, vector<16xi32>
    %reduce_max3A_932 = arith.constant true
    %reduce_max3A_933 = vector.broadcast %reduce_max3A_932 : i1 to vector<16xi1>
    %reduce_max3A_934 = arith.constant -2147483648 : i32
    %reduce_max3A_935 = vector.broadcast %reduce_max3A_934 : i32 to vector<16xi32>
    %reduce_max3A_936 = arith.xori %select_n3A_931, %reduce_max3A_935 : vector<16xi32>
    %reduce_max3A_937 = tpu.scan <max>, %reduce_max3A_936 masked %reduce_max3A_933 : vector<16xi32>, vector<16xi1> -> vector<16xi32>
    %reduce_max3A_938 = arith.xori %reduce_max3A_937, %reduce_max3A_935 : vector<16xi32>
    %reduce_max3A_939 = vector.extract %reduce_max3A_938[15] : i32 from vector<16xi32>
    %and3A_940 = arith.constant -128 : i32
    %and3A_941 = arith.andi %reduce_max3A_939, %and3A_940 : i32
    %multiple_of3A_942 = tpu.assume_multiple %and3A_941, 128 : i32
    %add3A_943 = arith.constant 1 : i32
    %add3A_944 = arith.addi %mul3A_4, %add3A_943 : i32
    %dma_start3A_945 = arith.constant 12 : i32
    %dma_start3A_946 = arith.constant 28 : i32
    %dma_start3A_947 = arith.constant 0 : i32
    %dma_start3A_948 = tpu.memref_slice %arg8[%dma_start3A_946, %dma_start3A_947] : memref<32x128xf32, #tpu.memory_space<vmem>> -> memref<1x128xf32, #tpu.memory_space<vmem>>
    %dma_start3A_949 = tpu.memref_squeeze %dma_start3A_948 : memref<1x128xf32, #tpu.memory_space<vmem>> -> memref<128xf32, #tpu.memory_space<vmem>>
    %dma_start3A_950 = tpu.memref_slice %arg2[%add3A_944, %dma_start3A_945, %multiple_of3A_942] : memref<64x16x100000xf32, #tpu.memory_space<hbm>> -> memref<1x1x128xf32, #tpu.memory_space<hbm>>
    %dma_start3A_951 = tpu.memref_squeeze %dma_start3A_950 : memref<1x1x128xf32, #tpu.memory_space<hbm>> -> memref<128xf32, #tpu.memory_space<hbm>>
    %dma_start3A_952 = arith.constant 0 : i32
    %dma_start3A_953 = tpu.memref_slice %arg8[%dma_start3A_946, %dma_start3A_952] : memref<32x128xf32, #tpu.memory_space<vmem>> -> memref<1x128xf32, #tpu.memory_space<vmem>>
    %dma_start3A_954 = tpu.memref_squeeze %dma_start3A_953 : memref<1x128xf32, #tpu.memory_space<vmem>> -> memref<128xf32, #tpu.memory_space<vmem>>
    %dma_start3A_955 = tpu.memref_slice %arg2[%add3A_944, %dma_start3A_945, %multiple_of3A_942] : memref<64x16x100000xf32, #tpu.memory_space<hbm>> -> memref<1x1x128xf32, #tpu.memory_space<hbm>>
    %dma_start3A_956 = tpu.memref_squeeze %dma_start3A_955 : memref<1x1x128xf32, #tpu.memory_space<hbm>> -> memref<128xf32, #tpu.memory_space<hbm>>
    tpu.enqueue_dma source(%dma_start3A_956 : memref<128xf32, #tpu.memory_space<hbm>>) target(%dma_start3A_954 : memref<128xf32, #tpu.memory_space<vmem>>) target_semaphore(%arg10 : memref<!tpu.dma_semaphore, #tpu.memory_space<semaphore_mem>>)
    %add3A_957 = arith.constant 16 : i32
    %add3A_958 = arith.addi %multiple_of3A, %add3A_957 : i32
    %get3A_959 = arith.index_cast %add3A_958 : i32 to index
    %get3A_960 = tpu.vector_load %arg6[%get3A_959] {strides = array<i32>} : memref<1024xi32, #tpu.memory_space<vmem>>, vector<16xi32>,
    %eq3A_961 = arith.constant 13 : i32
    %eq3A_962 = vector.broadcast %eq3A_961 : i32 to vector<16xi32>
    %eq3A_963 = arith.cmpi eq, %iota3A, %eq3A_962 : vector<16xi32>
    %select_n3A_964 = arith.select %eq3A_963, %get3A_960, %broadcast_in_dim3A_5 : vector<16xi1>, vector<16xi32>
    %reduce_max3A_965 = arith.constant true
    %reduce_max3A_966 = vector.broadcast %reduce_max3A_965 : i1 to vector<16xi1>
    %reduce_max3A_967 = arith.constant -2147483648 : i32
    %reduce_max3A_968 = vector.broadcast %reduce_max3A_967 : i32 to vector<16xi32>
    %reduce_max3A_969 = arith.xori %select_n3A_964, %reduce_max3A_968 : vector<16xi32>
    %reduce_max3A_970 = tpu.scan <max>, %reduce_max3A_969 masked %reduce_max3A_966 : vector<16xi32>, vector<16xi1> -> vector<16xi32>
    %reduce_max3A_971 = arith.xori %reduce_max3A_970, %reduce_max3A_968 : vector<16xi32>
    %reduce_max3A_972 = vector.extract %reduce_max3A_971[15] : i32 from vector<16xi32>
    %and3A_973 = arith.constant -128 : i32
    %and3A_974 = arith.andi %reduce_max3A_972, %and3A_973 : i32
    %multiple_of3A_975 = tpu.assume_multiple %and3A_974, 128 : i32
    %add3A_976 = arith.constant 1 : i32
    %add3A_977 = arith.addi %mul3A_4, %add3A_976 : i32
    %dma_start3A_978 = arith.constant 13 : i32
    %dma_start3A_979 = arith.constant 29 : i32
    %dma_start3A_980 = arith.constant 0 : i32
    %dma_start3A_981 = tpu.memref_slice %arg8[%dma_start3A_979, %dma_start3A_980] : memref<32x128xf32, #tpu.memory_space<vmem>> -> memref<1x128xf32, #tpu.memory_space<vmem>>
    %dma_start3A_982 = tpu.memref_squeeze %dma_start3A_981 : memref<1x128xf32, #tpu.memory_space<vmem>> -> memref<128xf32, #tpu.memory_space<vmem>>
    %dma_start3A_983 = tpu.memref_slice %arg2[%add3A_977, %dma_start3A_978, %multiple_of3A_975] : memref<64x16x100000xf32, #tpu.memory_space<hbm>> -> memref<1x1x128xf32, #tpu.memory_space<hbm>>
    %dma_start3A_984 = tpu.memref_squeeze %dma_start3A_983 : memref<1x1x128xf32, #tpu.memory_space<hbm>> -> memref<128xf32, #tpu.memory_space<hbm>>
    %dma_start3A_985 = arith.constant 0 : i32
    %dma_start3A_986 = tpu.memref_slice %arg8[%dma_start3A_979, %dma_start3A_985] : memref<32x128xf32, #tpu.memory_space<vmem>> -> memref<1x128xf32, #tpu.memory_space<vmem>>
    %dma_start3A_987 = tpu.memref_squeeze %dma_start3A_986 : memref<1x128xf32, #tpu.memory_space<vmem>> -> memref<128xf32, #tpu.memory_space<vmem>>
    %dma_start3A_988 = tpu.memref_slice %arg2[%add3A_977, %dma_start3A_978, %multiple_of3A_975] : memref<64x16x100000xf32, #tpu.memory_space<hbm>> -> memref<1x1x128xf32, #tpu.memory_space<hbm>>
    %dma_start3A_989 = tpu.memref_squeeze %dma_start3A_988 : memref<1x1x128xf32, #tpu.memory_space<hbm>> -> memref<128xf32, #tpu.memory_space<hbm>>
    tpu.enqueue_dma source(%dma_start3A_989 : memref<128xf32, #tpu.memory_space<hbm>>) target(%dma_start3A_987 : memref<128xf32, #tpu.memory_space<vmem>>) target_semaphore(%arg10 : memref<!tpu.dma_semaphore, #tpu.memory_space<semaphore_mem>>)
    %add3A_990 = arith.constant 16 : i32
    %add3A_991 = arith.addi %multiple_of3A, %add3A_990 : i32
    %get3A_992 = arith.index_cast %add3A_991 : i32 to index
    %get3A_993 = tpu.vector_load %arg6[%get3A_992] {strides = array<i32>} : memref<1024xi32, #tpu.memory_space<vmem>>, vector<16xi32>,
    %eq3A_994 = arith.constant 14 : i32
    %eq3A_995 = vector.broadcast %eq3A_994 : i32 to vector<16xi32>
    %eq3A_996 = arith.cmpi eq, %iota3A, %eq3A_995 : vector<16xi32>
    %select_n3A_997 = arith.select %eq3A_996, %get3A_993, %broadcast_in_dim3A_5 : vector<16xi1>, vector<16xi32>
    %reduce_max3A_998 = arith.constant true
    %reduce_max3A_999 = vector.broadcast %reduce_max3A_998 : i1 to vector<16xi1>
    %reduce_max3A_1000 = arith.constant -2147483648 : i32
    %reduce_max3A_1001 = vector.broadcast %reduce_max3A_1000 : i32 to vector<16xi32>
    %reduce_max3A_1002 = arith.xori %select_n3A_997, %reduce_max3A_1001 : vector<16xi32>
    %reduce_max3A_1003 = tpu.scan <max>, %reduce_max3A_1002 masked %reduce_max3A_999 : vector<16xi32>, vector<16xi1> -> vector<16xi32>
    %reduce_max3A_1004 = arith.xori %reduce_max3A_1003, %reduce_max3A_1001 : vector<16xi32>
    %reduce_max3A_1005 = vector.extract %reduce_max3A_1004[15] : i32 from vector<16xi32>
    %and3A_1006 = arith.constant -128 : i32
    %and3A_1007 = arith.andi %reduce_max3A_1005, %and3A_1006 : i32
    %multiple_of3A_1008 = tpu.assume_multiple %and3A_1007, 128 : i32
    %add3A_1009 = arith.constant 1 : i32
    %add3A_1010 = arith.addi %mul3A_4, %add3A_1009 : i32
    %dma_start3A_1011 = arith.constant 14 : i32
    %dma_start3A_1012 = arith.constant 30 : i32
    %dma_start3A_1013 = arith.constant 0 : i32
    %dma_start3A_1014 = tpu.memref_slice %arg8[%dma_start3A_1012, %dma_start3A_1013] : memref<32x128xf32, #tpu.memory_space<vmem>> -> memref<1x128xf32, #tpu.memory_space<vmem>>
    %dma_start3A_1015 = tpu.memref_squeeze %dma_start3A_1014 : memref<1x128xf32, #tpu.memory_space<vmem>> -> memref<128xf32, #tpu.memory_space<vmem>>
    %dma_start3A_1016 = tpu.memref_slice %arg2[%add3A_1010, %dma_start3A_1011, %multiple_of3A_1008] : memref<64x16x100000xf32, #tpu.memory_space<hbm>> -> memref<1x1x128xf32, #tpu.memory_space<hbm>>
    %dma_start3A_1017 = tpu.memref_squeeze %dma_start3A_1016 : memref<1x1x128xf32, #tpu.memory_space<hbm>> -> memref<128xf32, #tpu.memory_space<hbm>>
    %dma_start3A_1018 = arith.constant 0 : i32
    %dma_start3A_1019 = tpu.memref_slice %arg8[%dma_start3A_1012, %dma_start3A_1018] : memref<32x128xf32, #tpu.memory_space<vmem>> -> memref<1x128xf32, #tpu.memory_space<vmem>>
    %dma_start3A_1020 = tpu.memref_squeeze %dma_start3A_1019 : memref<1x128xf32, #tpu.memory_space<vmem>> -> memref<128xf32, #tpu.memory_space<vmem>>
    %dma_start3A_1021 = tpu.memref_slice %arg2[%add3A_1010, %dma_start3A_1011, %multiple_of3A_1008] : memref<64x16x100000xf32, #tpu.memory_space<hbm>> -> memref<1x1x128xf32, #tpu.memory_space<hbm>>
    %dma_start3A_1022 = tpu.memref_squeeze %dma_start3A_1021 : memref<1x1x128xf32, #tpu.memory_space<hbm>> -> memref<128xf32, #tpu.memory_space<hbm>>
    tpu.enqueue_dma source(%dma_start3A_1022 : memref<128xf32, #tpu.memory_space<hbm>>) target(%dma_start3A_1020 : memref<128xf32, #tpu.memory_space<vmem>>) target_semaphore(%arg10 : memref<!tpu.dma_semaphore, #tpu.memory_space<semaphore_mem>>)
    %add3A_1023 = arith.constant 16 : i32
    %add3A_1024 = arith.addi %multiple_of3A, %add3A_1023 : i32
    %get3A_1025 = arith.index_cast %add3A_1024 : i32 to index
    %get3A_1026 = tpu.vector_load %arg6[%get3A_1025] {strides = array<i32>} : memref<1024xi32, #tpu.memory_space<vmem>>, vector<16xi32>,
    %eq3A_1027 = arith.constant 15 : i32
    %eq3A_1028 = vector.broadcast %eq3A_1027 : i32 to vector<16xi32>
    %eq3A_1029 = arith.cmpi eq, %iota3A, %eq3A_1028 : vector<16xi32>
    %select_n3A_1030 = arith.select %eq3A_1029, %get3A_1026, %broadcast_in_dim3A_5 : vector<16xi1>, vector<16xi32>
    %reduce_max3A_1031 = arith.constant true
    %reduce_max3A_1032 = vector.broadcast %reduce_max3A_1031 : i1 to vector<16xi1>
    %reduce_max3A_1033 = arith.constant -2147483648 : i32
    %reduce_max3A_1034 = vector.broadcast %reduce_max3A_1033 : i32 to vector<16xi32>
    %reduce_max3A_1035 = arith.xori %select_n3A_1030, %reduce_max3A_1034 : vector<16xi32>
    %reduce_max3A_1036 = tpu.scan <max>, %reduce_max3A_1035 masked %reduce_max3A_1032 : vector<16xi32>, vector<16xi1> -> vector<16xi32>
    %reduce_max3A_1037 = arith.xori %reduce_max3A_1036, %reduce_max3A_1034 : vector<16xi32>
    %reduce_max3A_1038 = vector.extract %reduce_max3A_1037[15] : i32 from vector<16xi32>
    %and3A_1039 = arith.constant -128 : i32
    %and3A_1040 = arith.andi %reduce_max3A_1038, %and3A_1039 : i32
    %multiple_of3A_1041 = tpu.assume_multiple %and3A_1040, 128 : i32
    %add3A_1042 = arith.constant 1 : i32
    %add3A_1043 = arith.addi %mul3A_4, %add3A_1042 : i32
    %dma_start3A_1044 = arith.constant 15 : i32
    %dma_start3A_1045 = arith.constant 31 : i32
    %dma_start3A_1046 = arith.constant 0 : i32
    %dma_start3A_1047 = tpu.memref_slice %arg8[%dma_start3A_1045, %dma_start3A_1046] : memref<32x128xf32, #tpu.memory_space<vmem>> -> memref<1x128xf32, #tpu.memory_space<vmem>>
    %dma_start3A_1048 = tpu.memref_squeeze %dma_start3A_1047 : memref<1x128xf32, #tpu.memory_space<vmem>> -> memref<128xf32, #tpu.memory_space<vmem>>
    %dma_start3A_1049 = tpu.memref_slice %arg2[%add3A_1043, %dma_start3A_1044, %multiple_of3A_1041] : memref<64x16x100000xf32, #tpu.memory_space<hbm>> -> memref<1x1x128xf32, #tpu.memory_space<hbm>>
    %dma_start3A_1050 = tpu.memref_squeeze %dma_start3A_1049 : memref<1x1x128xf32, #tpu.memory_space<hbm>> -> memref<128xf32, #tpu.memory_space<hbm>>
    %dma_start3A_1051 = arith.constant 0 : i32
    %dma_start3A_1052 = tpu.memref_slice %arg8[%dma_start3A_1045, %dma_start3A_1051] : memref<32x128xf32, #tpu.memory_space<vmem>> -> memref<1x128xf32, #tpu.memory_space<vmem>>
    %dma_start3A_1053 = tpu.memref_squeeze %dma_start3A_1052 : memref<1x128xf32, #tpu.memory_space<vmem>> -> memref<128xf32, #tpu.memory_space<vmem>>
    %dma_start3A_1054 = tpu.memref_slice %arg2[%add3A_1043, %dma_start3A_1044, %multiple_of3A_1041] : memref<64x16x100000xf32, #tpu.memory_space<hbm>> -> memref<1x1x128xf32, #tpu.memory_space<hbm>>
    %dma_start3A_1055 = tpu.memref_squeeze %dma_start3A_1054 : memref<1x1x128xf32, #tpu.memory_space<hbm>> -> memref<128xf32, #tpu.memory_space<hbm>>
    tpu.enqueue_dma source(%dma_start3A_1055 : memref<128xf32, #tpu.memory_space<hbm>>) target(%dma_start3A_1053 : memref<128xf32, #tpu.memory_space<vmem>>) target_semaphore(%arg10 : memref<!tpu.dma_semaphore, #tpu.memory_space<semaphore_mem>>)
    %dma_wait3A = arith.constant 0 : i32
    %dma_wait3A_1056 = arith.constant 0 : i32
    %dma_wait3A_1057 = arith.constant 0 : i32
    %dma_wait3A_1058 = tpu.memref_slice %arg8[%dma_wait3A_1056, %dma_wait3A_1057] : memref<32x128xf32, #tpu.memory_space<vmem>> -> memref<1x128xf32, #tpu.memory_space<vmem>>
    %dma_wait3A_1059 = tpu.memref_squeeze %dma_wait3A_1058 : memref<1x128xf32, #tpu.memory_space<vmem>> -> memref<128xf32, #tpu.memory_space<vmem>>
    %dma_wait3A_1060 = tpu.memref_slice %arg2[%add3A_21, %dma_wait3A, %multiple_of3A_19] : memref<64x16x100000xf32, #tpu.memory_space<hbm>> -> memref<1x1x128xf32, #tpu.memory_space<hbm>>
    %dma_wait3A_1061 = tpu.memref_squeeze %dma_wait3A_1060 : memref<1x1x128xf32, #tpu.memory_space<hbm>> -> memref<128xf32, #tpu.memory_space<hbm>>
    %dma_wait3A_1062 = arith.constant 0 : i32
    %dma_wait3A_1063 = tpu.memref_slice %arg8[%dma_wait3A_1056, %dma_wait3A_1062] : memref<32x128xf32, #tpu.memory_space<vmem>> -> memref<1x128xf32, #tpu.memory_space<vmem>>
    %dma_wait3A_1064 = tpu.memref_squeeze %dma_wait3A_1063 : memref<1x128xf32, #tpu.memory_space<vmem>> -> memref<128xf32, #tpu.memory_space<vmem>>
    %dma_wait3A_1065 = tpu.memref_slice %arg2[%add3A_21, %dma_wait3A, %multiple_of3A_19] : memref<64x16x100000xf32, #tpu.memory_space<hbm>> -> memref<1x1x128xf32, #tpu.memory_space<hbm>>
    %dma_wait3A_1066 = tpu.memref_squeeze %dma_wait3A_1065 : memref<1x1x128xf32, #tpu.memory_space<hbm>> -> memref<128xf32, #tpu.memory_space<hbm>>
    tpu.wait_dma2 semaphore(%arg10 : memref<!tpu.dma_semaphore, #tpu.memory_space<semaphore_mem>>) src(%dma_wait3A_1066 : memref<128xf32, #tpu.memory_space<hbm>>) dst(%dma_wait3A_1064 : memref<128xf32, #tpu.memory_space<vmem>>)
    %dma_wait3A_1067 = arith.constant 1 : i32
    %dma_wait3A_1068 = arith.constant 1 : i32
    %dma_wait3A_1069 = arith.constant 0 : i32
    %dma_wait3A_1070 = tpu.memref_slice %arg8[%dma_wait3A_1068, %dma_wait3A_1069] : memref<32x128xf32, #tpu.memory_space<vmem>> -> memref<1x128xf32, #tpu.memory_space<vmem>>
    %dma_wait3A_1071 = tpu.memref_squeeze %dma_wait3A_1070 : memref<1x128xf32, #tpu.memory_space<vmem>> -> memref<128xf32, #tpu.memory_space<vmem>>
    %dma_wait3A_1072 = tpu.memref_slice %arg2[%add3A_53, %dma_wait3A_1067, %multiple_of3A_51] : memref<64x16x100000xf32, #tpu.memory_space<hbm>> -> memref<1x1x128xf32, #tpu.memory_space<hbm>>
    %dma_wait3A_1073 = tpu.memref_squeeze %dma_wait3A_1072 : memref<1x1x128xf32, #tpu.memory_space<hbm>> -> memref<128xf32, #tpu.memory_space<hbm>>
    %dma_wait3A_1074 = arith.constant 0 : i32
    %dma_wait3A_1075 = tpu.memref_slice %arg8[%dma_wait3A_1068, %dma_wait3A_1074] : memref<32x128xf32, #tpu.memory_space<vmem>> -> memref<1x128xf32, #tpu.memory_space<vmem>>
    %dma_wait3A_1076 = tpu.memref_squeeze %dma_wait3A_1075 : memref<1x128xf32, #tpu.memory_space<vmem>> -> memref<128xf32, #tpu.memory_space<vmem>>
    %dma_wait3A_1077 = tpu.memref_slice %arg2[%add3A_53, %dma_wait3A_1067, %multiple_of3A_51] : memref<64x16x100000xf32, #tpu.memory_space<hbm>> -> memref<1x1x128xf32, #tpu.memory_space<hbm>>
    %dma_wait3A_1078 = tpu.memref_squeeze %dma_wait3A_1077 : memref<1x1x128xf32, #tpu.memory_space<hbm>> -> memref<128xf32, #tpu.memory_space<hbm>>
    tpu.wait_dma2 semaphore(%arg10 : memref<!tpu.dma_semaphore, #tpu.memory_space<semaphore_mem>>) src(%dma_wait3A_1078 : memref<128xf32, #tpu.memory_space<hbm>>) dst(%dma_wait3A_1076 : memref<128xf32, #tpu.memory_space<vmem>>)
    %dma_wait3A_1079 = arith.constant 2 : i32
    %dma_wait3A_1080 = arith.constant 2 : i32
    %dma_wait3A_1081 = arith.constant 0 : i32
    %dma_wait3A_1082 = tpu.memref_slice %arg8[%dma_wait3A_1080, %dma_wait3A_1081] : memref<32x128xf32, #tpu.memory_space<vmem>> -> memref<1x128xf32, #tpu.memory_space<vmem>>
    %dma_wait3A_1083 = tpu.memref_squeeze %dma_wait3A_1082 : memref<1x128xf32, #tpu.memory_space<vmem>> -> memref<128xf32, #tpu.memory_space<vmem>>
    %dma_wait3A_1084 = tpu.memref_slice %arg2[%add3A_86, %dma_wait3A_1079, %multiple_of3A_84] : memref<64x16x100000xf32, #tpu.memory_space<hbm>> -> memref<1x1x128xf32, #tpu.memory_space<hbm>>
    %dma_wait3A_1085 = tpu.memref_squeeze %dma_wait3A_1084 : memref<1x1x128xf32, #tpu.memory_space<hbm>> -> memref<128xf32, #tpu.memory_space<hbm>>
    %dma_wait3A_1086 = arith.constant 0 : i32
    %dma_wait3A_1087 = tpu.memref_slice %arg8[%dma_wait3A_1080, %dma_wait3A_1086] : memref<32x128xf32, #tpu.memory_space<vmem>> -> memref<1x128xf32, #tpu.memory_space<vmem>>
    %dma_wait3A_1088 = tpu.memref_squeeze %dma_wait3A_1087 : memref<1x128xf32, #tpu.memory_space<vmem>> -> memref<128xf32, #tpu.memory_space<vmem>>
    %dma_wait3A_1089 = tpu.memref_slice %arg2[%add3A_86, %dma_wait3A_1079, %multiple_of3A_84] : memref<64x16x100000xf32, #tpu.memory_space<hbm>> -> memref<1x1x128xf32, #tpu.memory_space<hbm>>
    %dma_wait3A_1090 = tpu.memref_squeeze %dma_wait3A_1089 : memref<1x1x128xf32, #tpu.memory_space<hbm>> -> memref<128xf32, #tpu.memory_space<hbm>>
    tpu.wait_dma2 semaphore(%arg10 : memref<!tpu.dma_semaphore, #tpu.memory_space<semaphore_mem>>) src(%dma_wait3A_1090 : memref<128xf32, #tpu.memory_space<hbm>>) dst(%dma_wait3A_1088 : memref<128xf32, #tpu.memory_space<vmem>>)
    %dma_wait3A_1091 = arith.constant 3 : i32
    %dma_wait3A_1092 = arith.constant 3 : i32
    %dma_wait3A_1093 = arith.constant 0 : i32
    %dma_wait3A_1094 = tpu.memref_slice %arg8[%dma_wait3A_1092, %dma_wait3A_1093] : memref<32x128xf32, #tpu.memory_space<vmem>> -> memref<1x128xf32, #tpu.memory_space<vmem>>
    %dma_wait3A_1095 = tpu.memref_squeeze %dma_wait3A_1094 : memref<1x128xf32, #tpu.memory_space<vmem>> -> memref<128xf32, #tpu.memory_space<vmem>>
    %dma_wait3A_1096 = tpu.memref_slice %arg2[%add3A_119, %dma_wait3A_1091, %multiple_of3A_117] : memref<64x16x100000xf32, #tpu.memory_space<hbm>> -> memref<1x1x128xf32, #tpu.memory_space<hbm>>
    %dma_wait3A_1097 = tpu.memref_squeeze %dma_wait3A_1096 : memref<1x1x128xf32, #tpu.memory_space<hbm>> -> memref<128xf32, #tpu.memory_space<hbm>>
    %dma_wait3A_1098 = arith.constant 0 : i32
    %dma_wait3A_1099 = tpu.memref_slice %arg8[%dma_wait3A_1092, %dma_wait3A_1098] : memref<32x128xf32, #tpu.memory_space<vmem>> -> memref<1x128xf32, #tpu.memory_space<vmem>>
    %dma_wait3A_1100 = tpu.memref_squeeze %dma_wait3A_1099 : memref<1x128xf32, #tpu.memory_space<vmem>> -> memref<128xf32, #tpu.memory_space<vmem>>
    %dma_wait3A_1101 = tpu.memref_slice %arg2[%add3A_119, %dma_wait3A_1091, %multiple_of3A_117] : memref<64x16x100000xf32, #tpu.memory_space<hbm>> -> memref<1x1x128xf32, #tpu.memory_space<hbm>>
    %dma_wait3A_1102 = tpu.memref_squeeze %dma_wait3A_1101 : memref<1x1x128xf32, #tpu.memory_space<hbm>> -> memref<128xf32, #tpu.memory_space<hbm>>
    tpu.wait_dma2 semaphore(%arg10 : memref<!tpu.dma_semaphore, #tpu.memory_space<semaphore_mem>>) src(%dma_wait3A_1102 : memref<128xf32, #tpu.memory_space<hbm>>) dst(%dma_wait3A_1100 : memref<128xf32, #tpu.memory_space<vmem>>)
    %dma_wait3A_1103 = arith.constant 4 : i32
    %dma_wait3A_1104 = arith.constant 4 : i32
    %dma_wait3A_1105 = arith.constant 0 : i32
    %dma_wait3A_1106 = tpu.memref_slice %arg8[%dma_wait3A_1104, %dma_wait3A_1105] : memref<32x128xf32, #tpu.memory_space<vmem>> -> memref<1x128xf32, #tpu.memory_space<vmem>>
    %dma_wait3A_1107 = tpu.memref_squeeze %dma_wait3A_1106 : memref<1x128xf32, #tpu.memory_space<vmem>> -> memref<128xf32, #tpu.memory_space<vmem>>
    %dma_wait3A_1108 = tpu.memref_slice %arg2[%add3A_152, %dma_wait3A_1103, %multiple_of3A_150] : memref<64x16x100000xf32, #tpu.memory_space<hbm>> -> memref<1x1x128xf32, #tpu.memory_space<hbm>>
    %dma_wait3A_1109 = tpu.memref_squeeze %dma_wait3A_1108 : memref<1x1x128xf32, #tpu.memory_space<hbm>> -> memref<128xf32, #tpu.memory_space<hbm>>
    %dma_wait3A_1110 = arith.constant 0 : i32
    %dma_wait3A_1111 = tpu.memref_slice %arg8[%dma_wait3A_1104, %dma_wait3A_1110] : memref<32x128xf32, #tpu.memory_space<vmem>> -> memref<1x128xf32, #tpu.memory_space<vmem>>
    %dma_wait3A_1112 = tpu.memref_squeeze %dma_wait3A_1111 : memref<1x128xf32, #tpu.memory_space<vmem>> -> memref<128xf32, #tpu.memory_space<vmem>>
    %dma_wait3A_1113 = tpu.memref_slice %arg2[%add3A_152, %dma_wait3A_1103, %multiple_of3A_150] : memref<64x16x100000xf32, #tpu.memory_space<hbm>> -> memref<1x1x128xf32, #tpu.memory_space<hbm>>
    %dma_wait3A_1114 = tpu.memref_squeeze %dma_wait3A_1113 : memref<1x1x128xf32, #tpu.memory_space<hbm>> -> memref<128xf32, #tpu.memory_space<hbm>>
    tpu.wait_dma2 semaphore(%arg10 : memref<!tpu.dma_semaphore, #tpu.memory_space<semaphore_mem>>) src(%dma_wait3A_1114 : memref<128xf32, #tpu.memory_space<hbm>>) dst(%dma_wait3A_1112 : memref<128xf32, #tpu.memory_space<vmem>>)
    %dma_wait3A_1115 = arith.constant 5 : i32
    %dma_wait3A_1116 = arith.constant 5 : i32
    %dma_wait3A_1117 = arith.constant 0 : i32
    %dma_wait3A_1118 = tpu.memref_slice %arg8[%dma_wait3A_1116, %dma_wait3A_1117] : memref<32x128xf32, #tpu.memory_space<vmem>> -> memref<1x128xf32, #tpu.memory_space<vmem>>
    %dma_wait3A_1119 = tpu.memref_squeeze %dma_wait3A_1118 : memref<1x128xf32, #tpu.memory_space<vmem>> -> memref<128xf32, #tpu.memory_space<vmem>>
    %dma_wait3A_1120 = tpu.memref_slice %arg2[%add3A_185, %dma_wait3A_1115, %multiple_of3A_183] : memref<64x16x100000xf32, #tpu.memory_space<hbm>> -> memref<1x1x128xf32, #tpu.memory_space<hbm>>
    %dma_wait3A_1121 = tpu.memref_squeeze %dma_wait3A_1120 : memref<1x1x128xf32, #tpu.memory_space<hbm>> -> memref<128xf32, #tpu.memory_space<hbm>>
    %dma_wait3A_1122 = arith.constant 0 : i32
    %dma_wait3A_1123 = tpu.memref_slice %arg8[%dma_wait3A_1116, %dma_wait3A_1122] : memref<32x128xf32, #tpu.memory_space<vmem>> -> memref<1x128xf32, #tpu.memory_space<vmem>>
    %dma_wait3A_1124 = tpu.memref_squeeze %dma_wait3A_1123 : memref<1x128xf32, #tpu.memory_space<vmem>> -> memref<128xf32, #tpu.memory_space<vmem>>
    %dma_wait3A_1125 = tpu.memref_slice %arg2[%add3A_185, %dma_wait3A_1115, %multiple_of3A_183] : memref<64x16x100000xf32, #tpu.memory_space<hbm>> -> memref<1x1x128xf32, #tpu.memory_space<hbm>>
    %dma_wait3A_1126 = tpu.memref_squeeze %dma_wait3A_1125 : memref<1x1x128xf32, #tpu.memory_space<hbm>> -> memref<128xf32, #tpu.memory_space<hbm>>
    tpu.wait_dma2 semaphore(%arg10 : memref<!tpu.dma_semaphore, #tpu.memory_space<semaphore_mem>>) src(%dma_wait3A_1126 : memref<128xf32, #tpu.memory_space<hbm>>) dst(%dma_wait3A_1124 : memref<128xf32, #tpu.memory_space<vmem>>)
    %dma_wait3A_1127 = arith.constant 6 : i32
    %dma_wait3A_1128 = arith.constant 6 : i32
    %dma_wait3A_1129 = arith.constant 0 : i32
    %dma_wait3A_1130 = tpu.memref_slice %arg8[%dma_wait3A_1128, %dma_wait3A_1129] : memref<32x128xf32, #tpu.memory_space<vmem>> -> memref<1x128xf32, #tpu.memory_space<vmem>>
    %dma_wait3A_1131 = tpu.memref_squeeze %dma_wait3A_1130 : memref<1x128xf32, #tpu.memory_space<vmem>> -> memref<128xf32, #tpu.memory_space<vmem>>
    %dma_wait3A_1132 = tpu.memref_slice %arg2[%add3A_218, %dma_wait3A_1127, %multiple_of3A_216] : memref<64x16x100000xf32, #tpu.memory_space<hbm>> -> memref<1x1x128xf32, #tpu.memory_space<hbm>>
    %dma_wait3A_1133 = tpu.memref_squeeze %dma_wait3A_1132 : memref<1x1x128xf32, #tpu.memory_space<hbm>> -> memref<128xf32, #tpu.memory_space<hbm>>
    %dma_wait3A_1134 = arith.constant 0 : i32
    %dma_wait3A_1135 = tpu.memref_slice %arg8[%dma_wait3A_1128, %dma_wait3A_1134] : memref<32x128xf32, #tpu.memory_space<vmem>> -> memref<1x128xf32, #tpu.memory_space<vmem>>
    %dma_wait3A_1136 = tpu.memref_squeeze %dma_wait3A_1135 : memref<1x128xf32, #tpu.memory_space<vmem>> -> memref<128xf32, #tpu.memory_space<vmem>>
    %dma_wait3A_1137 = tpu.memref_slice %arg2[%add3A_218, %dma_wait3A_1127, %multiple_of3A_216] : memref<64x16x100000xf32, #tpu.memory_space<hbm>> -> memref<1x1x128xf32, #tpu.memory_space<hbm>>
    %dma_wait3A_1138 = tpu.memref_squeeze %dma_wait3A_1137 : memref<1x1x128xf32, #tpu.memory_space<hbm>> -> memref<128xf32, #tpu.memory_space<hbm>>
    tpu.wait_dma2 semaphore(%arg10 : memref<!tpu.dma_semaphore, #tpu.memory_space<semaphore_mem>>) src(%dma_wait3A_1138 : memref<128xf32, #tpu.memory_space<hbm>>) dst(%dma_wait3A_1136 : memref<128xf32, #tpu.memory_space<vmem>>)
    %dma_wait3A_1139 = arith.constant 7 : i32
    %dma_wait3A_1140 = arith.constant 7 : i32
    %dma_wait3A_1141 = arith.constant 0 : i32
    %dma_wait3A_1142 = tpu.memref_slice %arg8[%dma_wait3A_1140, %dma_wait3A_1141] : memref<32x128xf32, #tpu.memory_space<vmem>> -> memref<1x128xf32, #tpu.memory_space<vmem>>
    %dma_wait3A_1143 = tpu.memref_squeeze %dma_wait3A_1142 : memref<1x128xf32, #tpu.memory_space<vmem>> -> memref<128xf32, #tpu.memory_space<vmem>>
    %dma_wait3A_1144 = tpu.memref_slice %arg2[%add3A_251, %dma_wait3A_1139, %multiple_of3A_249] : memref<64x16x100000xf32, #tpu.memory_space<hbm>> -> memref<1x1x128xf32, #tpu.memory_space<hbm>>
    %dma_wait3A_1145 = tpu.memref_squeeze %dma_wait3A_1144 : memref<1x1x128xf32, #tpu.memory_space<hbm>> -> memref<128xf32, #tpu.memory_space<hbm>>
    %dma_wait3A_1146 = arith.constant 0 : i32
    %dma_wait3A_1147 = tpu.memref_slice %arg8[%dma_wait3A_1140, %dma_wait3A_1146] : memref<32x128xf32, #tpu.memory_space<vmem>> -> memref<1x128xf32, #tpu.memory_space<vmem>>
    %dma_wait3A_1148 = tpu.memref_squeeze %dma_wait3A_1147 : memref<1x128xf32, #tpu.memory_space<vmem>> -> memref<128xf32, #tpu.memory_space<vmem>>
    %dma_wait3A_1149 = tpu.memref_slice %arg2[%add3A_251, %dma_wait3A_1139, %multiple_of3A_249] : memref<64x16x100000xf32, #tpu.memory_space<hbm>> -> memref<1x1x128xf32, #tpu.memory_space<hbm>>
    %dma_wait3A_1150 = tpu.memref_squeeze %dma_wait3A_1149 : memref<1x1x128xf32, #tpu.memory_space<hbm>> -> memref<128xf32, #tpu.memory_space<hbm>>
    tpu.wait_dma2 semaphore(%arg10 : memref<!tpu.dma_semaphore, #tpu.memory_space<semaphore_mem>>) src(%dma_wait3A_1150 : memref<128xf32, #tpu.memory_space<hbm>>) dst(%dma_wait3A_1148 : memref<128xf32, #tpu.memory_space<vmem>>)
    %dma_wait3A_1151 = arith.constant 8 : i32
    %dma_wait3A_1152 = arith.constant 8 : i32
    %dma_wait3A_1153 = arith.constant 0 : i32
    %dma_wait3A_1154 = tpu.memref_slice %arg8[%dma_wait3A_1152, %dma_wait3A_1153] : memref<32x128xf32, #tpu.memory_space<vmem>> -> memref<1x128xf32, #tpu.memory_space<vmem>>
    %dma_wait3A_1155 = tpu.memref_squeeze %dma_wait3A_1154 : memref<1x128xf32, #tpu.memory_space<vmem>> -> memref<128xf32, #tpu.memory_space<vmem>>
    %dma_wait3A_1156 = tpu.memref_slice %arg2[%add3A_284, %dma_wait3A_1151, %multiple_of3A_282] : memref<64x16x100000xf32, #tpu.memory_space<hbm>> -> memref<1x1x128xf32, #tpu.memory_space<hbm>>
    %dma_wait3A_1157 = tpu.memref_squeeze %dma_wait3A_1156 : memref<1x1x128xf32, #tpu.memory_space<hbm>> -> memref<128xf32, #tpu.memory_space<hbm>>
    %dma_wait3A_1158 = arith.constant 0 : i32
    %dma_wait3A_1159 = tpu.memref_slice %arg8[%dma_wait3A_1152, %dma_wait3A_1158] : memref<32x128xf32, #tpu.memory_space<vmem>> -> memref<1x128xf32, #tpu.memory_space<vmem>>
    %dma_wait3A_1160 = tpu.memref_squeeze %dma_wait3A_1159 : memref<1x128xf32, #tpu.memory_space<vmem>> -> memref<128xf32, #tpu.memory_space<vmem>>
    %dma_wait3A_1161 = tpu.memref_slice %arg2[%add3A_284, %dma_wait3A_1151, %multiple_of3A_282] : memref<64x16x100000xf32, #tpu.memory_space<hbm>> -> memref<1x1x128xf32, #tpu.memory_space<hbm>>
    %dma_wait3A_1162 = tpu.memref_squeeze %dma_wait3A_1161 : memref<1x1x128xf32, #tpu.memory_space<hbm>> -> memref<128xf32, #tpu.memory_space<hbm>>
    tpu.wait_dma2 semaphore(%arg10 : memref<!tpu.dma_semaphore, #tpu.memory_space<semaphore_mem>>) src(%dma_wait3A_1162 : memref<128xf32, #tpu.memory_space<hbm>>) dst(%dma_wait3A_1160 : memref<128xf32, #tpu.memory_space<vmem>>)
    %dma_wait3A_1163 = arith.constant 9 : i32
    %dma_wait3A_1164 = arith.constant 9 : i32
    %dma_wait3A_1165 = arith.constant 0 : i32
    %dma_wait3A_1166 = tpu.memref_slice %arg8[%dma_wait3A_1164, %dma_wait3A_1165] : memref<32x128xf32, #tpu.memory_space<vmem>> -> memref<1x128xf32, #tpu.memory_space<vmem>>
    %dma_wait3A_1167 = tpu.memref_squeeze %dma_wait3A_1166 : memref<1x128xf32, #tpu.memory_space<vmem>> -> memref<128xf32, #tpu.memory_space<vmem>>
    %dma_wait3A_1168 = tpu.memref_slice %arg2[%add3A_317, %dma_wait3A_1163, %multiple_of3A_315] : memref<64x16x100000xf32, #tpu.memory_space<hbm>> -> memref<1x1x128xf32, #tpu.memory_space<hbm>>
    %dma_wait3A_1169 = tpu.memref_squeeze %dma_wait3A_1168 : memref<1x1x128xf32, #tpu.memory_space<hbm>> -> memref<128xf32, #tpu.memory_space<hbm>>
    %dma_wait3A_1170 = arith.constant 0 : i32
    %dma_wait3A_1171 = tpu.memref_slice %arg8[%dma_wait3A_1164, %dma_wait3A_1170] : memref<32x128xf32, #tpu.memory_space<vmem>> -> memref<1x128xf32, #tpu.memory_space<vmem>>
    %dma_wait3A_1172 = tpu.memref_squeeze %dma_wait3A_1171 : memref<1x128xf32, #tpu.memory_space<vmem>> -> memref<128xf32, #tpu.memory_space<vmem>>
    %dma_wait3A_1173 = tpu.memref_slice %arg2[%add3A_317, %dma_wait3A_1163, %multiple_of3A_315] : memref<64x16x100000xf32, #tpu.memory_space<hbm>> -> memref<1x1x128xf32, #tpu.memory_space<hbm>>
    %dma_wait3A_1174 = tpu.memref_squeeze %dma_wait3A_1173 : memref<1x1x128xf32, #tpu.memory_space<hbm>> -> memref<128xf32, #tpu.memory_space<hbm>>
    tpu.wait_dma2 semaphore(%arg10 : memref<!tpu.dma_semaphore, #tpu.memory_space<semaphore_mem>>) src(%dma_wait3A_1174 : memref<128xf32, #tpu.memory_space<hbm>>) dst(%dma_wait3A_1172 : memref<128xf32, #tpu.memory_space<vmem>>)
    %dma_wait3A_1175 = arith.constant 10 : i32
    %dma_wait3A_1176 = arith.constant 10 : i32
    %dma_wait3A_1177 = arith.constant 0 : i32
    %dma_wait3A_1178 = tpu.memref_slice %arg8[%dma_wait3A_1176, %dma_wait3A_1177] : memref<32x128xf32, #tpu.memory_space<vmem>> -> memref<1x128xf32, #tpu.memory_space<vmem>>
    %dma_wait3A_1179 = tpu.memref_squeeze %dma_wait3A_1178 : memref<1x128xf32, #tpu.memory_space<vmem>> -> memref<128xf32, #tpu.memory_space<vmem>>
    %dma_wait3A_1180 = tpu.memref_slice %arg2[%add3A_350, %dma_wait3A_1175, %multiple_of3A_348] : memref<64x16x100000xf32, #tpu.memory_space<hbm>> -> memref<1x1x128xf32, #tpu.memory_space<hbm>>
    %dma_wait3A_1181 = tpu.memref_squeeze %dma_wait3A_1180 : memref<1x1x128xf32, #tpu.memory_space<hbm>> -> memref<128xf32, #tpu.memory_space<hbm>>
    %dma_wait3A_1182 = arith.constant 0 : i32
    %dma_wait3A_1183 = tpu.memref_slice %arg8[%dma_wait3A_1176, %dma_wait3A_1182] : memref<32x128xf32, #tpu.memory_space<vmem>> -> memref<1x128xf32, #tpu.memory_space<vmem>>
    %dma_wait3A_1184 = tpu.memref_squeeze %dma_wait3A_1183 : memref<1x128xf32, #tpu.memory_space<vmem>> -> memref<128xf32, #tpu.memory_space<vmem>>
    %dma_wait3A_1185 = tpu.memref_slice %arg2[%add3A_350, %dma_wait3A_1175, %multiple_of3A_348] : memref<64x16x100000xf32, #tpu.memory_space<hbm>> -> memref<1x1x128xf32, #tpu.memory_space<hbm>>
    %dma_wait3A_1186 = tpu.memref_squeeze %dma_wait3A_1185 : memref<1x1x128xf32, #tpu.memory_space<hbm>> -> memref<128xf32, #tpu.memory_space<hbm>>
    tpu.wait_dma2 semaphore(%arg10 : memref<!tpu.dma_semaphore, #tpu.memory_space<semaphore_mem>>) src(%dma_wait3A_1186 : memref<128xf32, #tpu.memory_space<hbm>>) dst(%dma_wait3A_1184 : memref<128xf32, #tpu.memory_space<vmem>>)
    %dma_wait3A_1187 = arith.constant 11 : i32
    %dma_wait3A_1188 = arith.constant 11 : i32
    %dma_wait3A_1189 = arith.constant 0 : i32
    %dma_wait3A_1190 = tpu.memref_slice %arg8[%dma_wait3A_1188, %dma_wait3A_1189] : memref<32x128xf32, #tpu.memory_space<vmem>> -> memref<1x128xf32, #tpu.memory_space<vmem>>
    %dma_wait3A_1191 = tpu.memref_squeeze %dma_wait3A_1190 : memref<1x128xf32, #tpu.memory_space<vmem>> -> memref<128xf32, #tpu.memory_space<vmem>>
    %dma_wait3A_1192 = tpu.memref_slice %arg2[%add3A_383, %dma_wait3A_1187, %multiple_of3A_381] : memref<64x16x100000xf32, #tpu.memory_space<hbm>> -> memref<1x1x128xf32, #tpu.memory_space<hbm>>
    %dma_wait3A_1193 = tpu.memref_squeeze %dma_wait3A_1192 : memref<1x1x128xf32, #tpu.memory_space<hbm>> -> memref<128xf32, #tpu.memory_space<hbm>>
    %dma_wait3A_1194 = arith.constant 0 : i32
    %dma_wait3A_1195 = tpu.memref_slice %arg8[%dma_wait3A_1188, %dma_wait3A_1194] : memref<32x128xf32, #tpu.memory_space<vmem>> -> memref<1x128xf32, #tpu.memory_space<vmem>>
    %dma_wait3A_1196 = tpu.memref_squeeze %dma_wait3A_1195 : memref<1x128xf32, #tpu.memory_space<vmem>> -> memref<128xf32, #tpu.memory_space<vmem>>
    %dma_wait3A_1197 = tpu.memref_slice %arg2[%add3A_383, %dma_wait3A_1187, %multiple_of3A_381] : memref<64x16x100000xf32, #tpu.memory_space<hbm>> -> memref<1x1x128xf32, #tpu.memory_space<hbm>>
    %dma_wait3A_1198 = tpu.memref_squeeze %dma_wait3A_1197 : memref<1x1x128xf32, #tpu.memory_space<hbm>> -> memref<128xf32, #tpu.memory_space<hbm>>
    tpu.wait_dma2 semaphore(%arg10 : memref<!tpu.dma_semaphore, #tpu.memory_space<semaphore_mem>>) src(%dma_wait3A_1198 : memref<128xf32, #tpu.memory_space<hbm>>) dst(%dma_wait3A_1196 : memref<128xf32, #tpu.memory_space<vmem>>)
    %dma_wait3A_1199 = arith.constant 12 : i32
    %dma_wait3A_1200 = arith.constant 12 : i32
    %dma_wait3A_1201 = arith.constant 0 : i32
    %dma_wait3A_1202 = tpu.memref_slice %arg8[%dma_wait3A_1200, %dma_wait3A_1201] : memref<32x128xf32, #tpu.memory_space<vmem>> -> memref<1x128xf32, #tpu.memory_space<vmem>>
    %dma_wait3A_1203 = tpu.memref_squeeze %dma_wait3A_1202 : memref<1x128xf32, #tpu.memory_space<vmem>> -> memref<128xf32, #tpu.memory_space<vmem>>
    %dma_wait3A_1204 = tpu.memref_slice %arg2[%add3A_416, %dma_wait3A_1199, %multiple_of3A_414] : memref<64x16x100000xf32, #tpu.memory_space<hbm>> -> memref<1x1x128xf32, #tpu.memory_space<hbm>>
    %dma_wait3A_1205 = tpu.memref_squeeze %dma_wait3A_1204 : memref<1x1x128xf32, #tpu.memory_space<hbm>> -> memref<128xf32, #tpu.memory_space<hbm>>
    %dma_wait3A_1206 = arith.constant 0 : i32
    %dma_wait3A_1207 = tpu.memref_slice %arg8[%dma_wait3A_1200, %dma_wait3A_1206] : memref<32x128xf32, #tpu.memory_space<vmem>> -> memref<1x128xf32, #tpu.memory_space<vmem>>
    %dma_wait3A_1208 = tpu.memref_squeeze %dma_wait3A_1207 : memref<1x128xf32, #tpu.memory_space<vmem>> -> memref<128xf32, #tpu.memory_space<vmem>>
    %dma_wait3A_1209 = tpu.memref_slice %arg2[%add3A_416, %dma_wait3A_1199, %multiple_of3A_414] : memref<64x16x100000xf32, #tpu.memory_space<hbm>> -> memref<1x1x128xf32, #tpu.memory_space<hbm>>
    %dma_wait3A_1210 = tpu.memref_squeeze %dma_wait3A_1209 : memref<1x1x128xf32, #tpu.memory_space<hbm>> -> memref<128xf32, #tpu.memory_space<hbm>>
    tpu.wait_dma2 semaphore(%arg10 : memref<!tpu.dma_semaphore, #tpu.memory_space<semaphore_mem>>) src(%dma_wait3A_1210 : memref<128xf32, #tpu.memory_space<hbm>>) dst(%dma_wait3A_1208 : memref<128xf32, #tpu.memory_space<vmem>>)
    %dma_wait3A_1211 = arith.constant 13 : i32
    %dma_wait3A_1212 = arith.constant 13 : i32
    %dma_wait3A_1213 = arith.constant 0 : i32
    %dma_wait3A_1214 = tpu.memref_slice %arg8[%dma_wait3A_1212, %dma_wait3A_1213] : memref<32x128xf32, #tpu.memory_space<vmem>> -> memref<1x128xf32, #tpu.memory_space<vmem>>
    %dma_wait3A_1215 = tpu.memref_squeeze %dma_wait3A_1214 : memref<1x128xf32, #tpu.memory_space<vmem>> -> memref<128xf32, #tpu.memory_space<vmem>>
    %dma_wait3A_1216 = tpu.memref_slice %arg2[%add3A_449, %dma_wait3A_1211, %multiple_of3A_447] : memref<64x16x100000xf32, #tpu.memory_space<hbm>> -> memref<1x1x128xf32, #tpu.memory_space<hbm>>
    %dma_wait3A_1217 = tpu.memref_squeeze %dma_wait3A_1216 : memref<1x1x128xf32, #tpu.memory_space<hbm>> -> memref<128xf32, #tpu.memory_space<hbm>>
    %dma_wait3A_1218 = arith.constant 0 : i32
    %dma_wait3A_1219 = tpu.memref_slice %arg8[%dma_wait3A_1212, %dma_wait3A_1218] : memref<32x128xf32, #tpu.memory_space<vmem>> -> memref<1x128xf32, #tpu.memory_space<vmem>>
    %dma_wait3A_1220 = tpu.memref_squeeze %dma_wait3A_1219 : memref<1x128xf32, #tpu.memory_space<vmem>> -> memref<128xf32, #tpu.memory_space<vmem>>
    %dma_wait3A_1221 = tpu.memref_slice %arg2[%add3A_449, %dma_wait3A_1211, %multiple_of3A_447] : memref<64x16x100000xf32, #tpu.memory_space<hbm>> -> memref<1x1x128xf32, #tpu.memory_space<hbm>>
    %dma_wait3A_1222 = tpu.memref_squeeze %dma_wait3A_1221 : memref<1x1x128xf32, #tpu.memory_space<hbm>> -> memref<128xf32, #tpu.memory_space<hbm>>
    tpu.wait_dma2 semaphore(%arg10 : memref<!tpu.dma_semaphore, #tpu.memory_space<semaphore_mem>>) src(%dma_wait3A_1222 : memref<128xf32, #tpu.memory_space<hbm>>) dst(%dma_wait3A_1220 : memref<128xf32, #tpu.memory_space<vmem>>)
    %dma_wait3A_1223 = arith.constant 14 : i32
    %dma_wait3A_1224 = arith.constant 14 : i32
    %dma_wait3A_1225 = arith.constant 0 : i32
    %dma_wait3A_1226 = tpu.memref_slice %arg8[%dma_wait3A_1224, %dma_wait3A_1225] : memref<32x128xf32, #tpu.memory_space<vmem>> -> memref<1x128xf32, #tpu.memory_space<vmem>>
    %dma_wait3A_1227 = tpu.memref_squeeze %dma_wait3A_1226 : memref<1x128xf32, #tpu.memory_space<vmem>> -> memref<128xf32, #tpu.memory_space<vmem>>
    %dma_wait3A_1228 = tpu.memref_slice %arg2[%add3A_482, %dma_wait3A_1223, %multiple_of3A_480] : memref<64x16x100000xf32, #tpu.memory_space<hbm>> -> memref<1x1x128xf32, #tpu.memory_space<hbm>>
    %dma_wait3A_1229 = tpu.memref_squeeze %dma_wait3A_1228 : memref<1x1x128xf32, #tpu.memory_space<hbm>> -> memref<128xf32, #tpu.memory_space<hbm>>
    %dma_wait3A_1230 = arith.constant 0 : i32
    %dma_wait3A_1231 = tpu.memref_slice %arg8[%dma_wait3A_1224, %dma_wait3A_1230] : memref<32x128xf32, #tpu.memory_space<vmem>> -> memref<1x128xf32, #tpu.memory_space<vmem>>
    %dma_wait3A_1232 = tpu.memref_squeeze %dma_wait3A_1231 : memref<1x128xf32, #tpu.memory_space<vmem>> -> memref<128xf32, #tpu.memory_space<vmem>>
    %dma_wait3A_1233 = tpu.memref_slice %arg2[%add3A_482, %dma_wait3A_1223, %multiple_of3A_480] : memref<64x16x100000xf32, #tpu.memory_space<hbm>> -> memref<1x1x128xf32, #tpu.memory_space<hbm>>
    %dma_wait3A_1234 = tpu.memref_squeeze %dma_wait3A_1233 : memref<1x1x128xf32, #tpu.memory_space<hbm>> -> memref<128xf32, #tpu.memory_space<hbm>>
    tpu.wait_dma2 semaphore(%arg10 : memref<!tpu.dma_semaphore, #tpu.memory_space<semaphore_mem>>) src(%dma_wait3A_1234 : memref<128xf32, #tpu.memory_space<hbm>>) dst(%dma_wait3A_1232 : memref<128xf32, #tpu.memory_space<vmem>>)
    %dma_wait3A_1235 = arith.constant 15 : i32
    %dma_wait3A_1236 = arith.constant 15 : i32
    %dma_wait3A_1237 = arith.constant 0 : i32
    %dma_wait3A_1238 = tpu.memref_slice %arg8[%dma_wait3A_1236, %dma_wait3A_1237] : memref<32x128xf32, #tpu.memory_space<vmem>> -> memref<1x128xf32, #tpu.memory_space<vmem>>
    %dma_wait3A_1239 = tpu.memref_squeeze %dma_wait3A_1238 : memref<1x128xf32, #tpu.memory_space<vmem>> -> memref<128xf32, #tpu.memory_space<vmem>>
    %dma_wait3A_1240 = tpu.memref_slice %arg2[%add3A_515, %dma_wait3A_1235, %multiple_of3A_513] : memref<64x16x100000xf32, #tpu.memory_space<hbm>> -> memref<1x1x128xf32, #tpu.memory_space<hbm>>
    %dma_wait3A_1241 = tpu.memref_squeeze %dma_wait3A_1240 : memref<1x1x128xf32, #tpu.memory_space<hbm>> -> memref<128xf32, #tpu.memory_space<hbm>>
    %dma_wait3A_1242 = arith.constant 0 : i32
    %dma_wait3A_1243 = tpu.memref_slice %arg8[%dma_wait3A_1236, %dma_wait3A_1242] : memref<32x128xf32, #tpu.memory_space<vmem>> -> memref<1x128xf32, #tpu.memory_space<vmem>>
    %dma_wait3A_1244 = tpu.memref_squeeze %dma_wait3A_1243 : memref<1x128xf32, #tpu.memory_space<vmem>> -> memref<128xf32, #tpu.memory_space<vmem>>
    %dma_wait3A_1245 = tpu.memref_slice %arg2[%add3A_515, %dma_wait3A_1235, %multiple_of3A_513] : memref<64x16x100000xf32, #tpu.memory_space<hbm>> -> memref<1x1x128xf32, #tpu.memory_space<hbm>>
    %dma_wait3A_1246 = tpu.memref_squeeze %dma_wait3A_1245 : memref<1x1x128xf32, #tpu.memory_space<hbm>> -> memref<128xf32, #tpu.memory_space<hbm>>
    tpu.wait_dma2 semaphore(%arg10 : memref<!tpu.dma_semaphore, #tpu.memory_space<semaphore_mem>>) src(%dma_wait3A_1246 : memref<128xf32, #tpu.memory_space<hbm>>) dst(%dma_wait3A_1244 : memref<128xf32, #tpu.memory_space<vmem>>)
    %dma_wait3A_1247 = arith.constant 0 : i32
    %dma_wait3A_1248 = arith.constant 16 : i32
    %dma_wait3A_1249 = arith.constant 0 : i32
    %dma_wait3A_1250 = tpu.memref_slice %arg8[%dma_wait3A_1248, %dma_wait3A_1249] : memref<32x128xf32, #tpu.memory_space<vmem>> -> memref<1x128xf32, #tpu.memory_space<vmem>>
    %dma_wait3A_1251 = tpu.memref_squeeze %dma_wait3A_1250 : memref<1x128xf32, #tpu.memory_space<vmem>> -> memref<128xf32, #tpu.memory_space<vmem>>
    %dma_wait3A_1252 = tpu.memref_slice %arg2[%add3A_548, %dma_wait3A_1247, %multiple_of3A_546] : memref<64x16x100000xf32, #tpu.memory_space<hbm>> -> memref<1x1x128xf32, #tpu.memory_space<hbm>>
    %dma_wait3A_1253 = tpu.memref_squeeze %dma_wait3A_1252 : memref<1x1x128xf32, #tpu.memory_space<hbm>> -> memref<128xf32, #tpu.memory_space<hbm>>
    %dma_wait3A_1254 = arith.constant 0 : i32
    %dma_wait3A_1255 = tpu.memref_slice %arg8[%dma_wait3A_1248, %dma_wait3A_1254] : memref<32x128xf32, #tpu.memory_space<vmem>> -> memref<1x128xf32, #tpu.memory_space<vmem>>
    %dma_wait3A_1256 = tpu.memref_squeeze %dma_wait3A_1255 : memref<1x128xf32, #tpu.memory_space<vmem>> -> memref<128xf32, #tpu.memory_space<vmem>>
    %dma_wait3A_1257 = tpu.memref_slice %arg2[%add3A_548, %dma_wait3A_1247, %multiple_of3A_546] : memref<64x16x100000xf32, #tpu.memory_space<hbm>> -> memref<1x1x128xf32, #tpu.memory_space<hbm>>
    %dma_wait3A_1258 = tpu.memref_squeeze %dma_wait3A_1257 : memref<1x1x128xf32, #tpu.memory_space<hbm>> -> memref<128xf32, #tpu.memory_space<hbm>>
    tpu.wait_dma2 semaphore(%arg10 : memref<!tpu.dma_semaphore, #tpu.memory_space<semaphore_mem>>) src(%dma_wait3A_1258 : memref<128xf32, #tpu.memory_space<hbm>>) dst(%dma_wait3A_1256 : memref<128xf32, #tpu.memory_space<vmem>>)
    %dma_wait3A_1259 = arith.constant 1 : i32
    %dma_wait3A_1260 = arith.constant 17 : i32
    %dma_wait3A_1261 = arith.constant 0 : i32
    %dma_wait3A_1262 = tpu.memref_slice %arg8[%dma_wait3A_1260, %dma_wait3A_1261] : memref<32x128xf32, #tpu.memory_space<vmem>> -> memref<1x128xf32, #tpu.memory_space<vmem>>
    %dma_wait3A_1263 = tpu.memref_squeeze %dma_wait3A_1262 : memref<1x128xf32, #tpu.memory_space<vmem>> -> memref<128xf32, #tpu.memory_space<vmem>>
    %dma_wait3A_1264 = tpu.memref_slice %arg2[%add3A_581, %dma_wait3A_1259, %multiple_of3A_579] : memref<64x16x100000xf32, #tpu.memory_space<hbm>> -> memref<1x1x128xf32, #tpu.memory_space<hbm>>
    %dma_wait3A_1265 = tpu.memref_squeeze %dma_wait3A_1264 : memref<1x1x128xf32, #tpu.memory_space<hbm>> -> memref<128xf32, #tpu.memory_space<hbm>>
    %dma_wait3A_1266 = arith.constant 0 : i32
    %dma_wait3A_1267 = tpu.memref_slice %arg8[%dma_wait3A_1260, %dma_wait3A_1266] : memref<32x128xf32, #tpu.memory_space<vmem>> -> memref<1x128xf32, #tpu.memory_space<vmem>>
    %dma_wait3A_1268 = tpu.memref_squeeze %dma_wait3A_1267 : memref<1x128xf32, #tpu.memory_space<vmem>> -> memref<128xf32, #tpu.memory_space<vmem>>
    %dma_wait3A_1269 = tpu.memref_slice %arg2[%add3A_581, %dma_wait3A_1259, %multiple_of3A_579] : memref<64x16x100000xf32, #tpu.memory_space<hbm>> -> memref<1x1x128xf32, #tpu.memory_space<hbm>>
    %dma_wait3A_1270 = tpu.memref_squeeze %dma_wait3A_1269 : memref<1x1x128xf32, #tpu.memory_space<hbm>> -> memref<128xf32, #tpu.memory_space<hbm>>
    tpu.wait_dma2 semaphore(%arg10 : memref<!tpu.dma_semaphore, #tpu.memory_space<semaphore_mem>>) src(%dma_wait3A_1270 : memref<128xf32, #tpu.memory_space<hbm>>) dst(%dma_wait3A_1268 : memref<128xf32, #tpu.memory_space<vmem>>)
    %dma_wait3A_1271 = arith.constant 2 : i32
    %dma_wait3A_1272 = arith.constant 18 : i32
    %dma_wait3A_1273 = arith.constant 0 : i32
    %dma_wait3A_1274 = tpu.memref_slice %arg8[%dma_wait3A_1272, %dma_wait3A_1273] : memref<32x128xf32, #tpu.memory_space<vmem>> -> memref<1x128xf32, #tpu.memory_space<vmem>>
    %dma_wait3A_1275 = tpu.memref_squeeze %dma_wait3A_1274 : memref<1x128xf32, #tpu.memory_space<vmem>> -> memref<128xf32, #tpu.memory_space<vmem>>
    %dma_wait3A_1276 = tpu.memref_slice %arg2[%add3A_614, %dma_wait3A_1271, %multiple_of3A_612] : memref<64x16x100000xf32, #tpu.memory_space<hbm>> -> memref<1x1x128xf32, #tpu.memory_space<hbm>>
    %dma_wait3A_1277 = tpu.memref_squeeze %dma_wait3A_1276 : memref<1x1x128xf32, #tpu.memory_space<hbm>> -> memref<128xf32, #tpu.memory_space<hbm>>
    %dma_wait3A_1278 = arith.constant 0 : i32
    %dma_wait3A_1279 = tpu.memref_slice %arg8[%dma_wait3A_1272, %dma_wait3A_1278] : memref<32x128xf32, #tpu.memory_space<vmem>> -> memref<1x128xf32, #tpu.memory_space<vmem>>
    %dma_wait3A_1280 = tpu.memref_squeeze %dma_wait3A_1279 : memref<1x128xf32, #tpu.memory_space<vmem>> -> memref<128xf32, #tpu.memory_space<vmem>>
    %dma_wait3A_1281 = tpu.memref_slice %arg2[%add3A_614, %dma_wait3A_1271, %multiple_of3A_612] : memref<64x16x100000xf32, #tpu.memory_space<hbm>> -> memref<1x1x128xf32, #tpu.memory_space<hbm>>
    %dma_wait3A_1282 = tpu.memref_squeeze %dma_wait3A_1281 : memref<1x1x128xf32, #tpu.memory_space<hbm>> -> memref<128xf32, #tpu.memory_space<hbm>>
    tpu.wait_dma2 semaphore(%arg10 : memref<!tpu.dma_semaphore, #tpu.memory_space<semaphore_mem>>) src(%dma_wait3A_1282 : memref<128xf32, #tpu.memory_space<hbm>>) dst(%dma_wait3A_1280 : memref<128xf32, #tpu.memory_space<vmem>>)
    %dma_wait3A_1283 = arith.constant 3 : i32
    %dma_wait3A_1284 = arith.constant 19 : i32
    %dma_wait3A_1285 = arith.constant 0 : i32
    %dma_wait3A_1286 = tpu.memref_slice %arg8[%dma_wait3A_1284, %dma_wait3A_1285] : memref<32x128xf32, #tpu.memory_space<vmem>> -> memref<1x128xf32, #tpu.memory_space<vmem>>
    %dma_wait3A_1287 = tpu.memref_squeeze %dma_wait3A_1286 : memref<1x128xf32, #tpu.memory_space<vmem>> -> memref<128xf32, #tpu.memory_space<vmem>>
    %dma_wait3A_1288 = tpu.memref_slice %arg2[%add3A_647, %dma_wait3A_1283, %multiple_of3A_645] : memref<64x16x100000xf32, #tpu.memory_space<hbm>> -> memref<1x1x128xf32, #tpu.memory_space<hbm>>
    %dma_wait3A_1289 = tpu.memref_squeeze %dma_wait3A_1288 : memref<1x1x128xf32, #tpu.memory_space<hbm>> -> memref<128xf32, #tpu.memory_space<hbm>>
    %dma_wait3A_1290 = arith.constant 0 : i32
    %dma_wait3A_1291 = tpu.memref_slice %arg8[%dma_wait3A_1284, %dma_wait3A_1290] : memref<32x128xf32, #tpu.memory_space<vmem>> -> memref<1x128xf32, #tpu.memory_space<vmem>>
    %dma_wait3A_1292 = tpu.memref_squeeze %dma_wait3A_1291 : memref<1x128xf32, #tpu.memory_space<vmem>> -> memref<128xf32, #tpu.memory_space<vmem>>
    %dma_wait3A_1293 = tpu.memref_slice %arg2[%add3A_647, %dma_wait3A_1283, %multiple_of3A_645] : memref<64x16x100000xf32, #tpu.memory_space<hbm>> -> memref<1x1x128xf32, #tpu.memory_space<hbm>>
    %dma_wait3A_1294 = tpu.memref_squeeze %dma_wait3A_1293 : memref<1x1x128xf32, #tpu.memory_space<hbm>> -> memref<128xf32, #tpu.memory_space<hbm>>
    tpu.wait_dma2 semaphore(%arg10 : memref<!tpu.dma_semaphore, #tpu.memory_space<semaphore_mem>>) src(%dma_wait3A_1294 : memref<128xf32, #tpu.memory_space<hbm>>) dst(%dma_wait3A_1292 : memref<128xf32, #tpu.memory_space<vmem>>)
    %dma_wait3A_1295 = arith.constant 4 : i32
    %dma_wait3A_1296 = arith.constant 20 : i32
    %dma_wait3A_1297 = arith.constant 0 : i32
    %dma_wait3A_1298 = tpu.memref_slice %arg8[%dma_wait3A_1296, %dma_wait3A_1297] : memref<32x128xf32, #tpu.memory_space<vmem>> -> memref<1x128xf32, #tpu.memory_space<vmem>>
    %dma_wait3A_1299 = tpu.memref_squeeze %dma_wait3A_1298 : memref<1x128xf32, #tpu.memory_space<vmem>> -> memref<128xf32, #tpu.memory_space<vmem>>
    %dma_wait3A_1300 = tpu.memref_slice %arg2[%add3A_680, %dma_wait3A_1295, %multiple_of3A_678] : memref<64x16x100000xf32, #tpu.memory_space<hbm>> -> memref<1x1x128xf32, #tpu.memory_space<hbm>>
    %dma_wait3A_1301 = tpu.memref_squeeze %dma_wait3A_1300 : memref<1x1x128xf32, #tpu.memory_space<hbm>> -> memref<128xf32, #tpu.memory_space<hbm>>
    %dma_wait3A_1302 = arith.constant 0 : i32
    %dma_wait3A_1303 = tpu.memref_slice %arg8[%dma_wait3A_1296, %dma_wait3A_1302] : memref<32x128xf32, #tpu.memory_space<vmem>> -> memref<1x128xf32, #tpu.memory_space<vmem>>
    %dma_wait3A_1304 = tpu.memref_squeeze %dma_wait3A_1303 : memref<1x128xf32, #tpu.memory_space<vmem>> -> memref<128xf32, #tpu.memory_space<vmem>>
    %dma_wait3A_1305 = tpu.memref_slice %arg2[%add3A_680, %dma_wait3A_1295, %multiple_of3A_678] : memref<64x16x100000xf32, #tpu.memory_space<hbm>> -> memref<1x1x128xf32, #tpu.memory_space<hbm>>
    %dma_wait3A_1306 = tpu.memref_squeeze %dma_wait3A_1305 : memref<1x1x128xf32, #tpu.memory_space<hbm>> -> memref<128xf32, #tpu.memory_space<hbm>>
    tpu.wait_dma2 semaphore(%arg10 : memref<!tpu.dma_semaphore, #tpu.memory_space<semaphore_mem>>) src(%dma_wait3A_1306 : memref<128xf32, #tpu.memory_space<hbm>>) dst(%dma_wait3A_1304 : memref<128xf32, #tpu.memory_space<vmem>>)
    %dma_wait3A_1307 = arith.constant 5 : i32
    %dma_wait3A_1308 = arith.constant 21 : i32
    %dma_wait3A_1309 = arith.constant 0 : i32
    %dma_wait3A_1310 = tpu.memref_slice %arg8[%dma_wait3A_1308, %dma_wait3A_1309] : memref<32x128xf32, #tpu.memory_space<vmem>> -> memref<1x128xf32, #tpu.memory_space<vmem>>
    %dma_wait3A_1311 = tpu.memref_squeeze %dma_wait3A_1310 : memref<1x128xf32, #tpu.memory_space<vmem>> -> memref<128xf32, #tpu.memory_space<vmem>>
    %dma_wait3A_1312 = tpu.memref_slice %arg2[%add3A_713, %dma_wait3A_1307, %multiple_of3A_711] : memref<64x16x100000xf32, #tpu.memory_space<hbm>> -> memref<1x1x128xf32, #tpu.memory_space<hbm>>
    %dma_wait3A_1313 = tpu.memref_squeeze %dma_wait3A_1312 : memref<1x1x128xf32, #tpu.memory_space<hbm>> -> memref<128xf32, #tpu.memory_space<hbm>>
    %dma_wait3A_1314 = arith.constant 0 : i32
    %dma_wait3A_1315 = tpu.memref_slice %arg8[%dma_wait3A_1308, %dma_wait3A_1314] : memref<32x128xf32, #tpu.memory_space<vmem>> -> memref<1x128xf32, #tpu.memory_space<vmem>>
    %dma_wait3A_1316 = tpu.memref_squeeze %dma_wait3A_1315 : memref<1x128xf32, #tpu.memory_space<vmem>> -> memref<128xf32, #tpu.memory_space<vmem>>
    %dma_wait3A_1317 = tpu.memref_slice %arg2[%add3A_713, %dma_wait3A_1307, %multiple_of3A_711] : memref<64x16x100000xf32, #tpu.memory_space<hbm>> -> memref<1x1x128xf32, #tpu.memory_space<hbm>>
    %dma_wait3A_1318 = tpu.memref_squeeze %dma_wait3A_1317 : memref<1x1x128xf32, #tpu.memory_space<hbm>> -> memref<128xf32, #tpu.memory_space<hbm>>
    tpu.wait_dma2 semaphore(%arg10 : memref<!tpu.dma_semaphore, #tpu.memory_space<semaphore_mem>>) src(%dma_wait3A_1318 : memref<128xf32, #tpu.memory_space<hbm>>) dst(%dma_wait3A_1316 : memref<128xf32, #tpu.memory_space<vmem>>)
    %dma_wait3A_1319 = arith.constant 6 : i32
    %dma_wait3A_1320 = arith.constant 22 : i32
    %dma_wait3A_1321 = arith.constant 0 : i32
    %dma_wait3A_1322 = tpu.memref_slice %arg8[%dma_wait3A_1320, %dma_wait3A_1321] : memref<32x128xf32, #tpu.memory_space<vmem>> -> memref<1x128xf32, #tpu.memory_space<vmem>>
    %dma_wait3A_1323 = tpu.memref_squeeze %dma_wait3A_1322 : memref<1x128xf32, #tpu.memory_space<vmem>> -> memref<128xf32, #tpu.memory_space<vmem>>
    %dma_wait3A_1324 = tpu.memref_slice %arg2[%add3A_746, %dma_wait3A_1319, %multiple_of3A_744] : memref<64x16x100000xf32, #tpu.memory_space<hbm>> -> memref<1x1x128xf32, #tpu.memory_space<hbm>>
    %dma_wait3A_1325 = tpu.memref_squeeze %dma_wait3A_1324 : memref<1x1x128xf32, #tpu.memory_space<hbm>> -> memref<128xf32, #tpu.memory_space<hbm>>
    %dma_wait3A_1326 = arith.constant 0 : i32
    %dma_wait3A_1327 = tpu.memref_slice %arg8[%dma_wait3A_1320, %dma_wait3A_1326] : memref<32x128xf32, #tpu.memory_space<vmem>> -> memref<1x128xf32, #tpu.memory_space<vmem>>
    %dma_wait3A_1328 = tpu.memref_squeeze %dma_wait3A_1327 : memref<1x128xf32, #tpu.memory_space<vmem>> -> memref<128xf32, #tpu.memory_space<vmem>>
    %dma_wait3A_1329 = tpu.memref_slice %arg2[%add3A_746, %dma_wait3A_1319, %multiple_of3A_744] : memref<64x16x100000xf32, #tpu.memory_space<hbm>> -> memref<1x1x128xf32, #tpu.memory_space<hbm>>
    %dma_wait3A_1330 = tpu.memref_squeeze %dma_wait3A_1329 : memref<1x1x128xf32, #tpu.memory_space<hbm>> -> memref<128xf32, #tpu.memory_space<hbm>>
    tpu.wait_dma2 semaphore(%arg10 : memref<!tpu.dma_semaphore, #tpu.memory_space<semaphore_mem>>) src(%dma_wait3A_1330 : memref<128xf32, #tpu.memory_space<hbm>>) dst(%dma_wait3A_1328 : memref<128xf32, #tpu.memory_space<vmem>>)
    %dma_wait3A_1331 = arith.constant 7 : i32
    %dma_wait3A_1332 = arith.constant 23 : i32
    %dma_wait3A_1333 = arith.constant 0 : i32
    %dma_wait3A_1334 = tpu.memref_slice %arg8[%dma_wait3A_1332, %dma_wait3A_1333] : memref<32x128xf32, #tpu.memory_space<vmem>> -> memref<1x128xf32, #tpu.memory_space<vmem>>
    %dma_wait3A_1335 = tpu.memref_squeeze %dma_wait3A_1334 : memref<1x128xf32, #tpu.memory_space<vmem>> -> memref<128xf32, #tpu.memory_space<vmem>>
    %dma_wait3A_1336 = tpu.memref_slice %arg2[%add3A_779, %dma_wait3A_1331, %multiple_of3A_777] : memref<64x16x100000xf32, #tpu.memory_space<hbm>> -> memref<1x1x128xf32, #tpu.memory_space<hbm>>
    %dma_wait3A_1337 = tpu.memref_squeeze %dma_wait3A_1336 : memref<1x1x128xf32, #tpu.memory_space<hbm>> -> memref<128xf32, #tpu.memory_space<hbm>>
    %dma_wait3A_1338 = arith.constant 0 : i32
    %dma_wait3A_1339 = tpu.memref_slice %arg8[%dma_wait3A_1332, %dma_wait3A_1338] : memref<32x128xf32, #tpu.memory_space<vmem>> -> memref<1x128xf32, #tpu.memory_space<vmem>>
    %dma_wait3A_1340 = tpu.memref_squeeze %dma_wait3A_1339 : memref<1x128xf32, #tpu.memory_space<vmem>> -> memref<128xf32, #tpu.memory_space<vmem>>
    %dma_wait3A_1341 = tpu.memref_slice %arg2[%add3A_779, %dma_wait3A_1331, %multiple_of3A_777] : memref<64x16x100000xf32, #tpu.memory_space<hbm>> -> memref<1x1x128xf32, #tpu.memory_space<hbm>>
    %dma_wait3A_1342 = tpu.memref_squeeze %dma_wait3A_1341 : memref<1x1x128xf32, #tpu.memory_space<hbm>> -> memref<128xf32, #tpu.memory_space<hbm>>
    tpu.wait_dma2 semaphore(%arg10 : memref<!tpu.dma_semaphore, #tpu.memory_space<semaphore_mem>>) src(%dma_wait3A_1342 : memref<128xf32, #tpu.memory_space<hbm>>) dst(%dma_wait3A_1340 : memref<128xf32, #tpu.memory_space<vmem>>)
    %dma_wait3A_1343 = arith.constant 8 : i32
    %dma_wait3A_1344 = arith.constant 24 : i32
    %dma_wait3A_1345 = arith.constant 0 : i32
    %dma_wait3A_1346 = tpu.memref_slice %arg8[%dma_wait3A_1344, %dma_wait3A_1345] : memref<32x128xf32, #tpu.memory_space<vmem>> -> memref<1x128xf32, #tpu.memory_space<vmem>>
    %dma_wait3A_1347 = tpu.memref_squeeze %dma_wait3A_1346 : memref<1x128xf32, #tpu.memory_space<vmem>> -> memref<128xf32, #tpu.memory_space<vmem>>
    %dma_wait3A_1348 = tpu.memref_slice %arg2[%add3A_812, %dma_wait3A_1343, %multiple_of3A_810] : memref<64x16x100000xf32, #tpu.memory_space<hbm>> -> memref<1x1x128xf32, #tpu.memory_space<hbm>>
    %dma_wait3A_1349 = tpu.memref_squeeze %dma_wait3A_1348 : memref<1x1x128xf32, #tpu.memory_space<hbm>> -> memref<128xf32, #tpu.memory_space<hbm>>
    %dma_wait3A_1350 = arith.constant 0 : i32
    %dma_wait3A_1351 = tpu.memref_slice %arg8[%dma_wait3A_1344, %dma_wait3A_1350] : memref<32x128xf32, #tpu.memory_space<vmem>> -> memref<1x128xf32, #tpu.memory_space<vmem>>
    %dma_wait3A_1352 = tpu.memref_squeeze %dma_wait3A_1351 : memref<1x128xf32, #tpu.memory_space<vmem>> -> memref<128xf32, #tpu.memory_space<vmem>>
    %dma_wait3A_1353 = tpu.memref_slice %arg2[%add3A_812, %dma_wait3A_1343, %multiple_of3A_810] : memref<64x16x100000xf32, #tpu.memory_space<hbm>> -> memref<1x1x128xf32, #tpu.memory_space<hbm>>
    %dma_wait3A_1354 = tpu.memref_squeeze %dma_wait3A_1353 : memref<1x1x128xf32, #tpu.memory_space<hbm>> -> memref<128xf32, #tpu.memory_space<hbm>>
    tpu.wait_dma2 semaphore(%arg10 : memref<!tpu.dma_semaphore, #tpu.memory_space<semaphore_mem>>) src(%dma_wait3A_1354 : memref<128xf32, #tpu.memory_space<hbm>>) dst(%dma_wait3A_1352 : memref<128xf32, #tpu.memory_space<vmem>>)
    %dma_wait3A_1355 = arith.constant 9 : i32
    %dma_wait3A_1356 = arith.constant 25 : i32
    %dma_wait3A_1357 = arith.constant 0 : i32
    %dma_wait3A_1358 = tpu.memref_slice %arg8[%dma_wait3A_1356, %dma_wait3A_1357] : memref<32x128xf32, #tpu.memory_space<vmem>> -> memref<1x128xf32, #tpu.memory_space<vmem>>
    %dma_wait3A_1359 = tpu.memref_squeeze %dma_wait3A_1358 : memref<1x128xf32, #tpu.memory_space<vmem>> -> memref<128xf32, #tpu.memory_space<vmem>>
    %dma_wait3A_1360 = tpu.memref_slice %arg2[%add3A_845, %dma_wait3A_1355, %multiple_of3A_843] : memref<64x16x100000xf32, #tpu.memory_space<hbm>> -> memref<1x1x128xf32, #tpu.memory_space<hbm>>
    %dma_wait3A_1361 = tpu.memref_squeeze %dma_wait3A_1360 : memref<1x1x128xf32, #tpu.memory_space<hbm>> -> memref<128xf32, #tpu.memory_space<hbm>>
    %dma_wait3A_1362 = arith.constant 0 : i32
    %dma_wait3A_1363 = tpu.memref_slice %arg8[%dma_wait3A_1356, %dma_wait3A_1362] : memref<32x128xf32, #tpu.memory_space<vmem>> -> memref<1x128xf32, #tpu.memory_space<vmem>>
    %dma_wait3A_1364 = tpu.memref_squeeze %dma_wait3A_1363 : memref<1x128xf32, #tpu.memory_space<vmem>> -> memref<128xf32, #tpu.memory_space<vmem>>
    %dma_wait3A_1365 = tpu.memref_slice %arg2[%add3A_845, %dma_wait3A_1355, %multiple_of3A_843] : memref<64x16x100000xf32, #tpu.memory_space<hbm>> -> memref<1x1x128xf32, #tpu.memory_space<hbm>>
    %dma_wait3A_1366 = tpu.memref_squeeze %dma_wait3A_1365 : memref<1x1x128xf32, #tpu.memory_space<hbm>> -> memref<128xf32, #tpu.memory_space<hbm>>
    tpu.wait_dma2 semaphore(%arg10 : memref<!tpu.dma_semaphore, #tpu.memory_space<semaphore_mem>>) src(%dma_wait3A_1366 : memref<128xf32, #tpu.memory_space<hbm>>) dst(%dma_wait3A_1364 : memref<128xf32, #tpu.memory_space<vmem>>)
    %dma_wait3A_1367 = arith.constant 10 : i32
    %dma_wait3A_1368 = arith.constant 26 : i32
    %dma_wait3A_1369 = arith.constant 0 : i32
    %dma_wait3A_1370 = tpu.memref_slice %arg8[%dma_wait3A_1368, %dma_wait3A_1369] : memref<32x128xf32, #tpu.memory_space<vmem>> -> memref<1x128xf32, #tpu.memory_space<vmem>>
    %dma_wait3A_1371 = tpu.memref_squeeze %dma_wait3A_1370 : memref<1x128xf32, #tpu.memory_space<vmem>> -> memref<128xf32, #tpu.memory_space<vmem>>
    %dma_wait3A_1372 = tpu.memref_slice %arg2[%add3A_878, %dma_wait3A_1367, %multiple_of3A_876] : memref<64x16x100000xf32, #tpu.memory_space<hbm>> -> memref<1x1x128xf32, #tpu.memory_space<hbm>>
    %dma_wait3A_1373 = tpu.memref_squeeze %dma_wait3A_1372 : memref<1x1x128xf32, #tpu.memory_space<hbm>> -> memref<128xf32, #tpu.memory_space<hbm>>
    %dma_wait3A_1374 = arith.constant 0 : i32
    %dma_wait3A_1375 = tpu.memref_slice %arg8[%dma_wait3A_1368, %dma_wait3A_1374] : memref<32x128xf32, #tpu.memory_space<vmem>> -> memref<1x128xf32, #tpu.memory_space<vmem>>
    %dma_wait3A_1376 = tpu.memref_squeeze %dma_wait3A_1375 : memref<1x128xf32, #tpu.memory_space<vmem>> -> memref<128xf32, #tpu.memory_space<vmem>>
    %dma_wait3A_1377 = tpu.memref_slice %arg2[%add3A_878, %dma_wait3A_1367, %multiple_of3A_876] : memref<64x16x100000xf32, #tpu.memory_space<hbm>> -> memref<1x1x128xf32, #tpu.memory_space<hbm>>
    %dma_wait3A_1378 = tpu.memref_squeeze %dma_wait3A_1377 : memref<1x1x128xf32, #tpu.memory_space<hbm>> -> memref<128xf32, #tpu.memory_space<hbm>>
    tpu.wait_dma2 semaphore(%arg10 : memref<!tpu.dma_semaphore, #tpu.memory_space<semaphore_mem>>) src(%dma_wait3A_1378 : memref<128xf32, #tpu.memory_space<hbm>>) dst(%dma_wait3A_1376 : memref<128xf32, #tpu.memory_space<vmem>>)
    %dma_wait3A_1379 = arith.constant 11 : i32
    %dma_wait3A_1380 = arith.constant 27 : i32
    %dma_wait3A_1381 = arith.constant 0 : i32
    %dma_wait3A_1382 = tpu.memref_slice %arg8[%dma_wait3A_1380, %dma_wait3A_1381] : memref<32x128xf32, #tpu.memory_space<vmem>> -> memref<1x128xf32, #tpu.memory_space<vmem>>
    %dma_wait3A_1383 = tpu.memref_squeeze %dma_wait3A_1382 : memref<1x128xf32, #tpu.memory_space<vmem>> -> memref<128xf32, #tpu.memory_space<vmem>>
    %dma_wait3A_1384 = tpu.memref_slice %arg2[%add3A_911, %dma_wait3A_1379, %multiple_of3A_909] : memref<64x16x100000xf32, #tpu.memory_space<hbm>> -> memref<1x1x128xf32, #tpu.memory_space<hbm>>
    %dma_wait3A_1385 = tpu.memref_squeeze %dma_wait3A_1384 : memref<1x1x128xf32, #tpu.memory_space<hbm>> -> memref<128xf32, #tpu.memory_space<hbm>>
    %dma_wait3A_1386 = arith.constant 0 : i32
    %dma_wait3A_1387 = tpu.memref_slice %arg8[%dma_wait3A_1380, %dma_wait3A_1386] : memref<32x128xf32, #tpu.memory_space<vmem>> -> memref<1x128xf32, #tpu.memory_space<vmem>>
    %dma_wait3A_1388 = tpu.memref_squeeze %dma_wait3A_1387 : memref<1x128xf32, #tpu.memory_space<vmem>> -> memref<128xf32, #tpu.memory_space<vmem>>
    %dma_wait3A_1389 = tpu.memref_slice %arg2[%add3A_911, %dma_wait3A_1379, %multiple_of3A_909] : memref<64x16x100000xf32, #tpu.memory_space<hbm>> -> memref<1x1x128xf32, #tpu.memory_space<hbm>>
    %dma_wait3A_1390 = tpu.memref_squeeze %dma_wait3A_1389 : memref<1x1x128xf32, #tpu.memory_space<hbm>> -> memref<128xf32, #tpu.memory_space<hbm>>
    tpu.wait_dma2 semaphore(%arg10 : memref<!tpu.dma_semaphore, #tpu.memory_space<semaphore_mem>>) src(%dma_wait3A_1390 : memref<128xf32, #tpu.memory_space<hbm>>) dst(%dma_wait3A_1388 : memref<128xf32, #tpu.memory_space<vmem>>)
    %dma_wait3A_1391 = arith.constant 12 : i32
    %dma_wait3A_1392 = arith.constant 28 : i32
    %dma_wait3A_1393 = arith.constant 0 : i32
    %dma_wait3A_1394 = tpu.memref_slice %arg8[%dma_wait3A_1392, %dma_wait3A_1393] : memref<32x128xf32, #tpu.memory_space<vmem>> -> memref<1x128xf32, #tpu.memory_space<vmem>>
    %dma_wait3A_1395 = tpu.memref_squeeze %dma_wait3A_1394 : memref<1x128xf32, #tpu.memory_space<vmem>> -> memref<128xf32, #tpu.memory_space<vmem>>
    %dma_wait3A_1396 = tpu.memref_slice %arg2[%add3A_944, %dma_wait3A_1391, %multiple_of3A_942] : memref<64x16x100000xf32, #tpu.memory_space<hbm>> -> memref<1x1x128xf32, #tpu.memory_space<hbm>>
    %dma_wait3A_1397 = tpu.memref_squeeze %dma_wait3A_1396 : memref<1x1x128xf32, #tpu.memory_space<hbm>> -> memref<128xf32, #tpu.memory_space<hbm>>
    %dma_wait3A_1398 = arith.constant 0 : i32
    %dma_wait3A_1399 = tpu.memref_slice %arg8[%dma_wait3A_1392, %dma_wait3A_1398] : memref<32x128xf32, #tpu.memory_space<vmem>> -> memref<1x128xf32, #tpu.memory_space<vmem>>
    %dma_wait3A_1400 = tpu.memref_squeeze %dma_wait3A_1399 : memref<1x128xf32, #tpu.memory_space<vmem>> -> memref<128xf32, #tpu.memory_space<vmem>>
    %dma_wait3A_1401 = tpu.memref_slice %arg2[%add3A_944, %dma_wait3A_1391, %multiple_of3A_942] : memref<64x16x100000xf32, #tpu.memory_space<hbm>> -> memref<1x1x128xf32, #tpu.memory_space<hbm>>
    %dma_wait3A_1402 = tpu.memref_squeeze %dma_wait3A_1401 : memref<1x1x128xf32, #tpu.memory_space<hbm>> -> memref<128xf32, #tpu.memory_space<hbm>>
    tpu.wait_dma2 semaphore(%arg10 : memref<!tpu.dma_semaphore, #tpu.memory_space<semaphore_mem>>) src(%dma_wait3A_1402 : memref<128xf32, #tpu.memory_space<hbm>>) dst(%dma_wait3A_1400 : memref<128xf32, #tpu.memory_space<vmem>>)
    %dma_wait3A_1403 = arith.constant 13 : i32
    %dma_wait3A_1404 = arith.constant 29 : i32
    %dma_wait3A_1405 = arith.constant 0 : i32
    %dma_wait3A_1406 = tpu.memref_slice %arg8[%dma_wait3A_1404, %dma_wait3A_1405] : memref<32x128xf32, #tpu.memory_space<vmem>> -> memref<1x128xf32, #tpu.memory_space<vmem>>
    %dma_wait3A_1407 = tpu.memref_squeeze %dma_wait3A_1406 : memref<1x128xf32, #tpu.memory_space<vmem>> -> memref<128xf32, #tpu.memory_space<vmem>>
    %dma_wait3A_1408 = tpu.memref_slice %arg2[%add3A_977, %dma_wait3A_1403, %multiple_of3A_975] : memref<64x16x100000xf32, #tpu.memory_space<hbm>> -> memref<1x1x128xf32, #tpu.memory_space<hbm>>
    %dma_wait3A_1409 = tpu.memref_squeeze %dma_wait3A_1408 : memref<1x1x128xf32, #tpu.memory_space<hbm>> -> memref<128xf32, #tpu.memory_space<hbm>>
    %dma_wait3A_1410 = arith.constant 0 : i32
    %dma_wait3A_1411 = tpu.memref_slice %arg8[%dma_wait3A_1404, %dma_wait3A_1410] : memref<32x128xf32, #tpu.memory_space<vmem>> -> memref<1x128xf32, #tpu.memory_space<vmem>>
    %dma_wait3A_1412 = tpu.memref_squeeze %dma_wait3A_1411 : memref<1x128xf32, #tpu.memory_space<vmem>> -> memref<128xf32, #tpu.memory_space<vmem>>
    %dma_wait3A_1413 = tpu.memref_slice %arg2[%add3A_977, %dma_wait3A_1403, %multiple_of3A_975] : memref<64x16x100000xf32, #tpu.memory_space<hbm>> -> memref<1x1x128xf32, #tpu.memory_space<hbm>>
    %dma_wait3A_1414 = tpu.memref_squeeze %dma_wait3A_1413 : memref<1x1x128xf32, #tpu.memory_space<hbm>> -> memref<128xf32, #tpu.memory_space<hbm>>
    tpu.wait_dma2 semaphore(%arg10 : memref<!tpu.dma_semaphore, #tpu.memory_space<semaphore_mem>>) src(%dma_wait3A_1414 : memref<128xf32, #tpu.memory_space<hbm>>) dst(%dma_wait3A_1412 : memref<128xf32, #tpu.memory_space<vmem>>)
    %dma_wait3A_1415 = arith.constant 14 : i32
    %dma_wait3A_1416 = arith.constant 30 : i32
    %dma_wait3A_1417 = arith.constant 0 : i32
    %dma_wait3A_1418 = tpu.memref_slice %arg8[%dma_wait3A_1416, %dma_wait3A_1417] : memref<32x128xf32, #tpu.memory_space<vmem>> -> memref<1x128xf32, #tpu.memory_space<vmem>>
    %dma_wait3A_1419 = tpu.memref_squeeze %dma_wait3A_1418 : memref<1x128xf32, #tpu.memory_space<vmem>> -> memref<128xf32, #tpu.memory_space<vmem>>
    %dma_wait3A_1420 = tpu.memref_slice %arg2[%add3A_1010, %dma_wait3A_1415, %multiple_of3A_1008] : memref<64x16x100000xf32, #tpu.memory_space<hbm>> -> memref<1x1x128xf32, #tpu.memory_space<hbm>>
    %dma_wait3A_1421 = tpu.memref_squeeze %dma_wait3A_1420 : memref<1x1x128xf32, #tpu.memory_space<hbm>> -> memref<128xf32, #tpu.memory_space<hbm>>
    %dma_wait3A_1422 = arith.constant 0 : i32
    %dma_wait3A_1423 = tpu.memref_slice %arg8[%dma_wait3A_1416, %dma_wait3A_1422] : memref<32x128xf32, #tpu.memory_space<vmem>> -> memref<1x128xf32, #tpu.memory_space<vmem>>
    %dma_wait3A_1424 = tpu.memref_squeeze %dma_wait3A_1423 : memref<1x128xf32, #tpu.memory_space<vmem>> -> memref<128xf32, #tpu.memory_space<vmem>>
    %dma_wait3A_1425 = tpu.memref_slice %arg2[%add3A_1010, %dma_wait3A_1415, %multiple_of3A_1008] : memref<64x16x100000xf32, #tpu.memory_space<hbm>> -> memref<1x1x128xf32, #tpu.memory_space<hbm>>
    %dma_wait3A_1426 = tpu.memref_squeeze %dma_wait3A_1425 : memref<1x1x128xf32, #tpu.memory_space<hbm>> -> memref<128xf32, #tpu.memory_space<hbm>>
    tpu.wait_dma2 semaphore(%arg10 : memref<!tpu.dma_semaphore, #tpu.memory_space<semaphore_mem>>) src(%dma_wait3A_1426 : memref<128xf32, #tpu.memory_space<hbm>>) dst(%dma_wait3A_1424 : memref<128xf32, #tpu.memory_space<vmem>>)
    %dma_wait3A_1427 = arith.constant 15 : i32
    %dma_wait3A_1428 = arith.constant 31 : i32
    %dma_wait3A_1429 = arith.constant 0 : i32
    %dma_wait3A_1430 = tpu.memref_slice %arg8[%dma_wait3A_1428, %dma_wait3A_1429] : memref<32x128xf32, #tpu.memory_space<vmem>> -> memref<1x128xf32, #tpu.memory_space<vmem>>
    %dma_wait3A_1431 = tpu.memref_squeeze %dma_wait3A_1430 : memref<1x128xf32, #tpu.memory_space<vmem>> -> memref<128xf32, #tpu.memory_space<vmem>>
    %dma_wait3A_1432 = tpu.memref_slice %arg2[%add3A_1043, %dma_wait3A_1427, %multiple_of3A_1041] : memref<64x16x100000xf32, #tpu.memory_space<hbm>> -> memref<1x1x128xf32, #tpu.memory_space<hbm>>
    %dma_wait3A_1433 = tpu.memref_squeeze %dma_wait3A_1432 : memref<1x1x128xf32, #tpu.memory_space<hbm>> -> memref<128xf32, #tpu.memory_space<hbm>>
    %dma_wait3A_1434 = arith.constant 0 : i32
    %dma_wait3A_1435 = tpu.memref_slice %arg8[%dma_wait3A_1428, %dma_wait3A_1434] : memref<32x128xf32, #tpu.memory_space<vmem>> -> memref<1x128xf32, #tpu.memory_space<vmem>>
    %dma_wait3A_1436 = tpu.memref_squeeze %dma_wait3A_1435 : memref<1x128xf32, #tpu.memory_space<vmem>> -> memref<128xf32, #tpu.memory_space<vmem>>
    %dma_wait3A_1437 = tpu.memref_slice %arg2[%add3A_1043, %dma_wait3A_1427, %multiple_of3A_1041] : memref<64x16x100000xf32, #tpu.memory_space<hbm>> -> memref<1x1x128xf32, #tpu.memory_space<hbm>>
    %dma_wait3A_1438 = tpu.memref_squeeze %dma_wait3A_1437 : memref<1x1x128xf32, #tpu.memory_space<hbm>> -> memref<128xf32, #tpu.memory_space<hbm>>
    tpu.wait_dma2 semaphore(%arg10 : memref<!tpu.dma_semaphore, #tpu.memory_space<semaphore_mem>>) src(%dma_wait3A_1438 : memref<128xf32, #tpu.memory_space<hbm>>) dst(%dma_wait3A_1436 : memref<128xf32, #tpu.memory_space<vmem>>)
    %broadcast_in_dim3A_1439 = arith.constant 0xFF800000 : f32
    %broadcast_in_dim3A_1440 = vector.broadcast %broadcast_in_dim3A_1439 : f32 to vector<16xf32>
    %and3A_1441 = arith.constant -16 : i32
    %and3A_1442 = arith.andi %mul3A_4, %and3A_1441 : i32
    %multiple_of3A_1443 = tpu.assume_multiple %and3A_1442, 16 : i32
    %get3A_1444 = arith.index_cast %multiple_of3A_1443 : i32 to index
    %get3A_1445 = tpu.vector_load %arg7[%get3A_1444] {strides = array<i32>} : memref<64xf32, #tpu.memory_space<vmem>>, vector<16xf32>,
    %and3A_1446 = arith.constant 15 : i32
    %and3A_1447 = arith.andi %mul3A_4, %and3A_1446 : i32
    %add3A_1448 = arith.constant 0 : i32
    %add3A_1449 = arith.addi %and3A_1447, %add3A_1448 : i32
    %eq3A_1450 = vector.broadcast %add3A_1449 : i32 to vector<16xi32>
    %eq3A_1451 = arith.cmpi eq, %iota3A, %eq3A_1450 : vector<16xi32>
    %select_n3A_1452 = arith.select %eq3A_1451, %get3A_1445, %broadcast_in_dim3A_1440 : vector<16xi1>, vector<16xf32>
    %reduce_max3A_1453 = arith.constant true
    %reduce_max3A_1454 = vector.broadcast %reduce_max3A_1453 : i1 to vector<16xi1>
    %reduce_max3A_1455 = tpu.scan <max>, %select_n3A_1452 masked %reduce_max3A_1454 : vector<16xf32>, vector<16xi1> -> vector<16xf32>
    %reduce_max3A_1456 = vector.extract %reduce_max3A_1455[15] : f32 from vector<16xf32>
    %add3A_1457 = arith.constant 1 : i32
    %add3A_1458 = arith.addi %and3A_1447, %add3A_1457 : i32
    %eq3A_1459 = vector.broadcast %add3A_1458 : i32 to vector<16xi32>
    %eq3A_1460 = arith.cmpi eq, %iota3A, %eq3A_1459 : vector<16xi32>
    %select_n3A_1461 = arith.select %eq3A_1460, %get3A_1445, %broadcast_in_dim3A_1440 : vector<16xi1>, vector<16xf32>
    %reduce_max3A_1462 = arith.constant true
    %reduce_max3A_1463 = vector.broadcast %reduce_max3A_1462 : i1 to vector<16xi1>
    %reduce_max3A_1464 = tpu.scan <max>, %select_n3A_1461 masked %reduce_max3A_1463 : vector<16xf32>, vector<16xi1> -> vector<16xf32>
    %reduce_max3A_1465 = vector.extract %reduce_max3A_1464[15] : f32 from vector<16xf32>
    %broadcast_in_dim3A_1466 = arith.constant 0.000000e+00 : f32
    %broadcast_in_dim3A_1467 = vector.broadcast %broadcast_in_dim3A_1466 : f32 to vector<16xf32>
    %and3A_1468 = arith.constant 112 : i32
    %and3A_1469 = arith.andi %reduce_max3A_17, %and3A_1468 : i32
    %multiple_of3A_1470 = tpu.assume_multiple %and3A_1469, 16 : i32
    %get3A_1471 = arith.constant 0 : i32
    %get3A_1472 = arith.constant 0 : i32
    %get3A_1473 = tpu.memref_slice %arg8[%get3A_1471, %get3A_1472] : memref<32x128xf32, #tpu.memory_space<vmem>> -> memref<1x128xf32, #tpu.memory_space<vmem>>
    %get3A_1474 = tpu.memref_squeeze %get3A_1473 : memref<1x128xf32, #tpu.memory_space<vmem>> -> memref<128xf32, #tpu.memory_space<vmem>>
    %get3A_1475 = arith.index_cast %multiple_of3A_1470 : i32 to index
    %get3A_1476 = tpu.vector_load %get3A_1474[%get3A_1475] {strides = array<i32>} : memref<128xf32, #tpu.memory_space<vmem>>, vector<16xf32>,
    %and3A_1477 = arith.constant 15 : i32
    %and3A_1478 = arith.andi %reduce_max3A_17, %and3A_1477 : i32
    %eq3A_1479 = vector.broadcast %and3A_1478 : i32 to vector<16xi32>
    %eq3A_1480 = arith.cmpi eq, %iota3A, %eq3A_1479 : vector<16xi32>
    %select_n3A_1481 = arith.select %eq3A_1480, %get3A_1476, %broadcast_in_dim3A_1440 : vector<16xi1>, vector<16xf32>
    %reduce_max3A_1482 = arith.constant true
    %reduce_max3A_1483 = vector.broadcast %reduce_max3A_1482 : i1 to vector<16xi1>
    %reduce_max3A_1484 = tpu.scan <max>, %select_n3A_1481 masked %reduce_max3A_1483 : vector<16xf32>, vector<16xi1> -> vector<16xf32>
    %reduce_max3A_1485 = vector.extract %reduce_max3A_1484[15] : f32 from vector<16xf32>
    %eq3A_1486 = arith.constant 0 : i32
    %eq3A_1487 = vector.broadcast %eq3A_1486 : i32 to vector<16xi32>
    %eq3A_1488 = arith.cmpi eq, %iota3A, %eq3A_1487 : vector<16xi32>
    %broadcast_in_dim3A_1489 = vector.broadcast %reduce_max3A_1485 : f32 to vector<16xf32>
    %select_n3A_1490 = arith.select %eq3A_1488, %broadcast_in_dim3A_1489, %broadcast_in_dim3A_1467 : vector<16xi1>, vector<16xf32>
    %and3A_1491 = arith.constant 112 : i32
    %and3A_1492 = arith.andi %reduce_max3A_48, %and3A_1491 : i32
    %multiple_of3A_1493 = tpu.assume_multiple %and3A_1492, 16 : i32
    %get3A_1494 = arith.constant 1 : i32
    %get3A_1495 = arith.constant 0 : i32
    %get3A_1496 = tpu.memref_slice %arg8[%get3A_1494, %get3A_1495] : memref<32x128xf32, #tpu.memory_space<vmem>> -> memref<1x128xf32, #tpu.memory_space<vmem>>
    %get3A_1497 = tpu.memref_squeeze %get3A_1496 : memref<1x128xf32, #tpu.memory_space<vmem>> -> memref<128xf32, #tpu.memory_space<vmem>>
    %get3A_1498 = arith.index_cast %multiple_of3A_1493 : i32 to index
    %get3A_1499 = tpu.vector_load %get3A_1497[%get3A_1498] {strides = array<i32>} : memref<128xf32, #tpu.memory_space<vmem>>, vector<16xf32>,
    %and3A_1500 = arith.constant 15 : i32
    %and3A_1501 = arith.andi %reduce_max3A_48, %and3A_1500 : i32
    %eq3A_1502 = vector.broadcast %and3A_1501 : i32 to vector<16xi32>
    %eq3A_1503 = arith.cmpi eq, %iota3A, %eq3A_1502 : vector<16xi32>
    %select_n3A_1504 = arith.select %eq3A_1503, %get3A_1499, %broadcast_in_dim3A_1440 : vector<16xi1>, vector<16xf32>
    %reduce_max3A_1505 = arith.constant true
    %reduce_max3A_1506 = vector.broadcast %reduce_max3A_1505 : i1 to vector<16xi1>
    %reduce_max3A_1507 = tpu.scan <max>, %select_n3A_1504 masked %reduce_max3A_1506 : vector<16xf32>, vector<16xi1> -> vector<16xf32>
    %reduce_max3A_1508 = vector.extract %reduce_max3A_1507[15] : f32 from vector<16xf32>
    %eq3A_1509 = arith.constant 1 : i32
    %eq3A_1510 = vector.broadcast %eq3A_1509 : i32 to vector<16xi32>
    %eq3A_1511 = arith.cmpi eq, %iota3A, %eq3A_1510 : vector<16xi32>
    %broadcast_in_dim3A_1512 = vector.broadcast %reduce_max3A_1508 : f32 to vector<16xf32>
    %select_n3A_1513 = arith.select %eq3A_1511, %broadcast_in_dim3A_1512, %select_n3A_1490 : vector<16xi1>, vector<16xf32>
    %and3A_1514 = arith.constant 112 : i32
    %and3A_1515 = arith.andi %reduce_max3A_81, %and3A_1514 : i32
    %multiple_of3A_1516 = tpu.assume_multiple %and3A_1515, 16 : i32
    %get3A_1517 = arith.constant 2 : i32
    %get3A_1518 = arith.constant 0 : i32
    %get3A_1519 = tpu.memref_slice %arg8[%get3A_1517, %get3A_1518] : memref<32x128xf32, #tpu.memory_space<vmem>> -> memref<1x128xf32, #tpu.memory_space<vmem>>
    %get3A_1520 = tpu.memref_squeeze %get3A_1519 : memref<1x128xf32, #tpu.memory_space<vmem>> -> memref<128xf32, #tpu.memory_space<vmem>>
    %get3A_1521 = arith.index_cast %multiple_of3A_1516 : i32 to index
    %get3A_1522 = tpu.vector_load %get3A_1520[%get3A_1521] {strides = array<i32>} : memref<128xf32, #tpu.memory_space<vmem>>, vector<16xf32>,
    %and3A_1523 = arith.constant 15 : i32
    %and3A_1524 = arith.andi %reduce_max3A_81, %and3A_1523 : i32
    %eq3A_1525 = vector.broadcast %and3A_1524 : i32 to vector<16xi32>
    %eq3A_1526 = arith.cmpi eq, %iota3A, %eq3A_1525 : vector<16xi32>
    %select_n3A_1527 = arith.select %eq3A_1526, %get3A_1522, %broadcast_in_dim3A_1440 : vector<16xi1>, vector<16xf32>
    %reduce_max3A_1528 = arith.constant true
    %reduce_max3A_1529 = vector.broadcast %reduce_max3A_1528 : i1 to vector<16xi1>
    %reduce_max3A_1530 = tpu.scan <max>, %select_n3A_1527 masked %reduce_max3A_1529 : vector<16xf32>, vector<16xi1> -> vector<16xf32>
    %reduce_max3A_1531 = vector.extract %reduce_max3A_1530[15] : f32 from vector<16xf32>
    %eq3A_1532 = arith.constant 2 : i32
    %eq3A_1533 = vector.broadcast %eq3A_1532 : i32 to vector<16xi32>
    %eq3A_1534 = arith.cmpi eq, %iota3A, %eq3A_1533 : vector<16xi32>
    %broadcast_in_dim3A_1535 = vector.broadcast %reduce_max3A_1531 : f32 to vector<16xf32>
    %select_n3A_1536 = arith.select %eq3A_1534, %broadcast_in_dim3A_1535, %select_n3A_1513 : vector<16xi1>, vector<16xf32>
    %and3A_1537 = arith.constant 112 : i32
    %and3A_1538 = arith.andi %reduce_max3A_114, %and3A_1537 : i32
    %multiple_of3A_1539 = tpu.assume_multiple %and3A_1538, 16 : i32
    %get3A_1540 = arith.constant 3 : i32
    %get3A_1541 = arith.constant 0 : i32
    %get3A_1542 = tpu.memref_slice %arg8[%get3A_1540, %get3A_1541] : memref<32x128xf32, #tpu.memory_space<vmem>> -> memref<1x128xf32, #tpu.memory_space<vmem>>
    %get3A_1543 = tpu.memref_squeeze %get3A_1542 : memref<1x128xf32, #tpu.memory_space<vmem>> -> memref<128xf32, #tpu.memory_space<vmem>>
    %get3A_1544 = arith.index_cast %multiple_of3A_1539 : i32 to index
    %get3A_1545 = tpu.vector_load %get3A_1543[%get3A_1544] {strides = array<i32>} : memref<128xf32, #tpu.memory_space<vmem>>, vector<16xf32>,
    %and3A_1546 = arith.constant 15 : i32
    %and3A_1547 = arith.andi %reduce_max3A_114, %and3A_1546 : i32
    %eq3A_1548 = vector.broadcast %and3A_1547 : i32 to vector<16xi32>
    %eq3A_1549 = arith.cmpi eq, %iota3A, %eq3A_1548 : vector<16xi32>
    %select_n3A_1550 = arith.select %eq3A_1549, %get3A_1545, %broadcast_in_dim3A_1440 : vector<16xi1>, vector<16xf32>
    %reduce_max3A_1551 = arith.constant true
    %reduce_max3A_1552 = vector.broadcast %reduce_max3A_1551 : i1 to vector<16xi1>
    %reduce_max3A_1553 = tpu.scan <max>, %select_n3A_1550 masked %reduce_max3A_1552 : vector<16xf32>, vector<16xi1> -> vector<16xf32>
    %reduce_max3A_1554 = vector.extract %reduce_max3A_1553[15] : f32 from vector<16xf32>
    %eq3A_1555 = arith.constant 3 : i32
    %eq3A_1556 = vector.broadcast %eq3A_1555 : i32 to vector<16xi32>
    %eq3A_1557 = arith.cmpi eq, %iota3A, %eq3A_1556 : vector<16xi32>
    %broadcast_in_dim3A_1558 = vector.broadcast %reduce_max3A_1554 : f32 to vector<16xf32>
    %select_n3A_1559 = arith.select %eq3A_1557, %broadcast_in_dim3A_1558, %select_n3A_1536 : vector<16xi1>, vector<16xf32>
    %and3A_1560 = arith.constant 112 : i32
    %and3A_1561 = arith.andi %reduce_max3A_147, %and3A_1560 : i32
    %multiple_of3A_1562 = tpu.assume_multiple %and3A_1561, 16 : i32
    %get3A_1563 = arith.constant 4 : i32
    %get3A_1564 = arith.constant 0 : i32
    %get3A_1565 = tpu.memref_slice %arg8[%get3A_1563, %get3A_1564] : memref<32x128xf32, #tpu.memory_space<vmem>> -> memref<1x128xf32, #tpu.memory_space<vmem>>
    %get3A_1566 = tpu.memref_squeeze %get3A_1565 : memref<1x128xf32, #tpu.memory_space<vmem>> -> memref<128xf32, #tpu.memory_space<vmem>>
    %get3A_1567 = arith.index_cast %multiple_of3A_1562 : i32 to index
    %get3A_1568 = tpu.vector_load %get3A_1566[%get3A_1567] {strides = array<i32>} : memref<128xf32, #tpu.memory_space<vmem>>, vector<16xf32>,
    %and3A_1569 = arith.constant 15 : i32
    %and3A_1570 = arith.andi %reduce_max3A_147, %and3A_1569 : i32
    %eq3A_1571 = vector.broadcast %and3A_1570 : i32 to vector<16xi32>
    %eq3A_1572 = arith.cmpi eq, %iota3A, %eq3A_1571 : vector<16xi32>
    %select_n3A_1573 = arith.select %eq3A_1572, %get3A_1568, %broadcast_in_dim3A_1440 : vector<16xi1>, vector<16xf32>
    %reduce_max3A_1574 = arith.constant true
    %reduce_max3A_1575 = vector.broadcast %reduce_max3A_1574 : i1 to vector<16xi1>
    %reduce_max3A_1576 = tpu.scan <max>, %select_n3A_1573 masked %reduce_max3A_1575 : vector<16xf32>, vector<16xi1> -> vector<16xf32>
    %reduce_max3A_1577 = vector.extract %reduce_max3A_1576[15] : f32 from vector<16xf32>
    %eq3A_1578 = arith.constant 4 : i32
    %eq3A_1579 = vector.broadcast %eq3A_1578 : i32 to vector<16xi32>
    %eq3A_1580 = arith.cmpi eq, %iota3A, %eq3A_1579 : vector<16xi32>
    %broadcast_in_dim3A_1581 = vector.broadcast %reduce_max3A_1577 : f32 to vector<16xf32>
    %select_n3A_1582 = arith.select %eq3A_1580, %broadcast_in_dim3A_1581, %select_n3A_1559 : vector<16xi1>, vector<16xf32>
    %and3A_1583 = arith.constant 112 : i32
    %and3A_1584 = arith.andi %reduce_max3A_180, %and3A_1583 : i32
    %multiple_of3A_1585 = tpu.assume_multiple %and3A_1584, 16 : i32
    %get3A_1586 = arith.constant 5 : i32
    %get3A_1587 = arith.constant 0 : i32
    %get3A_1588 = tpu.memref_slice %arg8[%get3A_1586, %get3A_1587] : memref<32x128xf32, #tpu.memory_space<vmem>> -> memref<1x128xf32, #tpu.memory_space<vmem>>
    %get3A_1589 = tpu.memref_squeeze %get3A_1588 : memref<1x128xf32, #tpu.memory_space<vmem>> -> memref<128xf32, #tpu.memory_space<vmem>>
    %get3A_1590 = arith.index_cast %multiple_of3A_1585 : i32 to index
    %get3A_1591 = tpu.vector_load %get3A_1589[%get3A_1590] {strides = array<i32>} : memref<128xf32, #tpu.memory_space<vmem>>, vector<16xf32>,
    %and3A_1592 = arith.constant 15 : i32
    %and3A_1593 = arith.andi %reduce_max3A_180, %and3A_1592 : i32
    %eq3A_1594 = vector.broadcast %and3A_1593 : i32 to vector<16xi32>
    %eq3A_1595 = arith.cmpi eq, %iota3A, %eq3A_1594 : vector<16xi32>
    %select_n3A_1596 = arith.select %eq3A_1595, %get3A_1591, %broadcast_in_dim3A_1440 : vector<16xi1>, vector<16xf32>
    %reduce_max3A_1597 = arith.constant true
    %reduce_max3A_1598 = vector.broadcast %reduce_max3A_1597 : i1 to vector<16xi1>
    %reduce_max3A_1599 = tpu.scan <max>, %select_n3A_1596 masked %reduce_max3A_1598 : vector<16xf32>, vector<16xi1> -> vector<16xf32>
    %reduce_max3A_1600 = vector.extract %reduce_max3A_1599[15] : f32 from vector<16xf32>
    %eq3A_1601 = arith.constant 5 : i32
    %eq3A_1602 = vector.broadcast %eq3A_1601 : i32 to vector<16xi32>
    %eq3A_1603 = arith.cmpi eq, %iota3A, %eq3A_1602 : vector<16xi32>
    %broadcast_in_dim3A_1604 = vector.broadcast %reduce_max3A_1600 : f32 to vector<16xf32>
    %select_n3A_1605 = arith.select %eq3A_1603, %broadcast_in_dim3A_1604, %select_n3A_1582 : vector<16xi1>, vector<16xf32>
    %and3A_1606 = arith.constant 112 : i32
    %and3A_1607 = arith.andi %reduce_max3A_213, %and3A_1606 : i32
    %multiple_of3A_1608 = tpu.assume_multiple %and3A_1607, 16 : i32
    %get3A_1609 = arith.constant 6 : i32
    %get3A_1610 = arith.constant 0 : i32
    %get3A_1611 = tpu.memref_slice %arg8[%get3A_1609, %get3A_1610] : memref<32x128xf32, #tpu.memory_space<vmem>> -> memref<1x128xf32, #tpu.memory_space<vmem>>
    %get3A_1612 = tpu.memref_squeeze %get3A_1611 : memref<1x128xf32, #tpu.memory_space<vmem>> -> memref<128xf32, #tpu.memory_space<vmem>>
    %get3A_1613 = arith.index_cast %multiple_of3A_1608 : i32 to index
    %get3A_1614 = tpu.vector_load %get3A_1612[%get3A_1613] {strides = array<i32>} : memref<128xf32, #tpu.memory_space<vmem>>, vector<16xf32>,
    %and3A_1615 = arith.constant 15 : i32
    %and3A_1616 = arith.andi %reduce_max3A_213, %and3A_1615 : i32
    %eq3A_1617 = vector.broadcast %and3A_1616 : i32 to vector<16xi32>
    %eq3A_1618 = arith.cmpi eq, %iota3A, %eq3A_1617 : vector<16xi32>
    %select_n3A_1619 = arith.select %eq3A_1618, %get3A_1614, %broadcast_in_dim3A_1440 : vector<16xi1>, vector<16xf32>
    %reduce_max3A_1620 = arith.constant true
    %reduce_max3A_1621 = vector.broadcast %reduce_max3A_1620 : i1 to vector<16xi1>
    %reduce_max3A_1622 = tpu.scan <max>, %select_n3A_1619 masked %reduce_max3A_1621 : vector<16xf32>, vector<16xi1> -> vector<16xf32>
    %reduce_max3A_1623 = vector.extract %reduce_max3A_1622[15] : f32 from vector<16xf32>
    %eq3A_1624 = arith.constant 6 : i32
    %eq3A_1625 = vector.broadcast %eq3A_1624 : i32 to vector<16xi32>
    %eq3A_1626 = arith.cmpi eq, %iota3A, %eq3A_1625 : vector<16xi32>
    %broadcast_in_dim3A_1627 = vector.broadcast %reduce_max3A_1623 : f32 to vector<16xf32>
    %select_n3A_1628 = arith.select %eq3A_1626, %broadcast_in_dim3A_1627, %select_n3A_1605 : vector<16xi1>, vector<16xf32>
    %and3A_1629 = arith.constant 112 : i32
    %and3A_1630 = arith.andi %reduce_max3A_246, %and3A_1629 : i32
    %multiple_of3A_1631 = tpu.assume_multiple %and3A_1630, 16 : i32
    %get3A_1632 = arith.constant 7 : i32
    %get3A_1633 = arith.constant 0 : i32
    %get3A_1634 = tpu.memref_slice %arg8[%get3A_1632, %get3A_1633] : memref<32x128xf32, #tpu.memory_space<vmem>> -> memref<1x128xf32, #tpu.memory_space<vmem>>
    %get3A_1635 = tpu.memref_squeeze %get3A_1634 : memref<1x128xf32, #tpu.memory_space<vmem>> -> memref<128xf32, #tpu.memory_space<vmem>>
    %get3A_1636 = arith.index_cast %multiple_of3A_1631 : i32 to index
    %get3A_1637 = tpu.vector_load %get3A_1635[%get3A_1636] {strides = array<i32>} : memref<128xf32, #tpu.memory_space<vmem>>, vector<16xf32>,
    %and3A_1638 = arith.constant 15 : i32
    %and3A_1639 = arith.andi %reduce_max3A_246, %and3A_1638 : i32
    %eq3A_1640 = vector.broadcast %and3A_1639 : i32 to vector<16xi32>
    %eq3A_1641 = arith.cmpi eq, %iota3A, %eq3A_1640 : vector<16xi32>
    %select_n3A_1642 = arith.select %eq3A_1641, %get3A_1637, %broadcast_in_dim3A_1440 : vector<16xi1>, vector<16xf32>
    %reduce_max3A_1643 = arith.constant true
    %reduce_max3A_1644 = vector.broadcast %reduce_max3A_1643 : i1 to vector<16xi1>
    %reduce_max3A_1645 = tpu.scan <max>, %select_n3A_1642 masked %reduce_max3A_1644 : vector<16xf32>, vector<16xi1> -> vector<16xf32>
    %reduce_max3A_1646 = vector.extract %reduce_max3A_1645[15] : f32 from vector<16xf32>
    %eq3A_1647 = arith.constant 7 : i32
    %eq3A_1648 = vector.broadcast %eq3A_1647 : i32 to vector<16xi32>
    %eq3A_1649 = arith.cmpi eq, %iota3A, %eq3A_1648 : vector<16xi32>
    %broadcast_in_dim3A_1650 = vector.broadcast %reduce_max3A_1646 : f32 to vector<16xf32>
    %select_n3A_1651 = arith.select %eq3A_1649, %broadcast_in_dim3A_1650, %select_n3A_1628 : vector<16xi1>, vector<16xf32>
    %and3A_1652 = arith.constant 112 : i32
    %and3A_1653 = arith.andi %reduce_max3A_279, %and3A_1652 : i32
    %multiple_of3A_1654 = tpu.assume_multiple %and3A_1653, 16 : i32
    %get3A_1655 = arith.constant 8 : i32
    %get3A_1656 = arith.constant 0 : i32
    %get3A_1657 = tpu.memref_slice %arg8[%get3A_1655, %get3A_1656] : memref<32x128xf32, #tpu.memory_space<vmem>> -> memref<1x128xf32, #tpu.memory_space<vmem>>
    %get3A_1658 = tpu.memref_squeeze %get3A_1657 : memref<1x128xf32, #tpu.memory_space<vmem>> -> memref<128xf32, #tpu.memory_space<vmem>>
    %get3A_1659 = arith.index_cast %multiple_of3A_1654 : i32 to index
    %get3A_1660 = tpu.vector_load %get3A_1658[%get3A_1659] {strides = array<i32>} : memref<128xf32, #tpu.memory_space<vmem>>, vector<16xf32>,
    %and3A_1661 = arith.constant 15 : i32
    %and3A_1662 = arith.andi %reduce_max3A_279, %and3A_1661 : i32
    %eq3A_1663 = vector.broadcast %and3A_1662 : i32 to vector<16xi32>
    %eq3A_1664 = arith.cmpi eq, %iota3A, %eq3A_1663 : vector<16xi32>
    %select_n3A_1665 = arith.select %eq3A_1664, %get3A_1660, %broadcast_in_dim3A_1440 : vector<16xi1>, vector<16xf32>
    %reduce_max3A_1666 = arith.constant true
    %reduce_max3A_1667 = vector.broadcast %reduce_max3A_1666 : i1 to vector<16xi1>
    %reduce_max3A_1668 = tpu.scan <max>, %select_n3A_1665 masked %reduce_max3A_1667 : vector<16xf32>, vector<16xi1> -> vector<16xf32>
    %reduce_max3A_1669 = vector.extract %reduce_max3A_1668[15] : f32 from vector<16xf32>
    %eq3A_1670 = arith.constant 8 : i32
    %eq3A_1671 = vector.broadcast %eq3A_1670 : i32 to vector<16xi32>
    %eq3A_1672 = arith.cmpi eq, %iota3A, %eq3A_1671 : vector<16xi32>
    %broadcast_in_dim3A_1673 = vector.broadcast %reduce_max3A_1669 : f32 to vector<16xf32>
    %select_n3A_1674 = arith.select %eq3A_1672, %broadcast_in_dim3A_1673, %select_n3A_1651 : vector<16xi1>, vector<16xf32>
    %and3A_1675 = arith.constant 112 : i32
    %and3A_1676 = arith.andi %reduce_max3A_312, %and3A_1675 : i32
    %multiple_of3A_1677 = tpu.assume_multiple %and3A_1676, 16 : i32
    %get3A_1678 = arith.constant 9 : i32
    %get3A_1679 = arith.constant 0 : i32
    %get3A_1680 = tpu.memref_slice %arg8[%get3A_1678, %get3A_1679] : memref<32x128xf32, #tpu.memory_space<vmem>> -> memref<1x128xf32, #tpu.memory_space<vmem>>
    %get3A_1681 = tpu.memref_squeeze %get3A_1680 : memref<1x128xf32, #tpu.memory_space<vmem>> -> memref<128xf32, #tpu.memory_space<vmem>>
    %get3A_1682 = arith.index_cast %multiple_of3A_1677 : i32 to index
    %get3A_1683 = tpu.vector_load %get3A_1681[%get3A_1682] {strides = array<i32>} : memref<128xf32, #tpu.memory_space<vmem>>, vector<16xf32>,
    %and3A_1684 = arith.constant 15 : i32
    %and3A_1685 = arith.andi %reduce_max3A_312, %and3A_1684 : i32
    %eq3A_1686 = vector.broadcast %and3A_1685 : i32 to vector<16xi32>
    %eq3A_1687 = arith.cmpi eq, %iota3A, %eq3A_1686 : vector<16xi32>
    %select_n3A_1688 = arith.select %eq3A_1687, %get3A_1683, %broadcast_in_dim3A_1440 : vector<16xi1>, vector<16xf32>
    %reduce_max3A_1689 = arith.constant true
    %reduce_max3A_1690 = vector.broadcast %reduce_max3A_1689 : i1 to vector<16xi1>
    %reduce_max3A_1691 = tpu.scan <max>, %select_n3A_1688 masked %reduce_max3A_1690 : vector<16xf32>, vector<16xi1> -> vector<16xf32>
    %reduce_max3A_1692 = vector.extract %reduce_max3A_1691[15] : f32 from vector<16xf32>
    %eq3A_1693 = arith.constant 9 : i32
    %eq3A_1694 = vector.broadcast %eq3A_1693 : i32 to vector<16xi32>
    %eq3A_1695 = arith.cmpi eq, %iota3A, %eq3A_1694 : vector<16xi32>
    %broadcast_in_dim3A_1696 = vector.broadcast %reduce_max3A_1692 : f32 to vector<16xf32>
    %select_n3A_1697 = arith.select %eq3A_1695, %broadcast_in_dim3A_1696, %select_n3A_1674 : vector<16xi1>, vector<16xf32>
    %and3A_1698 = arith.constant 112 : i32
    %and3A_1699 = arith.andi %reduce_max3A_345, %and3A_1698 : i32
    %multiple_of3A_1700 = tpu.assume_multiple %and3A_1699, 16 : i32
    %get3A_1701 = arith.constant 10 : i32
    %get3A_1702 = arith.constant 0 : i32
    %get3A_1703 = tpu.memref_slice %arg8[%get3A_1701, %get3A_1702] : memref<32x128xf32, #tpu.memory_space<vmem>> -> memref<1x128xf32, #tpu.memory_space<vmem>>
    %get3A_1704 = tpu.memref_squeeze %get3A_1703 : memref<1x128xf32, #tpu.memory_space<vmem>> -> memref<128xf32, #tpu.memory_space<vmem>>
    %get3A_1705 = arith.index_cast %multiple_of3A_1700 : i32 to index
    %get3A_1706 = tpu.vector_load %get3A_1704[%get3A_1705] {strides = array<i32>} : memref<128xf32, #tpu.memory_space<vmem>>, vector<16xf32>,
    %and3A_1707 = arith.constant 15 : i32
    %and3A_1708 = arith.andi %reduce_max3A_345, %and3A_1707 : i32
    %eq3A_1709 = vector.broadcast %and3A_1708 : i32 to vector<16xi32>
    %eq3A_1710 = arith.cmpi eq, %iota3A, %eq3A_1709 : vector<16xi32>
    %select_n3A_1711 = arith.select %eq3A_1710, %get3A_1706, %broadcast_in_dim3A_1440 : vector<16xi1>, vector<16xf32>
    %reduce_max3A_1712 = arith.constant true
    %reduce_max3A_1713 = vector.broadcast %reduce_max3A_1712 : i1 to vector<16xi1>
    %reduce_max3A_1714 = tpu.scan <max>, %select_n3A_1711 masked %reduce_max3A_1713 : vector<16xf32>, vector<16xi1> -> vector<16xf32>
    %reduce_max3A_1715 = vector.extract %reduce_max3A_1714[15] : f32 from vector<16xf32>
    %eq3A_1716 = arith.constant 10 : i32
    %eq3A_1717 = vector.broadcast %eq3A_1716 : i32 to vector<16xi32>
    %eq3A_1718 = arith.cmpi eq, %iota3A, %eq3A_1717 : vector<16xi32>
    %broadcast_in_dim3A_1719 = vector.broadcast %reduce_max3A_1715 : f32 to vector<16xf32>
    %select_n3A_1720 = arith.select %eq3A_1718, %broadcast_in_dim3A_1719, %select_n3A_1697 : vector<16xi1>, vector<16xf32>
    %and3A_1721 = arith.constant 112 : i32
    %and3A_1722 = arith.andi %reduce_max3A_378, %and3A_1721 : i32
    %multiple_of3A_1723 = tpu.assume_multiple %and3A_1722, 16 : i32
    %get3A_1724 = arith.constant 11 : i32
    %get3A_1725 = arith.constant 0 : i32
    %get3A_1726 = tpu.memref_slice %arg8[%get3A_1724, %get3A_1725] : memref<32x128xf32, #tpu.memory_space<vmem>> -> memref<1x128xf32, #tpu.memory_space<vmem>>
    %get3A_1727 = tpu.memref_squeeze %get3A_1726 : memref<1x128xf32, #tpu.memory_space<vmem>> -> memref<128xf32, #tpu.memory_space<vmem>>
    %get3A_1728 = arith.index_cast %multiple_of3A_1723 : i32 to index
    %get3A_1729 = tpu.vector_load %get3A_1727[%get3A_1728] {strides = array<i32>} : memref<128xf32, #tpu.memory_space<vmem>>, vector<16xf32>,
    %and3A_1730 = arith.constant 15 : i32
    %and3A_1731 = arith.andi %reduce_max3A_378, %and3A_1730 : i32
    %eq3A_1732 = vector.broadcast %and3A_1731 : i32 to vector<16xi32>
    %eq3A_1733 = arith.cmpi eq, %iota3A, %eq3A_1732 : vector<16xi32>
    %select_n3A_1734 = arith.select %eq3A_1733, %get3A_1729, %broadcast_in_dim3A_1440 : vector<16xi1>, vector<16xf32>
    %reduce_max3A_1735 = arith.constant true
    %reduce_max3A_1736 = vector.broadcast %reduce_max3A_1735 : i1 to vector<16xi1>
    %reduce_max3A_1737 = tpu.scan <max>, %select_n3A_1734 masked %reduce_max3A_1736 : vector<16xf32>, vector<16xi1> -> vector<16xf32>
    %reduce_max3A_1738 = vector.extract %reduce_max3A_1737[15] : f32 from vector<16xf32>
    %eq3A_1739 = arith.constant 11 : i32
    %eq3A_1740 = vector.broadcast %eq3A_1739 : i32 to vector<16xi32>
    %eq3A_1741 = arith.cmpi eq, %iota3A, %eq3A_1740 : vector<16xi32>
    %broadcast_in_dim3A_1742 = vector.broadcast %reduce_max3A_1738 : f32 to vector<16xf32>
    %select_n3A_1743 = arith.select %eq3A_1741, %broadcast_in_dim3A_1742, %select_n3A_1720 : vector<16xi1>, vector<16xf32>
    %and3A_1744 = arith.constant 112 : i32
    %and3A_1745 = arith.andi %reduce_max3A_411, %and3A_1744 : i32
    %multiple_of3A_1746 = tpu.assume_multiple %and3A_1745, 16 : i32
    %get3A_1747 = arith.constant 12 : i32
    %get3A_1748 = arith.constant 0 : i32
    %get3A_1749 = tpu.memref_slice %arg8[%get3A_1747, %get3A_1748] : memref<32x128xf32, #tpu.memory_space<vmem>> -> memref<1x128xf32, #tpu.memory_space<vmem>>
    %get3A_1750 = tpu.memref_squeeze %get3A_1749 : memref<1x128xf32, #tpu.memory_space<vmem>> -> memref<128xf32, #tpu.memory_space<vmem>>
    %get3A_1751 = arith.index_cast %multiple_of3A_1746 : i32 to index
    %get3A_1752 = tpu.vector_load %get3A_1750[%get3A_1751] {strides = array<i32>} : memref<128xf32, #tpu.memory_space<vmem>>, vector<16xf32>,
    %and3A_1753 = arith.constant 15 : i32
    %and3A_1754 = arith.andi %reduce_max3A_411, %and3A_1753 : i32
    %eq3A_1755 = vector.broadcast %and3A_1754 : i32 to vector<16xi32>
    %eq3A_1756 = arith.cmpi eq, %iota3A, %eq3A_1755 : vector<16xi32>
    %select_n3A_1757 = arith.select %eq3A_1756, %get3A_1752, %broadcast_in_dim3A_1440 : vector<16xi1>, vector<16xf32>
    %reduce_max3A_1758 = arith.constant true
    %reduce_max3A_1759 = vector.broadcast %reduce_max3A_1758 : i1 to vector<16xi1>
    %reduce_max3A_1760 = tpu.scan <max>, %select_n3A_1757 masked %reduce_max3A_1759 : vector<16xf32>, vector<16xi1> -> vector<16xf32>
    %reduce_max3A_1761 = vector.extract %reduce_max3A_1760[15] : f32 from vector<16xf32>
    %eq3A_1762 = arith.constant 12 : i32
    %eq3A_1763 = vector.broadcast %eq3A_1762 : i32 to vector<16xi32>
    %eq3A_1764 = arith.cmpi eq, %iota3A, %eq3A_1763 : vector<16xi32>
    %broadcast_in_dim3A_1765 = vector.broadcast %reduce_max3A_1761 : f32 to vector<16xf32>
    %select_n3A_1766 = arith.select %eq3A_1764, %broadcast_in_dim3A_1765, %select_n3A_1743 : vector<16xi1>, vector<16xf32>
    %and3A_1767 = arith.constant 112 : i32
    %and3A_1768 = arith.andi %reduce_max3A_444, %and3A_1767 : i32
    %multiple_of3A_1769 = tpu.assume_multiple %and3A_1768, 16 : i32
    %get3A_1770 = arith.constant 13 : i32
    %get3A_1771 = arith.constant 0 : i32
    %get3A_1772 = tpu.memref_slice %arg8[%get3A_1770, %get3A_1771] : memref<32x128xf32, #tpu.memory_space<vmem>> -> memref<1x128xf32, #tpu.memory_space<vmem>>
    %get3A_1773 = tpu.memref_squeeze %get3A_1772 : memref<1x128xf32, #tpu.memory_space<vmem>> -> memref<128xf32, #tpu.memory_space<vmem>>
    %get3A_1774 = arith.index_cast %multiple_of3A_1769 : i32 to index
    %get3A_1775 = tpu.vector_load %get3A_1773[%get3A_1774] {strides = array<i32>} : memref<128xf32, #tpu.memory_space<vmem>>, vector<16xf32>,
    %and3A_1776 = arith.constant 15 : i32
    %and3A_1777 = arith.andi %reduce_max3A_444, %and3A_1776 : i32
    %eq3A_1778 = vector.broadcast %and3A_1777 : i32 to vector<16xi32>
    %eq3A_1779 = arith.cmpi eq, %iota3A, %eq3A_1778 : vector<16xi32>
    %select_n3A_1780 = arith.select %eq3A_1779, %get3A_1775, %broadcast_in_dim3A_1440 : vector<16xi1>, vector<16xf32>
    %reduce_max3A_1781 = arith.constant true
    %reduce_max3A_1782 = vector.broadcast %reduce_max3A_1781 : i1 to vector<16xi1>
    %reduce_max3A_1783 = tpu.scan <max>, %select_n3A_1780 masked %reduce_max3A_1782 : vector<16xf32>, vector<16xi1> -> vector<16xf32>
    %reduce_max3A_1784 = vector.extract %reduce_max3A_1783[15] : f32 from vector<16xf32>
    %eq3A_1785 = arith.constant 13 : i32
    %eq3A_1786 = vector.broadcast %eq3A_1785 : i32 to vector<16xi32>
    %eq3A_1787 = arith.cmpi eq, %iota3A, %eq3A_1786 : vector<16xi32>
    %broadcast_in_dim3A_1788 = vector.broadcast %reduce_max3A_1784 : f32 to vector<16xf32>
    %select_n3A_1789 = arith.select %eq3A_1787, %broadcast_in_dim3A_1788, %select_n3A_1766 : vector<16xi1>, vector<16xf32>
    %and3A_1790 = arith.constant 112 : i32
    %and3A_1791 = arith.andi %reduce_max3A_477, %and3A_1790 : i32
    %multiple_of3A_1792 = tpu.assume_multiple %and3A_1791, 16 : i32
    %get3A_1793 = arith.constant 14 : i32
    %get3A_1794 = arith.constant 0 : i32
    %get3A_1795 = tpu.memref_slice %arg8[%get3A_1793, %get3A_1794] : memref<32x128xf32, #tpu.memory_space<vmem>> -> memref<1x128xf32, #tpu.memory_space<vmem>>
    %get3A_1796 = tpu.memref_squeeze %get3A_1795 : memref<1x128xf32, #tpu.memory_space<vmem>> -> memref<128xf32, #tpu.memory_space<vmem>>
    %get3A_1797 = arith.index_cast %multiple_of3A_1792 : i32 to index
    %get3A_1798 = tpu.vector_load %get3A_1796[%get3A_1797] {strides = array<i32>} : memref<128xf32, #tpu.memory_space<vmem>>, vector<16xf32>,
    %and3A_1799 = arith.constant 15 : i32
    %and3A_1800 = arith.andi %reduce_max3A_477, %and3A_1799 : i32
    %eq3A_1801 = vector.broadcast %and3A_1800 : i32 to vector<16xi32>
    %eq3A_1802 = arith.cmpi eq, %iota3A, %eq3A_1801 : vector<16xi32>
    %select_n3A_1803 = arith.select %eq3A_1802, %get3A_1798, %broadcast_in_dim3A_1440 : vector<16xi1>, vector<16xf32>
    %reduce_max3A_1804 = arith.constant true
    %reduce_max3A_1805 = vector.broadcast %reduce_max3A_1804 : i1 to vector<16xi1>
    %reduce_max3A_1806 = tpu.scan <max>, %select_n3A_1803 masked %reduce_max3A_1805 : vector<16xf32>, vector<16xi1> -> vector<16xf32>
    %reduce_max3A_1807 = vector.extract %reduce_max3A_1806[15] : f32 from vector<16xf32>
    %eq3A_1808 = arith.constant 14 : i32
    %eq3A_1809 = vector.broadcast %eq3A_1808 : i32 to vector<16xi32>
    %eq3A_1810 = arith.cmpi eq, %iota3A, %eq3A_1809 : vector<16xi32>
    %broadcast_in_dim3A_1811 = vector.broadcast %reduce_max3A_1807 : f32 to vector<16xf32>
    %select_n3A_1812 = arith.select %eq3A_1810, %broadcast_in_dim3A_1811, %select_n3A_1789 : vector<16xi1>, vector<16xf32>
    %and3A_1813 = arith.constant 112 : i32
    %and3A_1814 = arith.andi %reduce_max3A_510, %and3A_1813 : i32
    %multiple_of3A_1815 = tpu.assume_multiple %and3A_1814, 16 : i32
    %get3A_1816 = arith.constant 15 : i32
    %get3A_1817 = arith.constant 0 : i32
    %get3A_1818 = tpu.memref_slice %arg8[%get3A_1816, %get3A_1817] : memref<32x128xf32, #tpu.memory_space<vmem>> -> memref<1x128xf32, #tpu.memory_space<vmem>>
    %get3A_1819 = tpu.memref_squeeze %get3A_1818 : memref<1x128xf32, #tpu.memory_space<vmem>> -> memref<128xf32, #tpu.memory_space<vmem>>
    %get3A_1820 = arith.index_cast %multiple_of3A_1815 : i32 to index
    %get3A_1821 = tpu.vector_load %get3A_1819[%get3A_1820] {strides = array<i32>} : memref<128xf32, #tpu.memory_space<vmem>>, vector<16xf32>,
    %and3A_1822 = arith.constant 15 : i32
    %and3A_1823 = arith.andi %reduce_max3A_510, %and3A_1822 : i32
    %eq3A_1824 = vector.broadcast %and3A_1823 : i32 to vector<16xi32>
    %eq3A_1825 = arith.cmpi eq, %iota3A, %eq3A_1824 : vector<16xi32>
    %select_n3A_1826 = arith.select %eq3A_1825, %get3A_1821, %broadcast_in_dim3A_1440 : vector<16xi1>, vector<16xf32>
    %reduce_max3A_1827 = arith.constant true
    %reduce_max3A_1828 = vector.broadcast %reduce_max3A_1827 : i1 to vector<16xi1>
    %reduce_max3A_1829 = tpu.scan <max>, %select_n3A_1826 masked %reduce_max3A_1828 : vector<16xf32>, vector<16xi1> -> vector<16xf32>
    %reduce_max3A_1830 = vector.extract %reduce_max3A_1829[15] : f32 from vector<16xf32>
    %eq3A_1831 = arith.constant 15 : i32
    %eq3A_1832 = vector.broadcast %eq3A_1831 : i32 to vector<16xi32>
    %eq3A_1833 = arith.cmpi eq, %iota3A, %eq3A_1832 : vector<16xi32>
    %broadcast_in_dim3A_1834 = vector.broadcast %reduce_max3A_1830 : f32 to vector<16xf32>
    %select_n3A_1835 = arith.select %eq3A_1833, %broadcast_in_dim3A_1834, %select_n3A_1812 : vector<16xi1>, vector<16xf32>
    %broadcast_in_dim3A_1836 = vector.broadcast %reduce_max3A_1456 : f32 to vector<16xf32>
    %mul3A_1837 = arith.mulf %select_n3A_1835, %broadcast_in_dim3A_1836 : vector<16xf32>
    %swap3A = arith.constant 0 : index
    %swap3A_1838 = tpu.vector_load %arg9[%swap3A] {strides = array<i32>} : memref<128xf32, #tpu.memory_space<vmem>>, vector<16xf32>,
    tpu.vector_store %arg9[%swap3A], %mul3A_1837 {strides = array<i32>} : memref<128xf32, #tpu.memory_space<vmem>>, vector<16xf32>,
    %broadcast_in_dim3A_1839 = arith.constant 0.000000e+00 : f32
    %broadcast_in_dim3A_1840 = vector.broadcast %broadcast_in_dim3A_1839 : f32 to vector<16xf32>
    %and3A_1841 = arith.constant 112 : i32
    %and3A_1842 = arith.andi %reduce_max3A_543, %and3A_1841 : i32
    %multiple_of3A_1843 = tpu.assume_multiple %and3A_1842, 16 : i32
    %get3A_1844 = arith.constant 16 : i32
    %get3A_1845 = arith.constant 0 : i32
    %get3A_1846 = tpu.memref_slice %arg8[%get3A_1844, %get3A_1845] : memref<32x128xf32, #tpu.memory_space<vmem>> -> memref<1x128xf32, #tpu.memory_space<vmem>>
    %get3A_1847 = tpu.memref_squeeze %get3A_1846 : memref<1x128xf32, #tpu.memory_space<vmem>> -> memref<128xf32, #tpu.memory_space<vmem>>
    %get3A_1848 = arith.index_cast %multiple_of3A_1843 : i32 to index
    %get3A_1849 = tpu.vector_load %get3A_1847[%get3A_1848] {strides = array<i32>} : memref<128xf32, #tpu.memory_space<vmem>>, vector<16xf32>,
    %and3A_1850 = arith.constant 15 : i32
    %and3A_1851 = arith.andi %reduce_max3A_543, %and3A_1850 : i32
    %eq3A_1852 = vector.broadcast %and3A_1851 : i32 to vector<16xi32>
    %eq3A_1853 = arith.cmpi eq, %iota3A, %eq3A_1852 : vector<16xi32>
    %select_n3A_1854 = arith.select %eq3A_1853, %get3A_1849, %broadcast_in_dim3A_1440 : vector<16xi1>, vector<16xf32>
    %reduce_max3A_1855 = arith.constant true
    %reduce_max3A_1856 = vector.broadcast %reduce_max3A_1855 : i1 to vector<16xi1>
    %reduce_max3A_1857 = tpu.scan <max>, %select_n3A_1854 masked %reduce_max3A_1856 : vector<16xf32>, vector<16xi1> -> vector<16xf32>
    %reduce_max3A_1858 = vector.extract %reduce_max3A_1857[15] : f32 from vector<16xf32>
    %eq3A_1859 = arith.constant 0 : i32
    %eq3A_1860 = vector.broadcast %eq3A_1859 : i32 to vector<16xi32>
    %eq3A_1861 = arith.cmpi eq, %iota3A, %eq3A_1860 : vector<16xi32>
    %broadcast_in_dim3A_1862 = vector.broadcast %reduce_max3A_1858 : f32 to vector<16xf32>
    %select_n3A_1863 = arith.select %eq3A_1861, %broadcast_in_dim3A_1862, %broadcast_in_dim3A_1840 : vector<16xi1>, vector<16xf32>
    %and3A_1864 = arith.constant 112 : i32
    %and3A_1865 = arith.andi %reduce_max3A_576, %and3A_1864 : i32
    %multiple_of3A_1866 = tpu.assume_multiple %and3A_1865, 16 : i32
    %get3A_1867 = arith.constant 17 : i32
    %get3A_1868 = arith.constant 0 : i32
    %get3A_1869 = tpu.memref_slice %arg8[%get3A_1867, %get3A_1868] : memref<32x128xf32, #tpu.memory_space<vmem>> -> memref<1x128xf32, #tpu.memory_space<vmem>>
    %get3A_1870 = tpu.memref_squeeze %get3A_1869 : memref<1x128xf32, #tpu.memory_space<vmem>> -> memref<128xf32, #tpu.memory_space<vmem>>
    %get3A_1871 = arith.index_cast %multiple_of3A_1866 : i32 to index
    %get3A_1872 = tpu.vector_load %get3A_1870[%get3A_1871] {strides = array<i32>} : memref<128xf32, #tpu.memory_space<vmem>>, vector<16xf32>,
    %and3A_1873 = arith.constant 15 : i32
    %and3A_1874 = arith.andi %reduce_max3A_576, %and3A_1873 : i32
    %eq3A_1875 = vector.broadcast %and3A_1874 : i32 to vector<16xi32>
    %eq3A_1876 = arith.cmpi eq, %iota3A, %eq3A_1875 : vector<16xi32>
    %select_n3A_1877 = arith.select %eq3A_1876, %get3A_1872, %broadcast_in_dim3A_1440 : vector<16xi1>, vector<16xf32>
    %reduce_max3A_1878 = arith.constant true
    %reduce_max3A_1879 = vector.broadcast %reduce_max3A_1878 : i1 to vector<16xi1>
    %reduce_max3A_1880 = tpu.scan <max>, %select_n3A_1877 masked %reduce_max3A_1879 : vector<16xf32>, vector<16xi1> -> vector<16xf32>
    %reduce_max3A_1881 = vector.extract %reduce_max3A_1880[15] : f32 from vector<16xf32>
    %eq3A_1882 = arith.constant 1 : i32
    %eq3A_1883 = vector.broadcast %eq3A_1882 : i32 to vector<16xi32>
    %eq3A_1884 = arith.cmpi eq, %iota3A, %eq3A_1883 : vector<16xi32>
    %broadcast_in_dim3A_1885 = vector.broadcast %reduce_max3A_1881 : f32 to vector<16xf32>
    %select_n3A_1886 = arith.select %eq3A_1884, %broadcast_in_dim3A_1885, %select_n3A_1863 : vector<16xi1>, vector<16xf32>
    %and3A_1887 = arith.constant 112 : i32
    %and3A_1888 = arith.andi %reduce_max3A_609, %and3A_1887 : i32
    %multiple_of3A_1889 = tpu.assume_multiple %and3A_1888, 16 : i32
    %get3A_1890 = arith.constant 18 : i32
    %get3A_1891 = arith.constant 0 : i32
    %get3A_1892 = tpu.memref_slice %arg8[%get3A_1890, %get3A_1891] : memref<32x128xf32, #tpu.memory_space<vmem>> -> memref<1x128xf32, #tpu.memory_space<vmem>>
    %get3A_1893 = tpu.memref_squeeze %get3A_1892 : memref<1x128xf32, #tpu.memory_space<vmem>> -> memref<128xf32, #tpu.memory_space<vmem>>
    %get3A_1894 = arith.index_cast %multiple_of3A_1889 : i32 to index
    %get3A_1895 = tpu.vector_load %get3A_1893[%get3A_1894] {strides = array<i32>} : memref<128xf32, #tpu.memory_space<vmem>>, vector<16xf32>,
    %and3A_1896 = arith.constant 15 : i32
    %and3A_1897 = arith.andi %reduce_max3A_609, %and3A_1896 : i32
    %eq3A_1898 = vector.broadcast %and3A_1897 : i32 to vector<16xi32>
    %eq3A_1899 = arith.cmpi eq, %iota3A, %eq3A_1898 : vector<16xi32>
    %select_n3A_1900 = arith.select %eq3A_1899, %get3A_1895, %broadcast_in_dim3A_1440 : vector<16xi1>, vector<16xf32>
    %reduce_max3A_1901 = arith.constant true
    %reduce_max3A_1902 = vector.broadcast %reduce_max3A_1901 : i1 to vector<16xi1>
    %reduce_max3A_1903 = tpu.scan <max>, %select_n3A_1900 masked %reduce_max3A_1902 : vector<16xf32>, vector<16xi1> -> vector<16xf32>
    %reduce_max3A_1904 = vector.extract %reduce_max3A_1903[15] : f32 from vector<16xf32>
    %eq3A_1905 = arith.constant 2 : i32
    %eq3A_1906 = vector.broadcast %eq3A_1905 : i32 to vector<16xi32>
    %eq3A_1907 = arith.cmpi eq, %iota3A, %eq3A_1906 : vector<16xi32>
    %broadcast_in_dim3A_1908 = vector.broadcast %reduce_max3A_1904 : f32 to vector<16xf32>
    %select_n3A_1909 = arith.select %eq3A_1907, %broadcast_in_dim3A_1908, %select_n3A_1886 : vector<16xi1>, vector<16xf32>
    %and3A_1910 = arith.constant 112 : i32
    %and3A_1911 = arith.andi %reduce_max3A_642, %and3A_1910 : i32
    %multiple_of3A_1912 = tpu.assume_multiple %and3A_1911, 16 : i32
    %get3A_1913 = arith.constant 19 : i32
    %get3A_1914 = arith.constant 0 : i32
    %get3A_1915 = tpu.memref_slice %arg8[%get3A_1913, %get3A_1914] : memref<32x128xf32, #tpu.memory_space<vmem>> -> memref<1x128xf32, #tpu.memory_space<vmem>>
    %get3A_1916 = tpu.memref_squeeze %get3A_1915 : memref<1x128xf32, #tpu.memory_space<vmem>> -> memref<128xf32, #tpu.memory_space<vmem>>
    %get3A_1917 = arith.index_cast %multiple_of3A_1912 : i32 to index
    %get3A_1918 = tpu.vector_load %get3A_1916[%get3A_1917] {strides = array<i32>} : memref<128xf32, #tpu.memory_space<vmem>>, vector<16xf32>,
    %and3A_1919 = arith.constant 15 : i32
    %and3A_1920 = arith.andi %reduce_max3A_642, %and3A_1919 : i32
    %eq3A_1921 = vector.broadcast %and3A_1920 : i32 to vector<16xi32>
    %eq3A_1922 = arith.cmpi eq, %iota3A, %eq3A_1921 : vector<16xi32>
    %select_n3A_1923 = arith.select %eq3A_1922, %get3A_1918, %broadcast_in_dim3A_1440 : vector<16xi1>, vector<16xf32>
    %reduce_max3A_1924 = arith.constant true
    %reduce_max3A_1925 = vector.broadcast %reduce_max3A_1924 : i1 to vector<16xi1>
    %reduce_max3A_1926 = tpu.scan <max>, %select_n3A_1923 masked %reduce_max3A_1925 : vector<16xf32>, vector<16xi1> -> vector<16xf32>
    %reduce_max3A_1927 = vector.extract %reduce_max3A_1926[15] : f32 from vector<16xf32>
    %eq3A_1928 = arith.constant 3 : i32
    %eq3A_1929 = vector.broadcast %eq3A_1928 : i32 to vector<16xi32>
    %eq3A_1930 = arith.cmpi eq, %iota3A, %eq3A_1929 : vector<16xi32>
    %broadcast_in_dim3A_1931 = vector.broadcast %reduce_max3A_1927 : f32 to vector<16xf32>
    %select_n3A_1932 = arith.select %eq3A_1930, %broadcast_in_dim3A_1931, %select_n3A_1909 : vector<16xi1>, vector<16xf32>
    %and3A_1933 = arith.constant 112 : i32
    %and3A_1934 = arith.andi %reduce_max3A_675, %and3A_1933 : i32
    %multiple_of3A_1935 = tpu.assume_multiple %and3A_1934, 16 : i32
    %get3A_1936 = arith.constant 20 : i32
    %get3A_1937 = arith.constant 0 : i32
    %get3A_1938 = tpu.memref_slice %arg8[%get3A_1936, %get3A_1937] : memref<32x128xf32, #tpu.memory_space<vmem>> -> memref<1x128xf32, #tpu.memory_space<vmem>>
    %get3A_1939 = tpu.memref_squeeze %get3A_1938 : memref<1x128xf32, #tpu.memory_space<vmem>> -> memref<128xf32, #tpu.memory_space<vmem>>
    %get3A_1940 = arith.index_cast %multiple_of3A_1935 : i32 to index
    %get3A_1941 = tpu.vector_load %get3A_1939[%get3A_1940] {strides = array<i32>} : memref<128xf32, #tpu.memory_space<vmem>>, vector<16xf32>,
    %and3A_1942 = arith.constant 15 : i32
    %and3A_1943 = arith.andi %reduce_max3A_675, %and3A_1942 : i32
    %eq3A_1944 = vector.broadcast %and3A_1943 : i32 to vector<16xi32>
    %eq3A_1945 = arith.cmpi eq, %iota3A, %eq3A_1944 : vector<16xi32>
    %select_n3A_1946 = arith.select %eq3A_1945, %get3A_1941, %broadcast_in_dim3A_1440 : vector<16xi1>, vector<16xf32>
    %reduce_max3A_1947 = arith.constant true
    %reduce_max3A_1948 = vector.broadcast %reduce_max3A_1947 : i1 to vector<16xi1>
    %reduce_max3A_1949 = tpu.scan <max>, %select_n3A_1946 masked %reduce_max3A_1948 : vector<16xf32>, vector<16xi1> -> vector<16xf32>
    %reduce_max3A_1950 = vector.extract %reduce_max3A_1949[15] : f32 from vector<16xf32>
    %eq3A_1951 = arith.constant 4 : i32
    %eq3A_1952 = vector.broadcast %eq3A_1951 : i32 to vector<16xi32>
    %eq3A_1953 = arith.cmpi eq, %iota3A, %eq3A_1952 : vector<16xi32>
    %broadcast_in_dim3A_1954 = vector.broadcast %reduce_max3A_1950 : f32 to vector<16xf32>
    %select_n3A_1955 = arith.select %eq3A_1953, %broadcast_in_dim3A_1954, %select_n3A_1932 : vector<16xi1>, vector<16xf32>
    %and3A_1956 = arith.constant 112 : i32
    %and3A_1957 = arith.andi %reduce_max3A_708, %and3A_1956 : i32
    %multiple_of3A_1958 = tpu.assume_multiple %and3A_1957, 16 : i32
    %get3A_1959 = arith.constant 21 : i32
    %get3A_1960 = arith.constant 0 : i32
    %get3A_1961 = tpu.memref_slice %arg8[%get3A_1959, %get3A_1960] : memref<32x128xf32, #tpu.memory_space<vmem>> -> memref<1x128xf32, #tpu.memory_space<vmem>>
    %get3A_1962 = tpu.memref_squeeze %get3A_1961 : memref<1x128xf32, #tpu.memory_space<vmem>> -> memref<128xf32, #tpu.memory_space<vmem>>
    %get3A_1963 = arith.index_cast %multiple_of3A_1958 : i32 to index
    %get3A_1964 = tpu.vector_load %get3A_1962[%get3A_1963] {strides = array<i32>} : memref<128xf32, #tpu.memory_space<vmem>>, vector<16xf32>,
    %and3A_1965 = arith.constant 15 : i32
    %and3A_1966 = arith.andi %reduce_max3A_708, %and3A_1965 : i32
    %eq3A_1967 = vector.broadcast %and3A_1966 : i32 to vector<16xi32>
    %eq3A_1968 = arith.cmpi eq, %iota3A, %eq3A_1967 : vector<16xi32>
    %select_n3A_1969 = arith.select %eq3A_1968, %get3A_1964, %broadcast_in_dim3A_1440 : vector<16xi1>, vector<16xf32>
    %reduce_max3A_1970 = arith.constant true
    %reduce_max3A_1971 = vector.broadcast %reduce_max3A_1970 : i1 to vector<16xi1>
    %reduce_max3A_1972 = tpu.scan <max>, %select_n3A_1969 masked %reduce_max3A_1971 : vector<16xf32>, vector<16xi1> -> vector<16xf32>
    %reduce_max3A_1973 = vector.extract %reduce_max3A_1972[15] : f32 from vector<16xf32>
    %eq3A_1974 = arith.constant 5 : i32
    %eq3A_1975 = vector.broadcast %eq3A_1974 : i32 to vector<16xi32>
    %eq3A_1976 = arith.cmpi eq, %iota3A, %eq3A_1975 : vector<16xi32>
    %broadcast_in_dim3A_1977 = vector.broadcast %reduce_max3A_1973 : f32 to vector<16xf32>
    %select_n3A_1978 = arith.select %eq3A_1976, %broadcast_in_dim3A_1977, %select_n3A_1955 : vector<16xi1>, vector<16xf32>
    %and3A_1979 = arith.constant 112 : i32
    %and3A_1980 = arith.andi %reduce_max3A_741, %and3A_1979 : i32
    %multiple_of3A_1981 = tpu.assume_multiple %and3A_1980, 16 : i32
    %get3A_1982 = arith.constant 22 : i32
    %get3A_1983 = arith.constant 0 : i32
    %get3A_1984 = tpu.memref_slice %arg8[%get3A_1982, %get3A_1983] : memref<32x128xf32, #tpu.memory_space<vmem>> -> memref<1x128xf32, #tpu.memory_space<vmem>>
    %get3A_1985 = tpu.memref_squeeze %get3A_1984 : memref<1x128xf32, #tpu.memory_space<vmem>> -> memref<128xf32, #tpu.memory_space<vmem>>
    %get3A_1986 = arith.index_cast %multiple_of3A_1981 : i32 to index
    %get3A_1987 = tpu.vector_load %get3A_1985[%get3A_1986] {strides = array<i32>} : memref<128xf32, #tpu.memory_space<vmem>>, vector<16xf32>,
    %and3A_1988 = arith.constant 15 : i32
    %and3A_1989 = arith.andi %reduce_max3A_741, %and3A_1988 : i32
    %eq3A_1990 = vector.broadcast %and3A_1989 : i32 to vector<16xi32>
    %eq3A_1991 = arith.cmpi eq, %iota3A, %eq3A_1990 : vector<16xi32>
    %select_n3A_1992 = arith.select %eq3A_1991, %get3A_1987, %broadcast_in_dim3A_1440 : vector<16xi1>, vector<16xf32>
    %reduce_max3A_1993 = arith.constant true
    %reduce_max3A_1994 = vector.broadcast %reduce_max3A_1993 : i1 to vector<16xi1>
    %reduce_max3A_1995 = tpu.scan <max>, %select_n3A_1992 masked %reduce_max3A_1994 : vector<16xf32>, vector<16xi1> -> vector<16xf32>
    %reduce_max3A_1996 = vector.extract %reduce_max3A_1995[15] : f32 from vector<16xf32>
    %eq3A_1997 = arith.constant 6 : i32
    %eq3A_1998 = vector.broadcast %eq3A_1997 : i32 to vector<16xi32>
    %eq3A_1999 = arith.cmpi eq, %iota3A, %eq3A_1998 : vector<16xi32>
    %broadcast_in_dim3A_2000 = vector.broadcast %reduce_max3A_1996 : f32 to vector<16xf32>
    %select_n3A_2001 = arith.select %eq3A_1999, %broadcast_in_dim3A_2000, %select_n3A_1978 : vector<16xi1>, vector<16xf32>
    %and3A_2002 = arith.constant 112 : i32
    %and3A_2003 = arith.andi %reduce_max3A_774, %and3A_2002 : i32
    %multiple_of3A_2004 = tpu.assume_multiple %and3A_2003, 16 : i32
    %get3A_2005 = arith.constant 23 : i32
    %get3A_2006 = arith.constant 0 : i32
    %get3A_2007 = tpu.memref_slice %arg8[%get3A_2005, %get3A_2006] : memref<32x128xf32, #tpu.memory_space<vmem>> -> memref<1x128xf32, #tpu.memory_space<vmem>>
    %get3A_2008 = tpu.memref_squeeze %get3A_2007 : memref<1x128xf32, #tpu.memory_space<vmem>> -> memref<128xf32, #tpu.memory_space<vmem>>
    %get3A_2009 = arith.index_cast %multiple_of3A_2004 : i32 to index
    %get3A_2010 = tpu.vector_load %get3A_2008[%get3A_2009] {strides = array<i32>} : memref<128xf32, #tpu.memory_space<vmem>>, vector<16xf32>,
    %and3A_2011 = arith.constant 15 : i32
    %and3A_2012 = arith.andi %reduce_max3A_774, %and3A_2011 : i32
    %eq3A_2013 = vector.broadcast %and3A_2012 : i32 to vector<16xi32>
    %eq3A_2014 = arith.cmpi eq, %iota3A, %eq3A_2013 : vector<16xi32>
    %select_n3A_2015 = arith.select %eq3A_2014, %get3A_2010, %broadcast_in_dim3A_1440 : vector<16xi1>, vector<16xf32>
    %reduce_max3A_2016 = arith.constant true
    %reduce_max3A_2017 = vector.broadcast %reduce_max3A_2016 : i1 to vector<16xi1>
    %reduce_max3A_2018 = tpu.scan <max>, %select_n3A_2015 masked %reduce_max3A_2017 : vector<16xf32>, vector<16xi1> -> vector<16xf32>
    %reduce_max3A_2019 = vector.extract %reduce_max3A_2018[15] : f32 from vector<16xf32>
    %eq3A_2020 = arith.constant 7 : i32
    %eq3A_2021 = vector.broadcast %eq3A_2020 : i32 to vector<16xi32>
    %eq3A_2022 = arith.cmpi eq, %iota3A, %eq3A_2021 : vector<16xi32>
    %broadcast_in_dim3A_2023 = vector.broadcast %reduce_max3A_2019 : f32 to vector<16xf32>
    %select_n3A_2024 = arith.select %eq3A_2022, %broadcast_in_dim3A_2023, %select_n3A_2001 : vector<16xi1>, vector<16xf32>
    %and3A_2025 = arith.constant 112 : i32
    %and3A_2026 = arith.andi %reduce_max3A_807, %and3A_2025 : i32
    %multiple_of3A_2027 = tpu.assume_multiple %and3A_2026, 16 : i32
    %get3A_2028 = arith.constant 24 : i32
    %get3A_2029 = arith.constant 0 : i32
    %get3A_2030 = tpu.memref_slice %arg8[%get3A_2028, %get3A_2029] : memref<32x128xf32, #tpu.memory_space<vmem>> -> memref<1x128xf32, #tpu.memory_space<vmem>>
    %get3A_2031 = tpu.memref_squeeze %get3A_2030 : memref<1x128xf32, #tpu.memory_space<vmem>> -> memref<128xf32, #tpu.memory_space<vmem>>
    %get3A_2032 = arith.index_cast %multiple_of3A_2027 : i32 to index
    %get3A_2033 = tpu.vector_load %get3A_2031[%get3A_2032] {strides = array<i32>} : memref<128xf32, #tpu.memory_space<vmem>>, vector<16xf32>,
    %and3A_2034 = arith.constant 15 : i32
    %and3A_2035 = arith.andi %reduce_max3A_807, %and3A_2034 : i32
    %eq3A_2036 = vector.broadcast %and3A_2035 : i32 to vector<16xi32>
    %eq3A_2037 = arith.cmpi eq, %iota3A, %eq3A_2036 : vector<16xi32>
    %select_n3A_2038 = arith.select %eq3A_2037, %get3A_2033, %broadcast_in_dim3A_1440 : vector<16xi1>, vector<16xf32>
    %reduce_max3A_2039 = arith.constant true
    %reduce_max3A_2040 = vector.broadcast %reduce_max3A_2039 : i1 to vector<16xi1>
    %reduce_max3A_2041 = tpu.scan <max>, %select_n3A_2038 masked %reduce_max3A_2040 : vector<16xf32>, vector<16xi1> -> vector<16xf32>
    %reduce_max3A_2042 = vector.extract %reduce_max3A_2041[15] : f32 from vector<16xf32>
    %eq3A_2043 = arith.constant 8 : i32
    %eq3A_2044 = vector.broadcast %eq3A_2043 : i32 to vector<16xi32>
    %eq3A_2045 = arith.cmpi eq, %iota3A, %eq3A_2044 : vector<16xi32>
    %broadcast_in_dim3A_2046 = vector.broadcast %reduce_max3A_2042 : f32 to vector<16xf32>
    %select_n3A_2047 = arith.select %eq3A_2045, %broadcast_in_dim3A_2046, %select_n3A_2024 : vector<16xi1>, vector<16xf32>
    %and3A_2048 = arith.constant 112 : i32
    %and3A_2049 = arith.andi %reduce_max3A_840, %and3A_2048 : i32
    %multiple_of3A_2050 = tpu.assume_multiple %and3A_2049, 16 : i32
    %get3A_2051 = arith.constant 25 : i32
    %get3A_2052 = arith.constant 0 : i32
    %get3A_2053 = tpu.memref_slice %arg8[%get3A_2051, %get3A_2052] : memref<32x128xf32, #tpu.memory_space<vmem>> -> memref<1x128xf32, #tpu.memory_space<vmem>>
    %get3A_2054 = tpu.memref_squeeze %get3A_2053 : memref<1x128xf32, #tpu.memory_space<vmem>> -> memref<128xf32, #tpu.memory_space<vmem>>
    %get3A_2055 = arith.index_cast %multiple_of3A_2050 : i32 to index
    %get3A_2056 = tpu.vector_load %get3A_2054[%get3A_2055] {strides = array<i32>} : memref<128xf32, #tpu.memory_space<vmem>>, vector<16xf32>,
    %and3A_2057 = arith.constant 15 : i32
    %and3A_2058 = arith.andi %reduce_max3A_840, %and3A_2057 : i32
    %eq3A_2059 = vector.broadcast %and3A_2058 : i32 to vector<16xi32>
    %eq3A_2060 = arith.cmpi eq, %iota3A, %eq3A_2059 : vector<16xi32>
    %select_n3A_2061 = arith.select %eq3A_2060, %get3A_2056, %broadcast_in_dim3A_1440 : vector<16xi1>, vector<16xf32>
    %reduce_max3A_2062 = arith.constant true
    %reduce_max3A_2063 = vector.broadcast %reduce_max3A_2062 : i1 to vector<16xi1>
    %reduce_max3A_2064 = tpu.scan <max>, %select_n3A_2061 masked %reduce_max3A_2063 : vector<16xf32>, vector<16xi1> -> vector<16xf32>
    %reduce_max3A_2065 = vector.extract %reduce_max3A_2064[15] : f32 from vector<16xf32>
    %eq3A_2066 = arith.constant 9 : i32
    %eq3A_2067 = vector.broadcast %eq3A_2066 : i32 to vector<16xi32>
    %eq3A_2068 = arith.cmpi eq, %iota3A, %eq3A_2067 : vector<16xi32>
    %broadcast_in_dim3A_2069 = vector.broadcast %reduce_max3A_2065 : f32 to vector<16xf32>
    %select_n3A_2070 = arith.select %eq3A_2068, %broadcast_in_dim3A_2069, %select_n3A_2047 : vector<16xi1>, vector<16xf32>
    %and3A_2071 = arith.constant 112 : i32
    %and3A_2072 = arith.andi %reduce_max3A_873, %and3A_2071 : i32
    %multiple_of3A_2073 = tpu.assume_multiple %and3A_2072, 16 : i32
    %get3A_2074 = arith.constant 26 : i32
    %get3A_2075 = arith.constant 0 : i32
    %get3A_2076 = tpu.memref_slice %arg8[%get3A_2074, %get3A_2075] : memref<32x128xf32, #tpu.memory_space<vmem>> -> memref<1x128xf32, #tpu.memory_space<vmem>>
    %get3A_2077 = tpu.memref_squeeze %get3A_2076 : memref<1x128xf32, #tpu.memory_space<vmem>> -> memref<128xf32, #tpu.memory_space<vmem>>
    %get3A_2078 = arith.index_cast %multiple_of3A_2073 : i32 to index
    %get3A_2079 = tpu.vector_load %get3A_2077[%get3A_2078] {strides = array<i32>} : memref<128xf32, #tpu.memory_space<vmem>>, vector<16xf32>,
    %and3A_2080 = arith.constant 15 : i32
    %and3A_2081 = arith.andi %reduce_max3A_873, %and3A_2080 : i32
    %eq3A_2082 = vector.broadcast %and3A_2081 : i32 to vector<16xi32>
    %eq3A_2083 = arith.cmpi eq, %iota3A, %eq3A_2082 : vector<16xi32>
    %select_n3A_2084 = arith.select %eq3A_2083, %get3A_2079, %broadcast_in_dim3A_1440 : vector<16xi1>, vector<16xf32>
    %reduce_max3A_2085 = arith.constant true
    %reduce_max3A_2086 = vector.broadcast %reduce_max3A_2085 : i1 to vector<16xi1>
    %reduce_max3A_2087 = tpu.scan <max>, %select_n3A_2084 masked %reduce_max3A_2086 : vector<16xf32>, vector<16xi1> -> vector<16xf32>
    %reduce_max3A_2088 = vector.extract %reduce_max3A_2087[15] : f32 from vector<16xf32>
    %eq3A_2089 = arith.constant 10 : i32
    %eq3A_2090 = vector.broadcast %eq3A_2089 : i32 to vector<16xi32>
    %eq3A_2091 = arith.cmpi eq, %iota3A, %eq3A_2090 : vector<16xi32>
    %broadcast_in_dim3A_2092 = vector.broadcast %reduce_max3A_2088 : f32 to vector<16xf32>
    %select_n3A_2093 = arith.select %eq3A_2091, %broadcast_in_dim3A_2092, %select_n3A_2070 : vector<16xi1>, vector<16xf32>
    %and3A_2094 = arith.constant 112 : i32
    %and3A_2095 = arith.andi %reduce_max3A_906, %and3A_2094 : i32
    %multiple_of3A_2096 = tpu.assume_multiple %and3A_2095, 16 : i32
    %get3A_2097 = arith.constant 27 : i32
    %get3A_2098 = arith.constant 0 : i32
    %get3A_2099 = tpu.memref_slice %arg8[%get3A_2097, %get3A_2098] : memref<32x128xf32, #tpu.memory_space<vmem>> -> memref<1x128xf32, #tpu.memory_space<vmem>>
    %get3A_2100 = tpu.memref_squeeze %get3A_2099 : memref<1x128xf32, #tpu.memory_space<vmem>> -> memref<128xf32, #tpu.memory_space<vmem>>
    %get3A_2101 = arith.index_cast %multiple_of3A_2096 : i32 to index
    %get3A_2102 = tpu.vector_load %get3A_2100[%get3A_2101] {strides = array<i32>} : memref<128xf32, #tpu.memory_space<vmem>>, vector<16xf32>,
    %and3A_2103 = arith.constant 15 : i32
    %and3A_2104 = arith.andi %reduce_max3A_906, %and3A_2103 : i32
    %eq3A_2105 = vector.broadcast %and3A_2104 : i32 to vector<16xi32>
    %eq3A_2106 = arith.cmpi eq, %iota3A, %eq3A_2105 : vector<16xi32>
    %select_n3A_2107 = arith.select %eq3A_2106, %get3A_2102, %broadcast_in_dim3A_1440 : vector<16xi1>, vector<16xf32>
    %reduce_max3A_2108 = arith.constant true
    %reduce_max3A_2109 = vector.broadcast %reduce_max3A_2108 : i1 to vector<16xi1>
    %reduce_max3A_2110 = tpu.scan <max>, %select_n3A_2107 masked %reduce_max3A_2109 : vector<16xf32>, vector<16xi1> -> vector<16xf32>
    %reduce_max3A_2111 = vector.extract %reduce_max3A_2110[15] : f32 from vector<16xf32>
    %eq3A_2112 = arith.constant 11 : i32
    %eq3A_2113 = vector.broadcast %eq3A_2112 : i32 to vector<16xi32>
    %eq3A_2114 = arith.cmpi eq, %iota3A, %eq3A_2113 : vector<16xi32>
    %broadcast_in_dim3A_2115 = vector.broadcast %reduce_max3A_2111 : f32 to vector<16xf32>
    %select_n3A_2116 = arith.select %eq3A_2114, %broadcast_in_dim3A_2115, %select_n3A_2093 : vector<16xi1>, vector<16xf32>
    %and3A_2117 = arith.constant 112 : i32
    %and3A_2118 = arith.andi %reduce_max3A_939, %and3A_2117 : i32
    %multiple_of3A_2119 = tpu.assume_multiple %and3A_2118, 16 : i32
    %get3A_2120 = arith.constant 28 : i32
    %get3A_2121 = arith.constant 0 : i32
    %get3A_2122 = tpu.memref_slice %arg8[%get3A_2120, %get3A_2121] : memref<32x128xf32, #tpu.memory_space<vmem>> -> memref<1x128xf32, #tpu.memory_space<vmem>>
    %get3A_2123 = tpu.memref_squeeze %get3A_2122 : memref<1x128xf32, #tpu.memory_space<vmem>> -> memref<128xf32, #tpu.memory_space<vmem>>
    %get3A_2124 = arith.index_cast %multiple_of3A_2119 : i32 to index
    %get3A_2125 = tpu.vector_load %get3A_2123[%get3A_2124] {strides = array<i32>} : memref<128xf32, #tpu.memory_space<vmem>>, vector<16xf32>,
    %and3A_2126 = arith.constant 15 : i32
    %and3A_2127 = arith.andi %reduce_max3A_939, %and3A_2126 : i32
    %eq3A_2128 = vector.broadcast %and3A_2127 : i32 to vector<16xi32>
    %eq3A_2129 = arith.cmpi eq, %iota3A, %eq3A_2128 : vector<16xi32>
    %select_n3A_2130 = arith.select %eq3A_2129, %get3A_2125, %broadcast_in_dim3A_1440 : vector<16xi1>, vector<16xf32>
    %reduce_max3A_2131 = arith.constant true
    %reduce_max3A_2132 = vector.broadcast %reduce_max3A_2131 : i1 to vector<16xi1>
    %reduce_max3A_2133 = tpu.scan <max>, %select_n3A_2130 masked %reduce_max3A_2132 : vector<16xf32>, vector<16xi1> -> vector<16xf32>
    %reduce_max3A_2134 = vector.extract %reduce_max3A_2133[15] : f32 from vector<16xf32>
    %eq3A_2135 = arith.constant 12 : i32
    %eq3A_2136 = vector.broadcast %eq3A_2135 : i32 to vector<16xi32>
    %eq3A_2137 = arith.cmpi eq, %iota3A, %eq3A_2136 : vector<16xi32>
    %broadcast_in_dim3A_2138 = vector.broadcast %reduce_max3A_2134 : f32 to vector<16xf32>
    %select_n3A_2139 = arith.select %eq3A_2137, %broadcast_in_dim3A_2138, %select_n3A_2116 : vector<16xi1>, vector<16xf32>
    %and3A_2140 = arith.constant 112 : i32
    %and3A_2141 = arith.andi %reduce_max3A_972, %and3A_2140 : i32
    %multiple_of3A_2142 = tpu.assume_multiple %and3A_2141, 16 : i32
    %get3A_2143 = arith.constant 29 : i32
    %get3A_2144 = arith.constant 0 : i32
    %get3A_2145 = tpu.memref_slice %arg8[%get3A_2143, %get3A_2144] : memref<32x128xf32, #tpu.memory_space<vmem>> -> memref<1x128xf32, #tpu.memory_space<vmem>>
    %get3A_2146 = tpu.memref_squeeze %get3A_2145 : memref<1x128xf32, #tpu.memory_space<vmem>> -> memref<128xf32, #tpu.memory_space<vmem>>
    %get3A_2147 = arith.index_cast %multiple_of3A_2142 : i32 to index
    %get3A_2148 = tpu.vector_load %get3A_2146[%get3A_2147] {strides = array<i32>} : memref<128xf32, #tpu.memory_space<vmem>>, vector<16xf32>,
    %and3A_2149 = arith.constant 15 : i32
    %and3A_2150 = arith.andi %reduce_max3A_972, %and3A_2149 : i32
    %eq3A_2151 = vector.broadcast %and3A_2150 : i32 to vector<16xi32>
    %eq3A_2152 = arith.cmpi eq, %iota3A, %eq3A_2151 : vector<16xi32>
    %select_n3A_2153 = arith.select %eq3A_2152, %get3A_2148, %broadcast_in_dim3A_1440 : vector<16xi1>, vector<16xf32>
    %reduce_max3A_2154 = arith.constant true
    %reduce_max3A_2155 = vector.broadcast %reduce_max3A_2154 : i1 to vector<16xi1>
    %reduce_max3A_2156 = tpu.scan <max>, %select_n3A_2153 masked %reduce_max3A_2155 : vector<16xf32>, vector<16xi1> -> vector<16xf32>
    %reduce_max3A_2157 = vector.extract %reduce_max3A_2156[15] : f32 from vector<16xf32>
    %eq3A_2158 = arith.constant 13 : i32
    %eq3A_2159 = vector.broadcast %eq3A_2158 : i32 to vector<16xi32>
    %eq3A_2160 = arith.cmpi eq, %iota3A, %eq3A_2159 : vector<16xi32>
    %broadcast_in_dim3A_2161 = vector.broadcast %reduce_max3A_2157 : f32 to vector<16xf32>
    %select_n3A_2162 = arith.select %eq3A_2160, %broadcast_in_dim3A_2161, %select_n3A_2139 : vector<16xi1>, vector<16xf32>
    %and3A_2163 = arith.constant 112 : i32
    %and3A_2164 = arith.andi %reduce_max3A_1005, %and3A_2163 : i32
    %multiple_of3A_2165 = tpu.assume_multiple %and3A_2164, 16 : i32
    %get3A_2166 = arith.constant 30 : i32
    %get3A_2167 = arith.constant 0 : i32
    %get3A_2168 = tpu.memref_slice %arg8[%get3A_2166, %get3A_2167] : memref<32x128xf32, #tpu.memory_space<vmem>> -> memref<1x128xf32, #tpu.memory_space<vmem>>
    %get3A_2169 = tpu.memref_squeeze %get3A_2168 : memref<1x128xf32, #tpu.memory_space<vmem>> -> memref<128xf32, #tpu.memory_space<vmem>>
    %get3A_2170 = arith.index_cast %multiple_of3A_2165 : i32 to index
    %get3A_2171 = tpu.vector_load %get3A_2169[%get3A_2170] {strides = array<i32>} : memref<128xf32, #tpu.memory_space<vmem>>, vector<16xf32>,
    %and3A_2172 = arith.constant 15 : i32
    %and3A_2173 = arith.andi %reduce_max3A_1005, %and3A_2172 : i32
    %eq3A_2174 = vector.broadcast %and3A_2173 : i32 to vector<16xi32>
    %eq3A_2175 = arith.cmpi eq, %iota3A, %eq3A_2174 : vector<16xi32>
    %select_n3A_2176 = arith.select %eq3A_2175, %get3A_2171, %broadcast_in_dim3A_1440 : vector<16xi1>, vector<16xf32>
    %reduce_max3A_2177 = arith.constant true
    %reduce_max3A_2178 = vector.broadcast %reduce_max3A_2177 : i1 to vector<16xi1>
    %reduce_max3A_2179 = tpu.scan <max>, %select_n3A_2176 masked %reduce_max3A_2178 : vector<16xf32>, vector<16xi1> -> vector<16xf32>
    %reduce_max3A_2180 = vector.extract %reduce_max3A_2179[15] : f32 from vector<16xf32>
    %eq3A_2181 = arith.constant 14 : i32
    %eq3A_2182 = vector.broadcast %eq3A_2181 : i32 to vector<16xi32>
    %eq3A_2183 = arith.cmpi eq, %iota3A, %eq3A_2182 : vector<16xi32>
    %broadcast_in_dim3A_2184 = vector.broadcast %reduce_max3A_2180 : f32 to vector<16xf32>
    %select_n3A_2185 = arith.select %eq3A_2183, %broadcast_in_dim3A_2184, %select_n3A_2162 : vector<16xi1>, vector<16xf32>
    %and3A_2186 = arith.constant 112 : i32
    %and3A_2187 = arith.andi %reduce_max3A_1038, %and3A_2186 : i32
    %multiple_of3A_2188 = tpu.assume_multiple %and3A_2187, 16 : i32
    %get3A_2189 = arith.constant 31 : i32
    %get3A_2190 = arith.constant 0 : i32
    %get3A_2191 = tpu.memref_slice %arg8[%get3A_2189, %get3A_2190] : memref<32x128xf32, #tpu.memory_space<vmem>> -> memref<1x128xf32, #tpu.memory_space<vmem>>
    %get3A_2192 = tpu.memref_squeeze %get3A_2191 : memref<1x128xf32, #tpu.memory_space<vmem>> -> memref<128xf32, #tpu.memory_space<vmem>>
    %get3A_2193 = arith.index_cast %multiple_of3A_2188 : i32 to index
    %get3A_2194 = tpu.vector_load %get3A_2192[%get3A_2193] {strides = array<i32>} : memref<128xf32, #tpu.memory_space<vmem>>, vector<16xf32>,
    %and3A_2195 = arith.constant 15 : i32
    %and3A_2196 = arith.andi %reduce_max3A_1038, %and3A_2195 : i32
    %eq3A_2197 = vector.broadcast %and3A_2196 : i32 to vector<16xi32>
    %eq3A_2198 = arith.cmpi eq, %iota3A, %eq3A_2197 : vector<16xi32>
    %select_n3A_2199 = arith.select %eq3A_2198, %get3A_2194, %broadcast_in_dim3A_1440 : vector<16xi1>, vector<16xf32>
    %reduce_max3A_2200 = arith.constant true
    %reduce_max3A_2201 = vector.broadcast %reduce_max3A_2200 : i1 to vector<16xi1>
    %reduce_max3A_2202 = tpu.scan <max>, %select_n3A_2199 masked %reduce_max3A_2201 : vector<16xf32>, vector<16xi1> -> vector<16xf32>
    %reduce_max3A_2203 = vector.extract %reduce_max3A_2202[15] : f32 from vector<16xf32>
    %eq3A_2204 = arith.constant 15 : i32
    %eq3A_2205 = vector.broadcast %eq3A_2204 : i32 to vector<16xi32>
    %eq3A_2206 = arith.cmpi eq, %iota3A, %eq3A_2205 : vector<16xi32>
    %broadcast_in_dim3A_2207 = vector.broadcast %reduce_max3A_2203 : f32 to vector<16xf32>
    %select_n3A_2208 = arith.select %eq3A_2206, %broadcast_in_dim3A_2207, %select_n3A_2185 : vector<16xi1>, vector<16xf32>
    %broadcast_in_dim3A_2209 = vector.broadcast %reduce_max3A_1465 : f32 to vector<16xf32>
    %mul3A_2210 = arith.mulf %select_n3A_2208, %broadcast_in_dim3A_2209 : vector<16xf32>
    %swap3A_2211 = arith.constant 16 : index
    %swap3A_2212 = tpu.vector_load %arg9[%swap3A_2211] {strides = array<i32>} : memref<128xf32, #tpu.memory_space<vmem>>, vector<16xf32>,
    tpu.vector_store %arg9[%swap3A_2211], %mul3A_2210 {strides = array<i32>} : memref<128xf32, #tpu.memory_space<vmem>>, vector<16xf32>,
    %broadcast_in_dim3A_2213 = arith.constant 0.000000e+00 : f32
    %broadcast_in_dim3A_2214 = vector.broadcast %broadcast_in_dim3A_2213 : f32 to vector<16xf32>
    %swap3A_2215 = arith.constant 32 : index
    %swap3A_2216 = tpu.vector_load %arg9[%swap3A_2215] {strides = array<i32>} : memref<128xf32, #tpu.memory_space<vmem>>, vector<16xf32>,
    tpu.vector_store %arg9[%swap3A_2215], %broadcast_in_dim3A_2214 {strides = array<i32>} : memref<128xf32, #tpu.memory_space<vmem>>, vector<16xf32>,
    %broadcast_in_dim3A_2217 = arith.constant 0.000000e+00 : f32
    %broadcast_in_dim3A_2218 = vector.broadcast %broadcast_in_dim3A_2217 : f32 to vector<16xf32>
    %swap3A_2219 = arith.constant 48 : index
    %swap3A_2220 = tpu.vector_load %arg9[%swap3A_2219] {strides = array<i32>} : memref<128xf32, #tpu.memory_space<vmem>>, vector<16xf32>,
    tpu.vector_store %arg9[%swap3A_2219], %broadcast_in_dim3A_2218 {strides = array<i32>} : memref<128xf32, #tpu.memory_space<vmem>>, vector<16xf32>,
    %broadcast_in_dim3A_2221 = arith.constant 0.000000e+00 : f32
    %broadcast_in_dim3A_2222 = vector.broadcast %broadcast_in_dim3A_2221 : f32 to vector<16xf32>
    %swap3A_2223 = arith.constant 64 : index
    %swap3A_2224 = tpu.vector_load %arg9[%swap3A_2223] {strides = array<i32>} : memref<128xf32, #tpu.memory_space<vmem>>, vector<16xf32>,
    tpu.vector_store %arg9[%swap3A_2223], %broadcast_in_dim3A_2222 {strides = array<i32>} : memref<128xf32, #tpu.memory_space<vmem>>, vector<16xf32>,
    %broadcast_in_dim3A_2225 = arith.constant 0.000000e+00 : f32
    %broadcast_in_dim3A_2226 = vector.broadcast %broadcast_in_dim3A_2225 : f32 to vector<16xf32>
    %swap3A_2227 = arith.constant 80 : index
    %swap3A_2228 = tpu.vector_load %arg9[%swap3A_2227] {strides = array<i32>} : memref<128xf32, #tpu.memory_space<vmem>>, vector<16xf32>,
    tpu.vector_store %arg9[%swap3A_2227], %broadcast_in_dim3A_2226 {strides = array<i32>} : memref<128xf32, #tpu.memory_space<vmem>>, vector<16xf32>,
    %broadcast_in_dim3A_2229 = arith.constant 0.000000e+00 : f32
    %broadcast_in_dim3A_2230 = vector.broadcast %broadcast_in_dim3A_2229 : f32 to vector<16xf32>
    %swap3A_2231 = arith.constant 96 : index
    %swap3A_2232 = tpu.vector_load %arg9[%swap3A_2231] {strides = array<i32>} : memref<128xf32, #tpu.memory_space<vmem>>, vector<16xf32>,
    tpu.vector_store %arg9[%swap3A_2231], %broadcast_in_dim3A_2230 {strides = array<i32>} : memref<128xf32, #tpu.memory_space<vmem>>, vector<16xf32>,
    %broadcast_in_dim3A_2233 = arith.constant 0.000000e+00 : f32
    %broadcast_in_dim3A_2234 = vector.broadcast %broadcast_in_dim3A_2233 : f32 to vector<16xf32>
    %swap3A_2235 = arith.constant 112 : index
    %swap3A_2236 = tpu.vector_load %arg9[%swap3A_2235] {strides = array<i32>} : memref<128xf32, #tpu.memory_space<vmem>>, vector<16xf32>,
    tpu.vector_store %arg9[%swap3A_2235], %broadcast_in_dim3A_2234 {strides = array<i32>} : memref<128xf32, #tpu.memory_space<vmem>>, vector<16xf32>,
    "tpu.region"() ({
      %run_scoped3A = tpu.sem_alloc : memref<!tpu.dma_semaphore, #tpu.memory_space<semaphore_mem>>
      %dma_start3A_2237 = arith.constant 0 : i32
      %dma_start3A_2238 = tpu.memref_slice %arg5[%add3A, %dma_start3A_2237] : memref<32x128xf32, #tpu.memory_space<hbm>> -> memref<1x128xf32, #tpu.memory_space<hbm>>
      %dma_start3A_2239 = tpu.memref_squeeze %dma_start3A_2238 : memref<1x128xf32, #tpu.memory_space<hbm>> -> memref<128xf32, #tpu.memory_space<hbm>>
      %dma_start3A_2240 = arith.constant 0 : i32
      %dma_start3A_2241 = tpu.memref_slice %arg5[%add3A, %dma_start3A_2240] : memref<32x128xf32, #tpu.memory_space<hbm>> -> memref<1x128xf32, #tpu.memory_space<hbm>>
      %dma_start3A_2242 = tpu.memref_squeeze %dma_start3A_2241 : memref<1x128xf32, #tpu.memory_space<hbm>> -> memref<128xf32, #tpu.memory_space<hbm>>
      tpu.enqueue_dma source(%arg9 : memref<128xf32, #tpu.memory_space<vmem>>) target(%dma_start3A_2242 : memref<128xf32, #tpu.memory_space<hbm>>) target_semaphore(%run_scoped3A : memref<!tpu.dma_semaphore, #tpu.memory_space<semaphore_mem>>)
      %dma_wait3A_2243 = arith.constant 0 : i32
      %dma_wait3A_2244 = tpu.memref_slice %arg5[%add3A, %dma_wait3A_2243] : memref<32x128xf32, #tpu.memory_space<hbm>> -> memref<1x128xf32, #tpu.memory_space<hbm>>
      %dma_wait3A_2245 = tpu.memref_squeeze %dma_wait3A_2244 : memref<1x128xf32, #tpu.memory_space<hbm>> -> memref<128xf32, #tpu.memory_space<hbm>>
      %dma_wait3A_2246 = arith.constant 0 : i32
      %dma_wait3A_2247 = tpu.memref_slice %arg5[%add3A, %dma_wait3A_2246] : memref<32x128xf32, #tpu.memory_space<hbm>> -> memref<1x128xf32, #tpu.memory_space<hbm>>
      %dma_wait3A_2248 = tpu.memref_squeeze %dma_wait3A_2247 : memref<1x128xf32, #tpu.memory_space<hbm>> -> memref<128xf32, #tpu.memory_space<hbm>>
      tpu.wait_dma2 semaphore(%run_scoped3A : memref<!tpu.dma_semaphore, #tpu.memory_space<semaphore_mem>>) src(%arg9 : memref<128xf32, #tpu.memory_space<vmem>>) dst(%dma_wait3A_2248 : memref<128xf32, #tpu.memory_space<hbm>>)
      tpu.yield
    }) : () -> ()
    return
  }
}

module attributes {stable_mosaic.version = 14 : i64} {
  func.func @_tc_reduce_kernel(%arg0: memref<32x128xf32, #tpu.memory_space<vmem>>, %arg1: memref<1x1xf32, #tpu.memory_space<smem>>) attributes {dimension_semantics = [], scalar_prefetch = 0 : i64, scratch_operands = 0 : i64, tpu.core_type = #tpu.core_type<tc>} {
    %get3A = arith.constant 0 : index
    %get3A_0 = arith.constant 0 : index
    %get3A_1 = vector.load %arg0[%get3A, %get3A_0] : memref<32x128xf32, #tpu.memory_space<vmem>>, vector<32x128xf32>
    %reduce_sum3A = vector.shape_cast %get3A_1 : vector<32x128xf32> to vector<1x32x128xf32>
    %reduce_sum3A_2 = arith.constant dense<0.000000e+00> : vector<1xf32>
    %reduce_sum3A_3 = vector.multi_reduction <add>, %reduce_sum3A, %reduce_sum3A_2 [1, 2] : vector<1x32x128xf32> to vector<1xf32>
    %reduce_sum3A_4 = vector.shape_cast %reduce_sum3A_3 : vector<1xf32> to vector<1x1x1xf32>
    %reduce_sum3A_5 = vector.extract %reduce_sum3A_4[0, 0, 0] : f32 from vector<1x1x1xf32>
    %neg3A = arith.constant 0.000000e+00 : f32
    %neg3A_6 = arith.subf %neg3A, %reduce_sum3A_5 : f32
    %swap3A = arith.constant 0 : index
    %swap3A_7 = arith.constant 0 : index
    %swap3A_8 = memref.load %arg1[%swap3A, %swap3A_7] : memref<1x1xf32, #tpu.memory_space<smem>>
    memref.store %neg3A_6, %arg1[%swap3A, %swap3A_7] : memref<1x1xf32, #tpu.memory_space<smem>>
    return
  }
}

</mosaic_0001>

<sc_bundles>
// kernel: kernel.4.cloned.1.call-start
scs
__scs_entry_jumppad:
0x0: {  	(pc) =	sbr.rel $0x88, $3  }
0x1: {  	(tag) =	ssettag $0x0;
	lr =	simm.s32 $0x1  }
0x2: {  	[smem:$0x3F9E] =	sst lr;
	_ =	strace $0xD0000000  }
0x3: {  	_ = 	snop  }
0x4: {  	_ = 	snop  }
0x5: {  	_ = 	snop  }
0x6: {  	_ = 	snop  }
0x7: {  	_ = 	snop  }
__scs_overlays_trampoline_lowered:
0x8: {  	[smem:$0x3FAD] =	sst s0  }
0x9: {  	[smem:$0x3FAE] =	sst s1  }
0xa: {  	[smem:$0x3FAF] =	sst s2  }
0xb: {  	[smem:$0x3FB0] =	sst s3  }
0xc: {  	[smem:$0x3FB1] =	sst s4  }
0xd: {  	[smem:$0x3FB2] =	sst s5  }
0xe: {  	[smem:$0x3FB3] =	sst s6  }
0xf: {  	[smem:$0x3FB4] =	sst s7  }
0x10: {  	[smem:$0x3FB5] =	sst s8  }
0x11: {  	[smem:$0x3FB6] =	sst s9;
	s0 =	simm.s32 @!p0 $0x0  }
0x12: {  	s1 =	sld [smem:$0x3F9C];
	s0 =	simm.s32 @p0 $0x1  }
0x13: {  	[smem:$0x3FB7] =	sst s0;
	s0 =	simm.s32 @!p1 $0x0  }
0x14: {  	s2 =	sld [smem:$0x3F9B];
	s0 =	simm.s32 @p1 $0x1  }
0x15: {  	[smem:$0x3FB8] =	sst s0;
	s0 =	simm.s32 @!p2 $0x0  }
0x16: {  	s3 =	sld [smem:$0x3FDB];
	s0 =	simm.s32 @p2 $0x1  }
0x17: {  	s4 =	simm.s32 $0x1BF5;
	[smem:$0x3FBA] =	sst s0  }
0x18: {  	s0 =	sld [smem:$0x3F9D];
	_ =	swait.ge [sflag:s4], $0x0  }
0x19: {  	s7 =	sld [smem:$0x3F9E]  }
0x1a: {  	s8 =	sadd.s32 $0xFFFFE003, lr  }
0x1b: {  	s9 =	sadd.s32 $0xFFFFFEF7, lr;
	s5 =	simm.s32 $0xFFFFFFFF;
	p2 =	slt.u32 s8, $0xFFFFF086  }
0x1c: {  	p1 =	slt.u32 s9, $0xF7A;
	s5 =	simm.s32 @!p2 $0x0  }
0x1d: {  	s5 =	simm.s32 @p1 $0x1;
	p0 =	seq.s32 s7, s2  }
0x1e: {  	s7 =	smul.u32 @!p0 $0xF7A, s2;
	p2 =	seq.s32 @!p0 s5, $0x0  }
0x1f: {  	s9 =	smul.u32 $0xF7A, s1;
	s8 =	simm.s32 @!p0 $0x1BF5;
	p2 =	por !p2, p0  }
0x20: {  	[sflag:s8] =	ssyncset.s32 @!p0 $0xFFFFF086;
	s6 =	sadd.s32 @!p0 s3, s7;
	s7 =	simm.s32 @!p0 $0x108  }
0x21: {  	s3 =	sadd.s32 s3, s9;
	s6 =	sadd.s32 @!p0 $0x88, s6;
	s7 =	simm.s32 @p2 $0x1082  }
0x22: {  	[simem:s7], [sflag:s8] =	dma.local @!p0 [hbm:s6], $0xF7A  }
0x23: {  	s9 =	sor.u32 $0xD0000000, s2;
	s6 =	simm.s32 $0x108;
	_ =	swait.ge @!p0 [sflag:s8], $0x0  }
0x24: {  	s3 =	sadd.s32 $0x88, s3;
	s6 =	simm.s32 @!p1 $0x1082;
	[sflag:s4] =	ssyncset.s32 $0xFFFFF086  }
0x25: {  	[simem:s6], [sflag:s4] =	dma.local [hbm:s3], $0xF7A  }
0x26: {  	[smem:$0x3F9E] =	sst s1;
	(tag) =	ssettag s2;
	_ =	strace s9  }
0x27: {  	s1 =	sld [smem:$0x3FAE]  }
0x28: {  	s2 =	sld [smem:$0x3FAF]  }
0x29: {  	s4 =	sld [smem:$0x3FB1]  }
0x2a: {  	p0 =	seq.s32 s5, $0x0;
	s5 =	sld [smem:$0x3FB2]  }
0x2b: {  	s6 =	sld [smem:$0x3FB3]  }
0x2c: {  	s7 =	sld [smem:$0x3FB4]  }
0x2d: {  	s3 =	simm.s32 $0x108;
	s8 =	sld [smem:$0x3FB5]  }
0x2e: {  	s3 =	simm.s32 @!p0 $0x1082;
	s9 =	sld [smem:$0x3FB6]  }
0x2f: {  	lr =	sadd.s32 s0, s3;
	s0 =	sld [smem:$0x3FAD]  }
0x30: {  	s3 =	sld [smem:$0x3FB0]  }
0x31: {  	[smem:$0x3FB9] =	sst s10  }
0x32: {  	s10 =	sld [smem:$0x3FB7];
	_ =	sdelay $0x3  }
0x33: {  	p0 =	seq.s32 s10, $0x1;
	s10 =	sld [smem:$0x3FB9];
	_ =	sdelay $0x3  }
0x34: {  	[smem:$0x3FB9] =	sst s10  }
0x35: {  	s10 =	sld [smem:$0x3FB8];
	_ =	sdelay $0x3  }
0x36: {  	p1 =	seq.s32 s10, $0x1;
	s10 =	sld [smem:$0x3FB9];
	_ =	sdelay $0x3  }
0x37: {  	[smem:$0x3FB9] =	sst s10  }
0x38: {  	s10 =	sld [smem:$0x3FBA]  }
0x39: {  	_ = 	snop;
	(pc) =	sbr.ind lr, $3  }
0x3a: {  	_ = 	snop  }
0x3b: {  	_ = 	snop  }
0x3c: {  	p2 =	seq.s32 s10, $0x1;
	s10 =	sld [smem:$0x3FB9]  }
0x3d: {  	_ =	shalt  }
0x3e: {  	_ =	shalt  }
0x3f: {  	_ =	shalt  }
0x40: {  	_ =	shalt  }
0x41: {  	_ =	shalt  }
0x42: {  	_ =	shalt  }
0x43: {  	_ =	shalt  }
0x44: {  	_ =	shalt  }
0x45: {  	_ =	shalt  }
0x46: {  	_ =	shalt  }
0x47: {  	_ =	shalt  }
0x48: {  	_ =	shalt  }
0x49: {  	_ =	shalt  }
0x4a: {  	_ =	shalt  }
0x4b: {  	_ =	shalt  }
0x4c: {  	_ =	shalt  }
0x4d: {  	_ =	shalt  }
0x4e: {  	_ =	shalt  }
0x4f: {  	_ =	shalt  }
0x50: {  	_ =	shalt  }
0x51: {  	_ =	shalt  }
0x52: {  	_ =	shalt  }
0x53: {  	_ =	shalt  }
0x54: {  	_ =	shalt  }
0x55: {  	_ =	shalt  }
0x56: {  	_ =	shalt  }
0x57: {  	_ =	shalt  }
0x58: {  	_ =	shalt  }
0x59: {  	_ =	shalt  }
0x5a: {  	_ =	shalt  }
0x5b: {  	_ =	shalt  }
0x5c: {  	_ =	shalt  }
0x5d: {  	_ =	shalt  }
0x5e: {  	_ =	shalt  }
0x5f: {  	_ =	shalt  }
0x60: {  	_ =	shalt  }
0x61: {  	_ =	shalt  }
0x62: {  	_ =	shalt  }
0x63: {  	_ =	shalt  }
0x64: {  	_ =	shalt  }
0x65: {  	_ =	shalt  }
0x66: {  	_ =	shalt  }
0x67: {  	_ =	shalt  }
0x68: {  	_ =	shalt  }
0x69: {  	_ =	shalt  }
0x6a: {  	_ =	shalt  }
0x6b: {  	_ =	shalt  }
0x6c: {  	_ =	shalt  }
0x6d: {  	_ =	shalt  }
0x6e: {  	_ =	shalt  }
0x6f: {  	_ =	shalt  }
0x70: {  	_ =	shalt  }
0x71: {  	_ =	shalt  }
0x72: {  	_ =	shalt  }
0x73: {  	_ =	shalt  }
0x74: {  	_ =	shalt  }
0x75: {  	_ =	shalt  }
0x76: {  	_ =	shalt  }
0x77: {  	_ =	shalt  }
0x78: {  	_ =	shalt  }
0x79: {  	_ =	shalt  }
0x7a: {  	_ =	shalt  }
0x7b: {  	_ =	shalt  }
0x7c: {  	_ =	shalt  }
0x7d: {  	_ =	shalt  }
0x7e: {  	_ =	shalt  }
0x7f: {  	_ =	shalt  }
0x80: {  	_ =	shalt  }
0x81: {  	_ =	shalt  }
0x82: {  	_ =	shalt  }
0x83: {  	_ =	shalt  }
0x84: {  	_ =	shalt  }
0x85: {  	_ =	shalt  }
0x86: {  	_ =	shalt  }
0x87: {  	_ =	shalt  }
.Lfunc_end0:
.L_simem_size_0:
called_computation_lowered:
.L_overlay_start_0:
0x88: {  	s2 =	sld [smem:$0x3FD9]  }
0x89: {  	s3 =	sld [smem:$0x3FFE];
	_ =	sdelay $0x1  }
0x8a: {  	s1 =	srdreg.scid  }
0x8b: {  	s0 =	sand.u32 $0x1, s1  }
0x8c: {  	s17 =	sshll.u32 s0, $0xA;
	s2 =	sadd.s32 s3, s2  }
0x8d: {  	s2 =	sadd.s32 s2, s17  }
0x8e: {  	[smem:$0x3FC5] =	sst s2  }
0x8f: {  	_ = 	snop  }
0x90: {  	s2 =	sld [smem:$0x3FC9]  }
0x91: {  	s18 =	sld [smem:$0x3FC7];
	(tm) =	ssettm $0x1  }
0x92: {  	s4 =	sld [smem:$0x3FFB];
	_ =	sdelay $0x3  }
0x93: {  	_ =	strace s4  }
0x94: {  	s4 =	sld [smem:$0x3FFC];
	_ =	sdelay $0x3  }
0x95: {  	_ =	strace s4  }
0x96: {  	s4 =	sld [smem:$0x3FFD];
	_ =	sdelay $0x3  }
0x97: {  	_ =	strace s4  }
0x98: {  	_ =	strace $0x8FFFFFFF  }
0x99: {  	s19 =	sld [smem:$0x3FDB];
	_ =	sdelay $0x1  }
0x9a: {  	s5 =	simm.s32 $_scs_section_size  }
0x9b: {  	s6 =	simm.s32 $_size__tile_overlayer_lowered;
	s7 =	simm.s32 $_tile_overlayer_lowered  }
0x9c: {  	s22 =	simm.s32 $0x1BFF;
	s21 =	sshll.u32 s7, $0x1;
	s4 =	sadd.s32 s5, s19  }
0x9d: {  	s8 =	simm.s32 $0x0;
	s20 =	sshll.u32 s6, $0x1;
	s6 =	sadd.s32 s21, s4  }
0x9e: {  	[timem:s8], [sflag:s22] =	dma.local [hbm:s6], s20  }
0x9f: {  	_ =	swait.ge [sflag:s22], s20  }
0xa0: {  	s5 =	ssub.s32 $0x0, s20;
	[sflag:s22] =	ssyncset.done $0x0  }
0xa1: {  	[sflag:s22] =	ssyncadd.s32 s5;
	_ =	sdelay $0x1  }
0xa2: {  	s23 =	simm.s32 $0x1B8B  }
0xa3: {  	_ =	swait.ge [sflag:s23], $0x1  }
0xa4: {  	[sflag:s23] =	ssyncset.done $0x0  }
0xa5: {  	s25 =	simm.s32 $0x1B8E;
	s24 =	sld [smem:$0x3FFE];
	[sflag:s23] =	ssyncadd.s32 $0xFFFFFFFF  }
0xa6: {  	s26 =	simm.s32 $execute0_lowered;
	[smem:$0x3FD2] =	sst s25  }
0xa7: {  	s6 =	sshll.u32 s26, $0x1;
	_ =	strace $0x80000046;
	[dreg:$0x1] =	wrdreg $0xFFFFFFFF  }
0xa8: {  	s28 =	simm.s32 $_size_execute0_lowered;
	s4 =	sadd.s32 s4, s6;
	[dreg:$0x0] =	wrdreg $0x0  }
0xa9: {  	s6 =	sshll.u32 s28, $0x1;
	[dreg:$0x2] =	wrdreg s4  }
0xaa: {  	[dreg:$0x3] =	wrdreg s6  }
0xab: {  	[dreg:$0x4] =	wrdreg $0xC0  }
0xac: {  	_ =	task [dreg:s8], $0x5FFFF  }
0xad: {  	[dreg:$0x1] =	wrdreg $0xFFFFFFFF  }
0xae: {  	[dreg:$0x0] =	wrdreg $0x60  }
0xaf: {  	[dreg:$0x2] =	wrdreg s2  }
0xb0: {  	[dreg:$0x3] =	wrdreg s24  }
0xb1: {  	[dreg:$0x4] =	wrdreg s18  }
0xb2: {  	[dreg:$0x5] =	wrdreg $0x9  }
0xb3: {  	_ =	task.clear_ibuf [dreg:s8], $0x6FFFF;
	_ =	strace $0x90000046  }
0xb4: {  	s29 =	simm.s32 $0x9;
	_ =	strace $0x80000048  }
0xb5: {  	_ =	swait.ge [sflag:s29], $0x1  }
0xb6: {  	[sflag:s29] =	ssyncadd.s32 $0xFFFFFFFF  }
0xb7: {  	_ =	strace $0x90000048  }
0xb8: {  	_ =	sfence  }
0xb9: {  	s30 =	sld [smem:$0x0];
	_ =	sdelay $0x2  }
0xba: {  	s31 =	sshll.u32 s1, $0xD;
	s1 =	sshrl.u32 s1, $0x2  }
0xbb: {  	s3 =	sand.u32 $0x4000, s31;
	s1 =	sadd.s32 s1, s30  }
0xbc: {  	s0 =	sor.u32 s3, s0;
	s1 =	sshll.u32 s1, $0x11  }
0xbd: {  	s0 =	sor.u32 s1, s0  }
0xbe: {  	s0 =	sadd.s32 $0x8F2B, s0  }
0xbf: {  	[sflag:s0] =	ssyncadd.remote.s32 $0x1  }
0xc0: {  	_ =	sfence.sel $0xFFFF  }
0xc1: {  	[dreg:$0x0] =	wrdreg $0xFFFFFFFF;
	(pc) =	sbr.abs _section_cstart, $3  }
0xc2: {  	[dreg:$0x1] =	wrdreg $0xFFFFFFFF  }
0xc3: {  	_ =	task.clear_ibuf [dreg:s8], $0x2FFFF;
	_ =	strace $0x9FFFFFFF  }
0xc4: {  	(tm) =	ssettm $0x7FFFFFFF  }
0xc5: {  	_ =	shalt  }
tec
execute0_lowered:
.L_overlay_start_1:
0x0: {  	(tag) =	ssettag $0x1  }
0x1: {  	s8 =	rddreg [dreg:$0x0]  }
0x2: {  	s0 =	rddreg [dreg:$0x1]  }
0x3: {  	s1 =	rddreg [dreg:$0x2]  }
0x4: {  	s3 =	simm.s32 $0x0;
	[dreg:$0x5] =	wrdreg s1  }
0x5: {  	[smem:$0x7FF] =	sst s3;
	s30 =	sadd.s32 $0x600, s0  }
0x6: {  	s10 =	simm.s32 $0x400;
	_ =	strace $0x80000047;
	[dreg:$0x4] =	wrdreg s30  }
0x7: {  	s11 =	simm.s32 $0x480;
	[dreg:$0x8] =	wrdreg s10  }
0x8: {  	s12 =	simm.s32 $0x500;
	[dreg:$0x9] =	wrdreg s11  }
0x9: {  	s13 =	simm.s32 $0x580;
	[dreg:$0xa] =	wrdreg s12  }
0xa: {  	s14 =	simm.s32 $0x600;
	[dreg:$0xb] =	wrdreg s13  }
0xb: {  	s29 =	srdreg.scid;
	s15 =	simm.s32 $0x680;
	[dreg:$0xc] =	wrdreg s14  }
0xc: {  	s5 =	stileid.u32;
	s16 =	simm.s32 $0x700;
	[dreg:$0xd] =	wrdreg s15  }
0xd: {  	s17 =	simm.s32 $0x780;
	s18 =	simm.s32 $0x800;
	[dreg:$0xe] =	wrdreg s16  }
0xe: {  	s19 =	simm.s32 $0x880;
	s1 =	sand.u32 $0x1, s29;
	[dreg:$0xf] =	wrdreg s17  }
0xf: {  	s20 =	simm.s32 $0x900;
	s2 =	sshll.u32 s1, $0x4;
	[dreg:$0x10] =	wrdreg s18  }
0x10: {  	s21 =	simm.s32 $0x980;
	[dreg:$0x11] =	wrdreg s19;
	s2 =	sor.u32 s5, s2  }
0x11: {  	s22 =	simm.s32 $0xA00;
	[dreg:$0x12] =	wrdreg s20;
	s7 =	sshll.u32 s2, $0x1  }
0x12: {  	[dreg:$0x13] =	wrdreg s21;
	s9 =	sand.u32 $0x30, s7;
	s7 =	sand.u32 $0xE, s7  }
0x13: {  	s23 =	simm.s32 $0xA80;
	[dreg:$0x14] =	wrdreg s22;
	s10 =	sor.u32 $0x1, s7  }
0x14: {  	s24 =	simm.s32 $0xB00;
	v0 =	vlaneseq.u32;
	[dreg:$0x15] =	wrdreg s23;
	v2 =	vmov s10  }
0x15: {  	s25 =	simm.s32 $0xB80;
	[dreg:$0x16] =	wrdreg s24;
	v1 =	vmov s7;
	vm0 =	veq.s32 v2, v0;
	v2 =	vimm.s32 $0x0  }
0x16: {  	s26 =	simm.s32 $0xC00;
	[dreg:$0x17] =	wrdreg s25;
	v2 =	vsel vm0, $0xFFFFFFFF, v2;
	vm0 =	veq.s32 v1, v0;
	v1 =	vimm.s32 $0x0  }
0x17: {  	s29 =	simm.s32 $0xC80;
	[dreg:$0x18] =	wrdreg s26;
	[tilespmem:$0x1FF10] =	vst v2;
	v1 =	vsel vm0, $0xFFFFFFFF, v1;
	vm0 =	vmmov $0x3;
	v2 =	vimm.s32 $0x0  }
0x18: {  	[dreg:$0x19] =	wrdreg s29;
	s30 =	simm.s32 $0xD00;
	v2 =	vsel vm0, $0xFFFFFFFF, v2  }
0x19: {  	s12 =	sadd.s32 $0x10, s8;
	[dreg:$0x1a] =	wrdreg s30;
	vm0 =	vmmov $0x7;
	[tilespmem:$0x1FF30] =	vst v2;
	v2 =	vimm.s32 $0x0  }
0x1a: {  	s11 =	simm.s32 $0xF00;
	[smem:$0x7ED] =	sst s12;
	v2 =	vsel vm0, $0xFFFFFFFF, v2  }
0x1b: {  	s14 =	sadd.s32 $0x20, s8;
	[dreg:$0x1e] =	wrdreg s11;
	vm0 =	vmmov $0xf;
	[tilespmem:$0x1FF40] =	vst v2;
	v2 =	vimm.s32 $0x0  }
0x1c: {  	s13 =	simm.s32 $0xF80;
	[smem:$0x7EE] =	sst s14;
	v2 =	vsel vm0, $0xFFFFFFFF, v2  }
0x1d: {  	s16 =	sadd.s32 $0x30, s8;
	[dreg:$0x1f] =	wrdreg s13;
	vm0 =	vmmov $0x1f;
	[tilespmem:$0x1FF50] =	vst v2;
	v2 =	vimm.s32 $0x0  }
0x1e: {  	s15 =	simm.s32 $0x1000;
	[smem:$0x7EF] =	sst s16;
	v2 =	vsel vm0, $0xFFFFFFFF, v2  }
0x1f: {  	s18 =	sadd.s32 $0x40, s8;
	[smem:$0x7F0] =	sst s15;
	vm0 =	vmmov $0x3f;
	[tilespmem:$0x1FF60] =	vst v2;
	v2 =	vimm.s32 $0x0  }
0x20: {  	s17 =	simm.s32 $0x1080;
	[smem:$0x7F1] =	sst s18;
	v2 =	vsel vm0, $0xFFFFFFFF, v2  }
0x21: {  	s20 =	sadd.s32 $0x50, s8;
	[smem:$0x7F2] =	sst s17;
	vm0 =	vmmov $0x7f;
	[tilespmem:$0x1FF70] =	vst v2;
	v2 =	vimm.s32 $0x0  }
0x22: {  	s19 =	simm.s32 $0x1100;
	[smem:$0x7F3] =	sst s20;
	v2 =	vsel vm0, $0xFFFFFFFF, v2  }
0x23: {  	s22 =	sadd.s32 $0x60, s8;
	[smem:$0x7F4] =	sst s19;
	vm0 =	vmmov $0xff;
	[tilespmem:$0x1FF80] =	vst v2;
	v2 =	vimm.s32 $0x0  }
0x24: {  	s4 =	sshll.u32 s5, $0x4;
	s21 =	simm.s32 $0x1180;
	[smem:$0x7F5] =	sst s22;
	v2 =	vsel vm0, $0xFFFFFFFF, v2  }
0x25: {  	s4 =	sand.u32 $0x70, s4;
	s24 =	sadd.s32 $0x70, s8;
	[smem:$0x7F6] =	sst s21;
	vm0 =	vmmov $0x1ff;
	[tilespmem:$0x1FF90] =	vst v2;
	v2 =	vimm.s32 $0x0  }
0x26: {  	s1 =	ssub.s32 $0x2, s1;
	s23 =	simm.s32 $0x1200;
	[smem:$0x7F7] =	sst s24;
	v2 =	vsel vm0, $0xFFFFFFFF, v2  }
0x27: {  	s25 =	simm.s32 $0x1280;
	s26 =	simm.s32 $0x1300;
	[smem:$0x7F8] =	sst s23;
	vm0 =	vmmov $0x3ff;
	[tilespmem:$0x1FFA0] =	vst v2;
	v2 =	vimm.s32 $0x0  }
0x28: {  	s29 =	simm.s32 $0x1400;
	s0 =	sadd.s32 s4, s0;
	[smem:$0x7F9] =	sst s25;
	v2 =	vsel vm0, $0xFFFFFFFF, v2  }
0x29: {  	s28 =	sshrl.u32 s1, $0x1;
	s5 =	simm.s32 $0xD80;
	[smem:$0x7FA] =	sst s26;
	vm0 =	vmmov $0x7ff;
	[tilespmem:$0x1FFB0] =	vst v2;
	v2 =	vimm.s32 $0x0  }
0x2a: {  	[smem:$0x7FC] =	sst s29;
	s30 =	simm.s32 $0x1480;
	s18 =	simm.s32 $0x1;
	v2 =	vsel vm0, $0xFFFFFFFF, v2  }
0x2b: {  	s6 =	sshll.u32 s2, $0x4;
	s4 =	sshll.u32 s2, $0x5;
	[dreg:$0x1b] =	wrdreg s5;
	vm0 =	vmmov $0xfff;
	[tilespmem:$0x1FFC0] =	vst v2;
	v2 =	vimm.s32 $0x0  }
0x2c: {  	s31 =	smul.u32 $0x30E000, s2;
	[smem:$0x7FD] =	sst s30;
	s6 =	sand.u32 $0x180, s6;
	v2 =	vsel vm0, $0xFFFFFFFF, v2  }
0x2d: {  	s0 =	sadd.s32 s6, s0;
	[dreg:$0x6] =	wrdreg s9;
	s6 =	simm.s32 $0xE00;
	vm0 =	vmmov $0x1fff;
	[tilespmem:$0x1FFD0] =	vst v2;
	v2 =	vimm.s32 $0x0  }
0x2e: {  	s9 =	simm.s32 $0xE80;
	s13 =	sadd.s32 $0xC3800, s31;
	[dreg:$0x1c] =	wrdreg s6;
	v2 =	vsel vm0, $0xFFFFFFFF, v2  }
0x2f: {  	s14 =	sadd.s32 $0x187000, s31;
	s0 =	sadd.s32 $0x800, s0;
	[dreg:$0x1d] =	wrdreg s9;
	vm0 =	vmmov $0x3fff;
	[tilespmem:$0x1FFE0] =	vst v2;
	v2 =	vimm.s32 $0x0  }
0x30: {  	[dreg:$0x7] =	wrdreg s0;
	s0 =	ssub.s32 s1, s28;
	s28 =	simm.s32 $0x1380;
	[tilespmem:$0x1FF20] =	vst v1;
	v2 =	vsel vm0, $0xFFFFFFFF, v2  }
0x31: {  	vm2 =	vmmov $0x1;
	vm4 =	vmmov $0x7fff;
	s15 =	sadd.s32 $0x24A800, s31;
	[smem:$0x7FB] =	sst s28;
	s2 =	smax.u32 s0, $0x1;
	v1 =	vimm.f32 $0.0e+00;
	[tilespmem:$0x1FFF0] =	vst v2  }
.LBB2_1:
0x32: {  	[smem:$0x7EC] =	sst s2  }
0x33: {  	s0 =	rddreg [dreg:$0x4];
	s17 =	simm.s32 $0x2  }
0x34: {  	[tilespmem:s3], [sflag:$0x2] =	stream.linear.gather [hbm4b:s0+s3], $0x400, $0x38;
	[tilespmem:$0x1500] =	vst v63  }
0x35: {  	_ =	swait.ge [sflag:s17], $0x400  }
0x36: {  	s19 =	rddreg [dreg:$0x5];
	[sflag:s17] =	ssyncset.done $0x0  }
0x37: {  	s1 =	rddreg [dreg:$0x8];
	[sflag:s17] =	ssyncadd.s32 $0xFFFFFC00  }
0x38: {  	[tilespmem:s1], [sflag:$0x2] =	stream.linear.gather [hbm4b:s19+s3], $0x80, $0x38;
	[tilespmem:$0x1500] =	vst v63  }
0x39: {  	_ =	swait.ge [sflag:s17], $0x80  }
0x3a: {  	[sflag:s17] =	ssyncset.done $0x0  }
0x3b: {  	[sflag:s17] =	ssyncadd.s32 $0xFFFFFF80  }
0x3c: {  	v2 =	vld [tilespmem:s4+$0x0];
	_ =	sdelay $0x4  }
0x3d: {  	v2 =	vnsel vm2, $0xFFFFFFFF, v2  }
0x3e: {  	v2 =	vxor.u32 $0x80000000, v2  }
0x3f: {  	(xrf0) =	vmax.scan.msk.u32 $0xffff, v2;
	_ =	sdelay $0x5  }
0x40: {  	v2, _, _ =	vpop (xrf0)  }
0x41: {  	(v2sf) =	vpush v2, $0xF;
	_ =	sdelay $0xe  }
0x42: {  	s20 =	spop (v2sf)  }
0x43: {  	s0 =	sshll.u32 s20, $0x3  }
0x44: {  	s0 =	sand.u32 $0xFFFFFC00, s0  }
0x45: {  	[smem:$0x7E0] =	sst s20;
	s0 =	sadd.s32 s31, s0  }
0x46: {  	s20 =	rddreg [dreg:$0x0];
	s0 =	sshrl.u32 s0, $0x3  }
0x47: {  	s21 =	rddreg [dreg:$0x9];
	s0 =	sadd.s32 s20, s0  }
0x48: {  	[tilespmem:s21], [sflag:$0x1] =	stream.linear.gather [hbm4b:s0+s3], $0x80, $0x38;
	[tilespmem:$0x1500] =	vst v63  }
0x49: {  	v2 =	vld [tilespmem:s4+$0x0];
	_ =	sdelay $0x3  }
0x4a: {  	vm3 =	vcmask $0x308  }
0x4b: {  	v2 =	vsel vm3, $0xFFFFFFFF, v2  }
0x4c: {  	v2 =	vxor.u32 $0x80000000, v2  }
0x4d: {  	(xrf0) =	vmax.scan.msk.u32 $0xffff, v2;
	_ =	sdelay $0x5  }
0x4e: {  	v2, _, _ =	vpop (xrf0)  }
0x4f: {  	(v2sf) =	vpush v2, $0xF;
	_ =	sdelay $0xe  }
0x50: {  	s22 =	spop (v2sf)  }
0x51: {  	s0 =	sshll.u32 s22, $0x3  }
0x52: {  	s21 =	sld [smem:$0x7ED];
	s0 =	sand.u32 $0xFFFFFC00, s0  }
0x53: {  	s0 =	sadd.s32 s31, s0  }
0x54: {  	s0 =	sshrl.u32 s0, $0x3  }
0x55: {  	s23 =	rddreg [dreg:$0xa];
	s0 =	sadd.s32 s0, s21  }
0x56: {  	[tilespmem:s23], [sflag:$0x1] =	stream.linear.gather [hbm4b:s0+s3], $0x80, $0x38;
	[tilespmem:$0x1500] =	vst v63  }
0x57: {  	v2 =	vld [tilespmem:s4+$0x0];
	_ =	sdelay $0x3  }
0x58: {  	vm5 =	vcmask $0x70C  }
0x59: {  	v2 =	vsel vm5, $0xFFFFFFFF, v2  }
0x5a: {  	v2 =	vxor.u32 $0x80000000, v2  }
0x5b: {  	(xrf0) =	vmax.scan.msk.u32 $0xffff, v2;
	_ =	sdelay $0x5  }
0x5c: {  	v2, _, _ =	vpop (xrf0)  }
0x5d: {  	(v2sf) =	vpush v2, $0xF;
	_ =	sdelay $0xe  }
0x5e: {  	s24 =	spop (v2sf)  }
0x5f: {  	[smem:$0x7E1] =	sst s22;
	s0 =	sshll.u32 s24, $0x3  }
0x60: {  	s22 =	sld [smem:$0x7EE];
	s0 =	sand.u32 $0xFFFFFC00, s0  }
0x61: {  	s0 =	sadd.s32 s31, s0  }
0x62: {  	s0 =	sshrl.u32 s0, $0x3  }
0x63: {  	s25 =	rddreg [dreg:$0xb];
	s0 =	sadd.s32 s0, s22  }
0x64: {  	[tilespmem:s25], [sflag:$0x1] =	stream.linear.gather [hbm4b:s0+s3], $0x80, $0x38;
	[tilespmem:$0x1500] =	vst v63  }
0x65: {  	v2 =	vld [tilespmem:s4+$0x0];
	_ =	sdelay $0x3  }
0x66: {  	vm6 =	vcmask $0xB10  }
0x67: {  	v2 =	vsel vm6, $0xFFFFFFFF, v2  }
0x68: {  	v2 =	vxor.u32 $0x80000000, v2  }
0x69: {  	(xrf0) =	vmax.scan.msk.u32 $0xffff, v2;
	_ =	sdelay $0x5  }
0x6a: {  	v2, _, _ =	vpop (xrf0)  }
0x6b: {  	(v2sf) =	vpush v2, $0xF;
	_ =	sdelay $0xe  }
0x6c: {  	s26 =	spop (v2sf)  }
0x6d: {  	s0 =	sshll.u32 s26, $0x3  }
0x6e: {  	s23 =	sld [smem:$0x7EF];
	s0 =	sand.u32 $0xFFFFFC00, s0  }
0x6f: {  	s0 =	sadd.s32 s31, s0  }
0x70: {  	s0 =	sshrl.u32 s0, $0x3  }
0x71: {  	s28 =	rddreg [dreg:$0xc];
	s0 =	sadd.s32 s0, s23  }
0x72: {  	[tilespmem:s28], [sflag:$0x1] =	stream.linear.gather [hbm4b:s0+s3], $0x80, $0x38;
	[tilespmem:$0x1500] =	vst v63  }
0x73: {  	v2 =	vld [tilespmem:s4+$0x0];
	_ =	sdelay $0x3  }
0x74: {  	vm7 =	vcmask $0xF14  }
0x75: {  	v2 =	vsel vm7, $0xFFFFFFFF, v2  }
0x76: {  	v2 =	vxor.u32 $0x80000000, v2  }
0x77: {  	(xrf0) =	vmax.scan.msk.u32 $0xffff, v2;
	_ =	sdelay $0x5  }
0x78: {  	v2, _, _ =	vpop (xrf0)  }
0x79: {  	(v2sf) =	vpush v2, $0xF;
	_ =	sdelay $0xe  }
0x7a: {  	s29 =	spop (v2sf)  }
0x7b: {  	[smem:$0x7E3] =	sst s26;
	s0 =	sshll.u32 s29, $0x3  }
0x7c: {  	s26 =	sld [smem:$0x7F1];
	s0 =	sand.u32 $0xFFFFFC00, s0  }
0x7d: {  	s0 =	sadd.s32 s31, s0  }
0x7e: {  	s0 =	sshrl.u32 s0, $0x3  }
0x7f: {  	s30 =	rddreg [dreg:$0xd];
	s0 =	sadd.s32 s0, s26  }
0x80: {  	[tilespmem:s30], [sflag:$0x1] =	stream.linear.gather [hbm4b:s0+s3], $0x80, $0x38;
	[tilespmem:$0x1500] =	vst v63  }
0x81: {  	v2 =	vld [tilespmem:s4+$0x0];
	_ =	sdelay $0x3  }
0x82: {  	vm0 =	vcmask $0x1318  }
0x83: {  	v2 =	vsel vm0, $0xFFFFFFFF, v2  }
0x84: {  	v2 =	vxor.u32 $0x80000000, v2  }
0x85: {  	(xrf0) =	vmax.scan.msk.u32 $0xffff, v2;
	_ =	sdelay $0x5  }
0x86: {  	v2, _, _ =	vpop (xrf0)  }
0x87: {  	(v2sf) =	vpush v2, $0xF;
	_ =	sdelay $0xe  }
0x88: {  	s1 =	spop (v2sf)  }
0x89: {  	s0 =	sshll.u32 s1, $0x3  }
0x8a: {  	s28 =	sld [smem:$0x7F3];
	s0 =	sand.u32 $0xFFFFFC00, s0  }
0x8b: {  	s0 =	sadd.s32 s31, s0  }
0x8c: {  	s0 =	sshrl.u32 s0, $0x3  }
0x8d: {  	s2 =	rddreg [dreg:$0xe];
	s0 =	sadd.s32 s0, s28  }
0x8e: {  	[tilespmem:s2], [sflag:$0x1] =	stream.linear.gather [hbm4b:s0+s3], $0x80, $0x38;
	[tilespmem:$0x1500] =	vst v63  }
0x8f: {  	v2 =	vld [tilespmem:s4+$0x0];
	_ =	sdelay $0x3  }
0x90: {  	vm1 =	vcmask $0x171C  }
0x91: {  	v2 =	vsel vm1, $0xFFFFFFFF, v2  }
0x92: {  	v2 =	vxor.u32 $0x80000000, v2  }
0x93: {  	(xrf0) =	vmax.scan.msk.u32 $0xffff, v2;
	_ =	sdelay $0x5  }
0x94: {  	v2, _, _ =	vpop (xrf0)  }
0x95: {  	(v2sf) =	vpush v2, $0xF;
	_ =	sdelay $0xe  }
0x96: {  	s5 =	spop (v2sf)  }
0x97: {  	[smem:$0x7E4] =	sst s29;
	s0 =	sshll.u32 s5, $0x3  }
0x98: {  	s29 =	sld [smem:$0x7F5];
	s0 =	sand.u32 $0xFFFFFC00, s0  }
0x99: {  	s0 =	sadd.s32 s31, s0  }
0x9a: {  	s0 =	sshrl.u32 s0, $0x3  }
0x9b: {  	s6 =	rddreg [dreg:$0xf];
	s0 =	sadd.s32 s0, s29  }
0x9c: {  	[tilespmem:s6], [sflag:$0x1] =	stream.linear.gather [hbm4b:s0+s3], $0x80, $0x38;
	[tilespmem:$0x1500] =	vst v63  }
0x9d: {  	v2 =	vld [tilespmem:s4+$0x0];
	_ =	sdelay $0x3  }
0x9e: {  	vm8 =	vcmask $0x1B20  }
0x9f: {  	v2 =	vsel vm8, $0xFFFFFFFF, v2  }
0xa0: {  	v2 =	vxor.u32 $0x80000000, v2  }
0xa1: {  	(xrf0) =	vmax.scan.msk.u32 $0xffff, v2;
	_ =	sdelay $0x5  }
0xa2: {  	v2, _, _ =	vpop (xrf0)  }
0xa3: {  	(v2sf) =	vpush v2, $0xF;
	_ =	sdelay $0xe  }
0xa4: {  	s7 =	spop (v2sf)  }
0xa5: {  	s0 =	sshll.u32 s7, $0x3  }
0xa6: {  	s30 =	sld [smem:$0x7F7];
	s0 =	sand.u32 $0xFFFFFC00, s0  }
0xa7: {  	s0 =	sadd.s32 s31, s0  }
0xa8: {  	s0 =	sshrl.u32 s0, $0x3  }
0xa9: {  	s8 =	rddreg [dreg:$0x10];
	s0 =	sadd.s32 s0, s30  }
0xaa: {  	[tilespmem:s8], [sflag:$0x1] =	stream.linear.gather [hbm4b:s0+s3], $0x80, $0x38;
	[tilespmem:$0x1500] =	vst v63  }
0xab: {  	v2 =	vld [tilespmem:s4+$0x0];
	_ =	sdelay $0x3  }
0xac: {  	vm9 =	vcmask $0x1F24  }
0xad: {  	v2 =	vsel vm9, $0xFFFFFFFF, v2  }
0xae: {  	v2 =	vxor.u32 $0x80000000, v2  }
0xaf: {  	(xrf0) =	vmax.scan.msk.u32 $0xffff, v2;
	_ =	sdelay $0x5  }
0xb0: {  	v2, _, _ =	vpop (xrf0)  }
0xb1: {  	(v2sf) =	vpush v2, $0xF;
	_ =	sdelay $0xe  }
0xb2: {  	s9 =	spop (v2sf)  }
0xb3: {  	s0 =	sshll.u32 s9, $0x3  }
0xb4: {  	s0 =	sand.u32 $0xFFFFFC00, s0  }
0xb5: {  	s0 =	sadd.s32 s13, s0  }
0xb6: {  	s0 =	sshrl.u32 s0, $0x3  }
0xb7: {  	s10 =	rddreg [dreg:$0x11];
	s0 =	sadd.s32 s20, s0  }
0xb8: {  	[tilespmem:s10], [sflag:$0x1] =	stream.linear.gather [hbm4b:s0+s3], $0x80, $0x38;
	[tilespmem:$0x1500] =	vst v63  }
0xb9: {  	v2 =	vld [tilespmem:s4+$0x0];
	_ =	sdelay $0x3  }
0xba: {  	vm10 =	vcmask $0x2328  }
0xbb: {  	v2 =	vsel vm10, $0xFFFFFFFF, v2  }
0xbc: {  	v2 =	vxor.u32 $0x80000000, v2  }
0xbd: {  	(xrf0) =	vmax.scan.msk.u32 $0xffff, v2;
	_ =	sdelay $0x5  }
0xbe: {  	v2, _, _ =	vpop (xrf0)  }
0xbf: {  	(v2sf) =	vpush v2, $0xF;
	_ =	sdelay $0xe  }
0xc0: {  	s11 =	spop (v2sf)  }
0xc1: {  	s0 =	sshll.u32 s11, $0x3  }
0xc2: {  	s0 =	sand.u32 $0xFFFFFC00, s0  }
0xc3: {  	s0 =	sadd.s32 s13, s0  }
0xc4: {  	s0 =	sshrl.u32 s0, $0x3  }
0xc5: {  	s12 =	rddreg [dreg:$0x12];
	s0 =	sadd.s32 s0, s21  }
0xc6: {  	[tilespmem:s12], [sflag:$0x1] =	stream.linear.gather [hbm4b:s0+s3], $0x80, $0x38;
	[tilespmem:$0x1500] =	vst v63  }
0xc7: {  	v2 =	vld [tilespmem:s4+$0x0];
	_ =	sdelay $0x3  }
0xc8: {  	vm11 =	vcmask $0x272C  }
0xc9: {  	v2 =	vsel vm11, $0xFFFFFFFF, v2  }
0xca: {  	v2 =	vxor.u32 $0x80000000, v2  }
0xcb: {  	(xrf0) =	vmax.scan.msk.u32 $0xffff, v2;
	_ =	sdelay $0x5  }
0xcc: {  	v2, _, _ =	vpop (xrf0)  }
0xcd: {  	(v2sf) =	vpush v2, $0xF;
	_ =	sdelay $0xe  }
0xce: {  	s25 =	spop (v2sf)  }
0xcf: {  	s16 =	sshll.u32 s25, $0x3  }
0xd0: {  	s0 =	sand.u32 $0xFFFFFC00, s16  }
0xd1: {  	s0 =	sadd.s32 s13, s0  }
0xd2: {  	s0 =	sshrl.u32 s0, $0x3  }
0xd3: {  	s17 =	rddreg [dreg:$0x13];
	s0 =	sadd.s32 s0, s22  }
0xd4: {  	[tilespmem:s17], [sflag:$0x1] =	stream.linear.gather [hbm4b:s0+s3], $0x80, $0x38;
	[tilespmem:$0x1500] =	vst v63  }
0xd5: {  	v2 =	vld [tilespmem:s4+$0x0];
	_ =	sdelay $0x3  }
0xd6: {  	vm12 =	vcmask $0x2B30  }
0xd7: {  	v2 =	vsel vm12, $0xFFFFFFFF, v2  }
0xd8: {  	v2 =	vxor.u32 $0x80000000, v2  }
0xd9: {  	(xrf0) =	vmax.scan.msk.u32 $0xffff, v2;
	_ =	sdelay $0x5  }
0xda: {  	v2, _, _ =	vpop (xrf0)  }
0xdb: {  	(v2sf) =	vpush v2, $0xF;
	_ =	sdelay $0xe  }
0xdc: {  	[smem:$0x7E5] =	sst s1;
	s1 =	spop (v2sf)  }
0xdd: {  	s19 =	sshll.u32 s1, $0x3  }
0xde: {  	s0 =	sand.u32 $0xFFFFFC00, s19  }
0xdf: {  	s0 =	sadd.s32 s13, s0  }
0xe0: {  	[smem:$0x7E2] =	sst s24;
	s0 =	sshrl.u32 s0, $0x3  }
0xe1: {  	s24 =	rddreg [dreg:$0x14];
	s0 =	sadd.s32 s0, s23  }
0xe2: {  	[tilespmem:s24], [sflag:$0x1] =	stream.linear.gather [hbm4b:s0+s3], $0x80, $0x38;
	[tilespmem:$0x1500] =	vst v63  }
0xe3: {  	v2 =	vld [tilespmem:s4+$0x0];
	_ =	sdelay $0x3  }
0xe4: {  	vm13 =	vcmask $0x2F34  }
0xe5: {  	v2 =	vsel vm13, $0xFFFFFFFF, v2  }
0xe6: {  	v2 =	vxor.u32 $0x80000000, v2  }
0xe7: {  	(xrf0) =	vmax.scan.msk.u32 $0xffff, v2;
	_ =	sdelay $0x5  }
0xe8: {  	v2, _, _ =	vpop (xrf0)  }
0xe9: {  	(v2sf) =	vpush v2, $0xF;
	_ =	sdelay $0xe  }
0xea: {  	[smem:$0x7E8] =	sst s9;
	s9 =	spop (v2sf)  }
0xeb: {  	s2 =	sshll.u32 s9, $0x3  }
0xec: {  	s0 =	sand.u32 $0xFFFFFC00, s2  }
0xed: {  	s0 =	sadd.s32 s13, s0  }
0xee: {  	[smem:$0x7E6] =	sst s5;
	s0 =	sshrl.u32 s0, $0x3  }
0xef: {  	s5 =	rddreg [dreg:$0x15];
	s0 =	sadd.s32 s0, s26  }
0xf0: {  	[tilespmem:s5], [sflag:$0x1] =	stream.linear.gather [hbm4b:s0+s3], $0x80, $0x38;
	[tilespmem:$0x1500] =	vst v63  }
0xf1: {  	v2 =	vld [tilespmem:s4+$0x0];
	_ =	sdelay $0x3  }
0xf2: {  	vm14 =	vcmask $0x3338  }
0xf3: {  	v2 =	vsel vm14, $0xFFFFFFFF, v2  }
0xf4: {  	v2 =	vxor.u32 $0x80000000, v2  }
0xf5: {  	(xrf0) =	vmax.scan.msk.u32 $0xffff, v2;
	_ =	sdelay $0x5  }
0xf6: {  	v2, _, _ =	vpop (xrf0)  }
0xf7: {  	(v2sf) =	vpush v2, $0xF;
	_ =	sdelay $0xe  }
0xf8: {  	[smem:$0x7E9] =	sst s11;
	s11 =	spop (v2sf)  }
0xf9: {  	s6 =	sshll.u32 s11, $0x3  }
0xfa: {  	s0 =	sand.u32 $0xFFFFFC00, s6  }
0xfb: {  	s0 =	sadd.s32 s13, s0  }
0xfc: {  	[smem:$0x7E7] =	sst s7;
	s0 =	sshrl.u32 s0, $0x3  }
0xfd: {  	s7 =	rddreg [dreg:$0x16];
	s0 =	sadd.s32 s0, s28  }
0xfe: {  	[tilespmem:s7], [sflag:$0x1] =	stream.linear.gather [hbm4b:s0+s3], $0x80, $0x38;
	[tilespmem:$0x1500] =	vst v63  }
0xff: {  	v2 =	vld [tilespmem:s4+$0x0];
	_ =	sdelay $0x3  }
0x100: {  	vm15 =	vcmask $0x373C  }
0x101: {  	v2 =	vsel vm15, $0xFFFFFFFF, v2  }
0x102: {  	v2 =	vxor.u32 $0x80000000, v2  }
0x103: {  	(xrf0) =	vmax.scan.msk.u32 $0xffff, v2;
	_ =	sdelay $0x5  }
0x104: {  	v2, _, _ =	vpop (xrf0)  }
0x105: {  	(v2sf) =	vpush v2, $0xF;
	_ =	sdelay $0xe  }
0x106: {  	s10 =	spop (v2sf)  }
0x107: {  	s8 =	sshll.u32 s10, $0x3  }
0x108: {  	s0 =	sand.u32 $0xFFFFFC00, s8  }
0x109: {  	s0 =	sadd.s32 s13, s0  }
0x10a: {  	s0 =	sshrl.u32 s0, $0x3  }
0x10b: {  	s12 =	rddreg [dreg:$0x17];
	s0 =	sadd.s32 s0, s29  }
0x10c: {  	[tilespmem:s12], [sflag:$0x1] =	stream.linear.gather [hbm4b:s0+s3], $0x80, $0x38;
	[tilespmem:$0x1500] =	vst v63  }
0x10d: {  	v2 =	vld [tilespmem:s4+$0x0];
	_ =	sdelay $0x4  }
0x10e: {  	v2 =	vsel vm4, $0xFFFFFFFF, v2  }
0x10f: {  	v2 =	vxor.u32 $0x80000000, v2  }
0x110: {  	(xrf0) =	vmax.scan.msk.u32 $0xffff, v2;
	_ =	sdelay $0x5  }
0x111: {  	v2, _, _ =	vpop (xrf0)  }
0x112: {  	(v2sf) =	vpush v2, $0xF;
	_ =	sdelay $0xe  }
0x113: {  	s6 =	spop (v2sf)  }
0x114: {  	s16 =	sshll.u32 s6, $0x3  }
0x115: {  	s0 =	sand.u32 $0xFFFFFC00, s16  }
0x116: {  	s0 =	sadd.s32 s13, s0  }
0x117: {  	s0 =	sshrl.u32 s0, $0x3  }
0x118: {  	s17 =	rddreg [dreg:$0x18];
	s0 =	sadd.s32 s0, s30  }
0x119: {  	[tilespmem:s17], [sflag:$0x1] =	stream.linear.gather [hbm4b:s0+s3], $0x80, $0x38;
	[tilespmem:$0x1500] =	vst v63  }
0x11a: {  	v2 =	vld [tilespmem:s4+$0x10];
	_ =	sdelay $0x4  }
0x11b: {  	v2 =	vnsel vm2, $0xFFFFFFFF, v2  }
0x11c: {  	v2 =	vxor.u32 $0x80000000, v2  }
0x11d: {  	(xrf0) =	vmax.scan.msk.u32 $0xffff, v2;
	_ =	sdelay $0x5  }
0x11e: {  	v2, _, _ =	vpop (xrf0)  }
0x11f: {  	(v2sf) =	vpush v2, $0xF;
	_ =	sdelay $0xe  }
0x120: {  	s19 =	spop (v2sf)  }
0x121: {  	s0 =	sshll.u32 s19, $0x3  }
0x122: {  	s0 =	sand.u32 $0xFFFFFC00, s0  }
0x123: {  	s0 =	sadd.s32 s14, s0  }
0x124: {  	s0 =	sshrl.u32 s0, $0x3  }
0x125: {  	s24 =	rddreg [dreg:$0x19];
	s0 =	sadd.s32 s20, s0  }
0x126: {  	[tilespmem:s24], [sflag:$0x1] =	stream.linear.gather [hbm4b:s0+s3], $0x80, $0x38;
	[tilespmem:$0x1500] =	vst v63  }
0x127: {  	v2 =	vld [tilespmem:s4+$0x10];
	_ =	sdelay $0x4  }
0x128: {  	v2 =	vsel vm3, $0xFFFFFFFF, v2  }
0x129: {  	v2 =	vxor.u32 $0x80000000, v2  }
0x12a: {  	(xrf0) =	vmax.scan.msk.u32 $0xffff, v2;
	_ =	sdelay $0x5  }
0x12b: {  	v2, _, _ =	vpop (xrf0)  }
0x12c: {  	(v2sf) =	vpush v2, $0xF;
	_ =	sdelay $0xe  }
0x12d: {  	s2 =	spop (v2sf)  }
0x12e: {  	s0 =	sshll.u32 s2, $0x3  }
0x12f: {  	s0 =	sand.u32 $0xFFFFFC00, s0  }
0x130: {  	s0 =	sadd.s32 s14, s0  }
0x131: {  	s0 =	sshrl.u32 s0, $0x3  }
0x132: {  	s5 =	rddreg [dreg:$0x1a];
	s0 =	sadd.s32 s0, s21  }
0x133: {  	[tilespmem:s5], [sflag:$0x1] =	stream.linear.gather [hbm4b:s0+s3], $0x80, $0x38;
	[tilespmem:$0x1500] =	vst v63  }
0x134: {  	v2 =	vld [tilespmem:s4+$0x10];
	_ =	sdelay $0x4  }
0x135: {  	v2 =	vsel vm5, $0xFFFFFFFF, v2  }
0x136: {  	v2 =	vxor.u32 $0x80000000, v2  }
0x137: {  	(xrf0) =	vmax.scan.msk.u32 $0xffff, v2;
	_ =	sdelay $0x5  }
0x138: {  	v2, _, _ =	vpop (xrf0)  }
0x139: {  	(v2sf) =	vpush v2, $0xF;
	_ =	sdelay $0xe  }
0x13a: {  	[smem:$0x7EB] =	sst s2;
	s2 =	spop (v2sf)  }
0x13b: {  	s7 =	sshll.u32 s2, $0x3  }
0x13c: {  	s0 =	sand.u32 $0xFFFFFC00, s7  }
0x13d: {  	s0 =	sadd.s32 s14, s0  }
0x13e: {  	s0 =	sshrl.u32 s0, $0x3  }
0x13f: {  	s5 =	rddreg [dreg:$0x1b];
	s0 =	sadd.s32 s0, s22  }
0x140: {  	[tilespmem:s5], [sflag:$0x1] =	stream.linear.gather [hbm4b:s0+s3], $0x80, $0x38;
	[tilespmem:$0x1500] =	vst v63  }
0x141: {  	v2 =	vld [tilespmem:s4+$0x10];
	_ =	sdelay $0x4  }
0x142: {  	v2 =	vsel vm6, $0xFFFFFFFF, v2  }
0x143: {  	v2 =	vxor.u32 $0x80000000, v2  }
0x144: {  	(xrf0) =	vmax.scan.msk.u32 $0xffff, v2;
	_ =	sdelay $0x5  }
0x145: {  	v2, _, _ =	vpop (xrf0)  }
0x146: {  	(v2sf) =	vpush v2, $0xF;
	_ =	sdelay $0xe  }
0x147: {  	s7 =	spop (v2sf)  }
0x148: {  	s8 =	sshll.u32 s7, $0x3  }
0x149: {  	s0 =	sand.u32 $0xFFFFFC00, s8  }
0x14a: {  	s0 =	sadd.s32 s14, s0  }
0x14b: {  	s0 =	sshrl.u32 s0, $0x3  }
0x14c: {  	s12 =	rddreg [dreg:$0x1c];
	s0 =	sadd.s32 s0, s23  }
0x14d: {  	[tilespmem:s12], [sflag:$0x1] =	stream.linear.gather [hbm4b:s0+s3], $0x80, $0x38;
	[tilespmem:$0x1500] =	vst v63  }
0x14e: {  	v2 =	vld [tilespmem:s4+$0x10];
	_ =	sdelay $0x4  }
0x14f: {  	v2 =	vsel vm7, $0xFFFFFFFF, v2  }
0x150: {  	v2 =	vxor.u32 $0x80000000, v2  }
0x151: {  	(xrf0) =	vmax.scan.msk.u32 $0xffff, v2;
	_ =	sdelay $0x5  }
0x152: {  	v2, _, _ =	vpop (xrf0)  }
0x153: {  	(v2sf) =	vpush v2, $0xF;
	_ =	sdelay $0xe  }
0x154: {  	s8 =	spop (v2sf)  }
0x155: {  	s16 =	sshll.u32 s8, $0x3  }
0x156: {  	s0 =	sand.u32 $0xFFFFFC00, s16  }
0x157: {  	s0 =	sadd.s32 s14, s0  }
0x158: {  	s0 =	sshrl.u32 s0, $0x3  }
0x159: {  	s17 =	rddreg [dreg:$0x1d];
	s0 =	sadd.s32 s0, s26  }
0x15a: {  	[tilespmem:s17], [sflag:$0x1] =	stream.linear.gather [hbm4b:s0+s3], $0x80, $0x38;
	[tilespmem:$0x1500] =	vst v63  }
0x15b: {  	v2 =	vld [tilespmem:s4+$0x10];
	_ =	sdelay $0x4  }
0x15c: {  	v2 =	vsel vm0, $0xFFFFFFFF, v2  }
0x15d: {  	v2 =	vxor.u32 $0x80000000, v2  }
0x15e: {  	(xrf0) =	vmax.scan.msk.u32 $0xffff, v2;
	_ =	sdelay $0x5  }
0x15f: {  	v2, _, _ =	vpop (xrf0)  }
0x160: {  	(v2sf) =	vpush v2, $0xF;
	_ =	sdelay $0xe  }
0x161: {  	s12 =	spop (v2sf)  }
0x162: {  	[smem:$0x7EA] =	sst s19;
	s19 =	sshll.u32 s12, $0x3  }
0x163: {  	s0 =	sand.u32 $0xFFFFFC00, s19  }
0x164: {  	s0 =	sadd.s32 s14, s0  }
0x165: {  	s0 =	sshrl.u32 s0, $0x3  }
0x166: {  	s24 =	rddreg [dreg:$0x1e];
	s0 =	sadd.s32 s0, s28  }
0x167: {  	[tilespmem:s24], [sflag:$0x1] =	stream.linear.gather [hbm4b:s0+s3], $0x80, $0x38;
	[tilespmem:$0x1500] =	vst v63  }
0x168: {  	v2 =	vld [tilespmem:s4+$0x10];
	_ =	sdelay $0x4  }
0x169: {  	v2 =	vsel vm1, $0xFFFFFFFF, v2  }
0x16a: {  	v2 =	vxor.u32 $0x80000000, v2  }
0x16b: {  	(xrf0) =	vmax.scan.msk.u32 $0xffff, v2;
	_ =	sdelay $0x5  }
0x16c: {  	v2, _, _ =	vpop (xrf0)  }
0x16d: {  	(v2sf) =	vpush v2, $0xF;
	_ =	sdelay $0xe  }
0x16e: {  	s17 =	spop (v2sf)  }
0x16f: {  	s5 =	sshll.u32 s17, $0x3  }
0x170: {  	s0 =	sand.u32 $0xFFFFFC00, s5  }
0x171: {  	s0 =	sadd.s32 s14, s0  }
0x172: {  	s0 =	sshrl.u32 s0, $0x3  }
0x173: {  	s16 =	rddreg [dreg:$0x1f];
	s0 =	sadd.s32 s0, s29  }
0x174: {  	[tilespmem:s16], [sflag:$0x1] =	stream.linear.gather [hbm4b:s0+s3], $0x80, $0x38;
	[tilespmem:$0x1500] =	vst v63  }
0x175: {  	v2 =	vld [tilespmem:s4+$0x10];
	_ =	sdelay $0x4  }
0x176: {  	v2 =	vsel vm8, $0xFFFFFFFF, v2  }
0x177: {  	v2 =	vxor.u32 $0x80000000, v2  }
0x178: {  	(xrf0) =	vmax.scan.msk.u32 $0xffff, v2;
	_ =	sdelay $0x5  }
0x179: {  	v2, _, _ =	vpop (xrf0)  }
0x17a: {  	(v2sf) =	vpush v2, $0xF;
	_ =	sdelay $0xe  }
0x17b: {  	s16 =	spop (v2sf)  }
0x17c: {  	s19 =	sshll.u32 s16, $0x3  }
0x17d: {  	s0 =	sand.u32 $0xFFFFFC00, s19  }
0x17e: {  	s24 =	sld [smem:$0x7F0];
	s0 =	sadd.s32 s14, s0  }
0x17f: {  	s0 =	sshrl.u32 s0, $0x3  }
0x180: {  	s0 =	sadd.s32 s0, s30  }
0x181: {  	[tilespmem:s24], [sflag:$0x1] =	stream.linear.gather [hbm4b:s0+s3], $0x80, $0x38;
	[tilespmem:$0x1500] =	vst v63  }
0x182: {  	v2 =	vld [tilespmem:s4+$0x10];
	_ =	sdelay $0x4  }
0x183: {  	v2 =	vsel vm9, $0xFFFFFFFF, v2  }
0x184: {  	v2 =	vxor.u32 $0x80000000, v2  }
0x185: {  	(xrf0) =	vmax.scan.msk.u32 $0xffff, v2;
	_ =	sdelay $0x5  }
0x186: {  	v2, _, _ =	vpop (xrf0)  }
0x187: {  	(v2sf) =	vpush v2, $0xF;
	_ =	sdelay $0xe  }
0x188: {  	s19 =	spop (v2sf)  }
0x189: {  	s5 =	sshll.u32 s19, $0x3  }
0x18a: {  	s0 =	sand.u32 $0xFFFFFC00, s5  }
0x18b: {  	s24 =	sld [smem:$0x7F2];
	s0 =	sadd.s32 s15, s0  }
0x18c: {  	s0 =	sshrl.u32 s0, $0x3  }
0x18d: {  	s0 =	sadd.s32 s20, s0  }
0x18e: {  	[tilespmem:s24], [sflag:$0x1] =	stream.linear.gather [hbm4b:s0+s3], $0x80, $0x38;
	[tilespmem:$0x1500] =	vst v63  }
0x18f: {  	v2 =	vld [tilespmem:s4+$0x10];
	_ =	sdelay $0x4  }
0x190: {  	v2 =	vsel vm10, $0xFFFFFFFF, v2  }
0x191: {  	v2 =	vxor.u32 $0x80000000, v2  }
0x192: {  	(xrf0) =	vmax.scan.msk.u32 $0xffff, v2;
	_ =	sdelay $0x5  }
0x193: {  	v2, _, _ =	vpop (xrf0)  }
0x194: {  	(v2sf) =	vpush v2, $0xF;
	_ =	sdelay $0xe  }
0x195: {  	s20 =	spop (v2sf)  }
0x196: {  	s5 =	sshll.u32 s20, $0x3  }
0x197: {  	s0 =	sand.u32 $0xFFFFFC00, s5  }
0x198: {  	s24 =	sld [smem:$0x7F4];
	s0 =	sadd.s32 s15, s0  }
0x199: {  	s0 =	sshrl.u32 s0, $0x3  }
0x19a: {  	s0 =	sadd.s32 s0, s21  }
0x19b: {  	[tilespmem:s24], [sflag:$0x1] =	stream.linear.gather [hbm4b:s0+s3], $0x80, $0x38;
	[tilespmem:$0x1500] =	vst v63  }
0x19c: {  	v2 =	vld [tilespmem:s4+$0x10];
	_ =	sdelay $0x4  }
0x19d: {  	v2 =	vsel vm11, $0xFFFFFFFF, v2  }
0x19e: {  	v2 =	vxor.u32 $0x80000000, v2  }
0x19f: {  	(xrf0) =	vmax.scan.msk.u32 $0xffff, v2;
	_ =	sdelay $0x5  }
0x1a0: {  	v2, _, _ =	vpop (xrf0)  }
0x1a1: {  	(v2sf) =	vpush v2, $0xF;
	_ =	sdelay $0xe  }
0x1a2: {  	s21 =	spop (v2sf)  }
0x1a3: {  	s5 =	sshll.u32 s21, $0x3  }
0x1a4: {  	s0 =	sand.u32 $0xFFFFFC00, s5  }
0x1a5: {  	s24 =	sld [smem:$0x7F6];
	s0 =	sadd.s32 s15, s0  }
0x1a6: {  	s0 =	sshrl.u32 s0, $0x3  }
0x1a7: {  	s0 =	sadd.s32 s0, s22  }
0x1a8: {  	[tilespmem:s24], [sflag:$0x1] =	stream.linear.gather [hbm4b:s0+s3], $0x80, $0x38;
	[tilespmem:$0x1500] =	vst v63  }
0x1a9: {  	v2 =	vld [tilespmem:s4+$0x10];
	_ =	sdelay $0x4  }
0x1aa: {  	v2 =	vsel vm12, $0xFFFFFFFF, v2  }
0x1ab: {  	v2 =	vxor.u32 $0x80000000, v2  }
0x1ac: {  	(xrf0) =	vmax.scan.msk.u32 $0xffff, v2;
	_ =	sdelay $0x5  }
0x1ad: {  	v2, _, _ =	vpop (xrf0)  }
0x1ae: {  	(v2sf) =	vpush v2, $0xF;
	_ =	sdelay $0xe  }
0x1af: {  	s22 =	spop (v2sf)  }
0x1b0: {  	s5 =	sshll.u32 s22, $0x3  }
0x1b1: {  	s0 =	sand.u32 $0xFFFFFC00, s5  }
0x1b2: {  	s24 =	sld [smem:$0x7F8];
	s0 =	sadd.s32 s15, s0  }
0x1b3: {  	s0 =	sshrl.u32 s0, $0x3  }
0x1b4: {  	s0 =	sadd.s32 s0, s23  }
0x1b5: {  	[tilespmem:s24], [sflag:$0x1] =	stream.linear.gather [hbm4b:s0+s3], $0x80, $0x38;
	[tilespmem:$0x1500] =	vst v63  }
0x1b6: {  	v2 =	vld [tilespmem:s4+$0x10];
	_ =	sdelay $0x4  }
0x1b7: {  	v2 =	vsel vm13, $0xFFFFFFFF, v2  }
0x1b8: {  	v2 =	vxor.u32 $0x80000000, v2  }
0x1b9: {  	(xrf0) =	vmax.scan.msk.u32 $0xffff, v2;
	_ =	sdelay $0x5  }
0x1ba: {  	v2, _, _ =	vpop (xrf0)  }
0x1bb: {  	(v2sf) =	vpush v2, $0xF;
	_ =	sdelay $0xe  }
0x1bc: {  	s24 =	spop (v2sf)  }
0x1bd: {  	s5 =	sshll.u32 s24, $0x3  }
0x1be: {  	s0 =	sand.u32 $0xFFFFFC00, s5  }
0x1bf: {  	s23 =	sld [smem:$0x7F9];
	s0 =	sadd.s32 s15, s0  }
0x1c0: {  	s0 =	sshrl.u32 s0, $0x3  }
0x1c1: {  	s0 =	sadd.s32 s0, s26  }
0x1c2: {  	[tilespmem:s23], [sflag:$0x1] =	stream.linear.gather [hbm4b:s0+s3], $0x80, $0x38;
	[tilespmem:$0x1500] =	vst v63  }
0x1c3: {  	v2 =	vld [tilespmem:s4+$0x10];
	_ =	sdelay $0x4  }
0x1c4: {  	v2 =	vsel vm14, $0xFFFFFFFF, v2  }
0x1c5: {  	v2 =	vxor.u32 $0x80000000, v2  }
0x1c6: {  	(xrf0) =	vmax.scan.msk.u32 $0xffff, v2;
	_ =	sdelay $0x5  }
0x1c7: {  	v2, _, _ =	vpop (xrf0)  }
0x1c8: {  	(v2sf) =	vpush v2, $0xF;
	_ =	sdelay $0xe  }
0x1c9: {  	s5 =	spop (v2sf)  }
0x1ca: {  	s23 =	sshll.u32 s5, $0x3  }
0x1cb: {  	s0 =	sand.u32 $0xFFFFFC00, s23  }
0x1cc: {  	s26 =	sld [smem:$0x7FA];
	s0 =	sadd.s32 s15, s0  }
0x1cd: {  	s0 =	sshrl.u32 s0, $0x3  }
0x1ce: {  	s0 =	sadd.s32 s0, s28  }
0x1cf: {  	[tilespmem:s26], [sflag:$0x1] =	stream.linear.gather [hbm4b:s0+s3], $0x80, $0x38;
	[tilespmem:$0x1500] =	vst v63  }
0x1d0: {  	v2 =	vld [tilespmem:s4+$0x10];
	_ =	sdelay $0x4  }
0x1d1: {  	v2 =	vsel vm15, $0xFFFFFFFF, v2  }
0x1d2: {  	v2 =	vxor.u32 $0x80000000, v2  }
0x1d3: {  	(xrf0) =	vmax.scan.msk.u32 $0xffff, v2;
	_ =	sdelay $0x5  }
0x1d4: {  	v2, _, _ =	vpop (xrf0)  }
0x1d5: {  	(v2sf) =	vpush v2, $0xF;
	_ =	sdelay $0xe  }
0x1d6: {  	s0 =	spop (v2sf)  }
0x1d7: {  	s26 =	sshll.u32 s0, $0x3  }
0x1d8: {  	s23 =	sand.u32 $0xFFFFFC00, s26  }
0x1d9: {  	s28 =	sld [smem:$0x7FB];
	s23 =	sadd.s32 s15, s23  }
0x1da: {  	s23 =	sshrl.u32 s23, $0x3  }
0x1db: {  	s23 =	sadd.s32 s23, s29  }
0x1dc: {  	[tilespmem:s28], [sflag:$0x1] =	stream.linear.gather [hbm4b:s23+s3], $0x80, $0x38;
	[tilespmem:$0x1500] =	vst v63  }
0x1dd: {  	v2 =	vld [tilespmem:s4+$0x10];
	_ =	sdelay $0x4  }
0x1de: {  	v2 =	vsel vm4, $0xFFFFFFFF, v2  }
0x1df: {  	v2 =	vxor.u32 $0x80000000, v2  }
0x1e0: {  	(xrf0) =	vmax.scan.msk.u32 $0xffff, v2;
	_ =	sdelay $0x5  }
0x1e1: {  	v2, _, _ =	vpop (xrf0)  }
0x1e2: {  	(v2sf) =	vpush v2, $0xF;
	_ =	sdelay $0xe  }
0x1e3: {  	s23 =	spop (v2sf)  }
0x1e4: {  	s28 =	sshll.u32 s23, $0x3  }
0x1e5: {  	s26 =	sand.u32 $0xFFFFFC00, s28  }
0x1e6: {  	s29 =	sld [smem:$0x7FC];
	s26 =	sadd.s32 s15, s26  }
0x1e7: {  	s26 =	sshrl.u32 s26, $0x3  }
0x1e8: {  	s26 =	sadd.s32 s26, s30  }
0x1e9: {  	[tilespmem:s29], [sflag:$0x1] =	stream.linear.gather [hbm4b:s26+s3], $0x80, $0x38;
	[tilespmem:$0x1500] =	vst v63  }
0x1ea: {  	_ =	swait.ge [sflag:s18], $0x80  }
0x1eb: {  	[sflag:s18] =	ssyncset.done $0x0  }
0x1ec: {  	[sflag:s18] =	ssyncadd.s32 $0xFFFFFF80  }
0x1ed: {  	_ =	swait.ge [sflag:s18], $0x80  }
0x1ee: {  	[sflag:s18] =	ssyncset.done $0x0  }
0x1ef: {  	[sflag:s18] =	ssyncadd.s32 $0xFFFFFF80  }
0x1f0: {  	_ =	swait.ge [sflag:s18], $0x80  }
0x1f1: {  	[sflag:s18] =	ssyncset.done $0x0  }
0x1f2: {  	[sflag:s18] =	ssyncadd.s32 $0xFFFFFF80  }
0x1f3: {  	_ =	swait.ge [sflag:s18], $0x80  }
0x1f4: {  	[sflag:s18] =	ssyncset.done $0x0  }
0x1f5: {  	[sflag:s18] =	ssyncadd.s32 $0xFFFFFF80  }
0x1f6: {  	_ =	swait.ge [sflag:s18], $0x80  }
0x1f7: {  	[sflag:s18] =	ssyncset.done $0x0  }
0x1f8: {  	[sflag:s18] =	ssyncadd.s32 $0xFFFFFF80  }
0x1f9: {  	_ =	swait.ge [sflag:s18], $0x80  }
0x1fa: {  	[sflag:s18] =	ssyncset.done $0x0  }
0x1fb: {  	[sflag:s18] =	ssyncadd.s32 $0xFFFFFF80  }
0x1fc: {  	_ =	swait.ge [sflag:s18], $0x80  }
0x1fd: {  	[sflag:s18] =	ssyncset.done $0x0  }
0x1fe: {  	[sflag:s18] =	ssyncadd.s32 $0xFFFFFF80  }
0x1ff: {  	_ =	swait.ge [sflag:s18], $0x80  }
0x200: {  	[sflag:s18] =	ssyncset.done $0x0  }
0x201: {  	[sflag:s18] =	ssyncadd.s32 $0xFFFFFF80  }
0x202: {  	_ =	swait.ge [sflag:s18], $0x80  }
0x203: {  	[sflag:s18] =	ssyncset.done $0x0  }
0x204: {  	[sflag:s18] =	ssyncadd.s32 $0xFFFFFF80  }
0x205: {  	_ =	swait.ge [sflag:s18], $0x80  }
0x206: {  	[sflag:s18] =	ssyncset.done $0x0  }
0x207: {  	[sflag:s18] =	ssyncadd.s32 $0xFFFFFF80  }
0x208: {  	_ =	swait.ge [sflag:s18], $0x80  }
0x209: {  	[sflag:s18] =	ssyncset.done $0x0  }
0x20a: {  	[sflag:s18] =	ssyncadd.s32 $0xFFFFFF80  }
0x20b: {  	_ =	swait.ge [sflag:s18], $0x80  }
0x20c: {  	[sflag:s18] =	ssyncset.done $0x0  }
0x20d: {  	[sflag:s18] =	ssyncadd.s32 $0xFFFFFF80  }
0x20e: {  	_ =	swait.ge [sflag:s18], $0x80  }
0x20f: {  	[sflag:s18] =	ssyncset.done $0x0  }
0x210: {  	[sflag:s18] =	ssyncadd.s32 $0xFFFFFF80  }
0x211: {  	_ =	swait.ge [sflag:s18], $0x80  }
0x212: {  	[sflag:s18] =	ssyncset.done $0x0  }
0x213: {  	[sflag:s18] =	ssyncadd.s32 $0xFFFFFF80  }
0x214: {  	_ =	swait.ge [sflag:s18], $0x80  }
0x215: {  	[sflag:s18] =	ssyncset.done $0x0  }
0x216: {  	[sflag:s18] =	ssyncadd.s32 $0xFFFFFF80  }
0x217: {  	_ =	swait.ge [sflag:s18], $0x80  }
0x218: {  	[sflag:s18] =	ssyncset.done $0x0  }
0x219: {  	[sflag:s18] =	ssyncadd.s32 $0xFFFFFF80  }
0x21a: {  	_ =	swait.ge [sflag:s18], $0x80  }
0x21b: {  	[sflag:s18] =	ssyncset.done $0x0  }
0x21c: {  	[sflag:s18] =	ssyncadd.s32 $0xFFFFFF80  }
0x21d: {  	_ =	swait.ge [sflag:s18], $0x80  }
0x21e: {  	[sflag:s18] =	ssyncset.done $0x0  }
0x21f: {  	[sflag:s18] =	ssyncadd.s32 $0xFFFFFF80  }
0x220: {  	_ =	swait.ge [sflag:s18], $0x80  }
0x221: {  	[sflag:s18] =	ssyncset.done $0x0  }
0x222: {  	[sflag:s18] =	ssyncadd.s32 $0xFFFFFF80  }
0x223: {  	_ =	swait.ge [sflag:s18], $0x80  }
0x224: {  	[sflag:s18] =	ssyncset.done $0x0  }
0x225: {  	[sflag:s18] =	ssyncadd.s32 $0xFFFFFF80  }
0x226: {  	_ =	swait.ge [sflag:s18], $0x80  }
0x227: {  	[sflag:s18] =	ssyncset.done $0x0  }
0x228: {  	[sflag:s18] =	ssyncadd.s32 $0xFFFFFF80  }
0x229: {  	_ =	swait.ge [sflag:s18], $0x80  }
0x22a: {  	[sflag:s18] =	ssyncset.done $0x0  }
0x22b: {  	[sflag:s18] =	ssyncadd.s32 $0xFFFFFF80  }
0x22c: {  	_ =	swait.ge [sflag:s18], $0x80  }
0x22d: {  	[sflag:s18] =	ssyncset.done $0x0  }
0x22e: {  	[sflag:s18] =	ssyncadd.s32 $0xFFFFFF80  }
0x22f: {  	_ =	swait.ge [sflag:s18], $0x80  }
0x230: {  	[sflag:s18] =	ssyncset.done $0x0  }
0x231: {  	[sflag:s18] =	ssyncadd.s32 $0xFFFFFF80  }
0x232: {  	_ =	swait.ge [sflag:s18], $0x80  }
0x233: {  	[sflag:s18] =	ssyncset.done $0x0  }
0x234: {  	[sflag:s18] =	ssyncadd.s32 $0xFFFFFF80  }
0x235: {  	_ =	swait.ge [sflag:s18], $0x80  }
0x236: {  	[sflag:s18] =	ssyncset.done $0x0  }
0x237: {  	[sflag:s18] =	ssyncadd.s32 $0xFFFFFF80  }
0x238: {  	_ =	swait.ge [sflag:s18], $0x80  }
0x239: {  	[sflag:s18] =	ssyncset.done $0x0  }
0x23a: {  	[sflag:s18] =	ssyncadd.s32 $0xFFFFFF80  }
0x23b: {  	_ =	swait.ge [sflag:s18], $0x80  }
0x23c: {  	[sflag:s18] =	ssyncset.done $0x0  }
0x23d: {  	[sflag:s18] =	ssyncadd.s32 $0xFFFFFF80  }
0x23e: {  	_ =	swait.ge [sflag:s18], $0x80  }
0x23f: {  	[sflag:s18] =	ssyncset.done $0x0  }
0x240: {  	[sflag:s18] =	ssyncadd.s32 $0xFFFFFF80  }
0x241: {  	_ =	swait.ge [sflag:s18], $0x80  }
0x242: {  	[sflag:s18] =	ssyncset.done $0x0  }
0x243: {  	[sflag:s18] =	ssyncadd.s32 $0xFFFFFF80  }
0x244: {  	_ =	swait.ge [sflag:s18], $0x80  }
0x245: {  	[sflag:s18] =	ssyncset.done $0x0  }
0x246: {  	[sflag:s18] =	ssyncadd.s32 $0xFFFFFF80  }
0x247: {  	_ =	swait.ge [sflag:s18], $0x80  }
0x248: {  	[sflag:s18] =	ssyncset.done $0x0  }
0x249: {  	s28 =	rddreg [dreg:$0x6];
	[sflag:s18] =	ssyncadd.s32 $0xFFFFFF80  }
0x24a: {  	v2 =	vld [tilespmem:s28+$0x400];
	s28 =	sld [smem:$0x7E0];
	_ =	sdelay $0x2  }
0x24b: {  	s29 =	sand.u32 $0x70, s28  }
0x24c: {  	v3 =	vld [tilespmem:s29+$0x480];
	s29 =	sld [smem:$0x7E1];
	_ =	sdelay $0x2  }
0x24d: {  	s30 =	sand.u32 $0x70, s29  }
0x24e: {  	s26 =	sand.u32 $0xF, s28;
	v4 =	vld [tilespmem:s30+$0x500];
	s30 =	sld [smem:$0x7E2]  }
0x24f: {  	v5 =	vmov s26;
	s26 =	sand.u32 $0xF, s29;
	s29 =	sld [smem:$0x7E3]  }
0x250: {  	v7 =	vld [tilespmem:$0x1FF20]  }
0x251: {  	v28 =	vld [tilespmem:$0x1FF10];
	s28 =	sand.u32 $0x70, s30  }
0x252: {  	v6 =	vld [tilespmem:s28+$0x580];
	s28 =	sand.u32 $0x70, s29  }
0x253: {  	v9 =	vld [tilespmem:s28+$0x600];
	s28 =	sand.u32 $0xF, s30;
	s30 =	sld [smem:$0x7E4];
	_ =	sdelay $0x1  }
0x254: {  	s29 =	sand.u32 $0xF, s29  }
0x255: {  	vm3 =	vnez.u8 v7;
	v29 =	vmov s29;
	s29 =	sand.u32 $0x70, s30  }
0x256: {  	v7 =	vnsel vm3, $0xFF800000, v2;
	v31 =	vld [tilespmem:s29+$0x680];
	s29 =	sld [smem:$0x7E5]  }
0x257: {  	vm3 =	vnez.u8 v28;
	(xrf0) =	vmax.scan.msk.f32 $0xffff, v7  }
0x258: {  	v2 =	vnsel vm3, $0xFF800000, v2;
	vm3 =	veq.s32 v5, v0;
	v8 =	vmov s26  }
0x259: {  	(xrf0) =	vmax.scan.msk.f32 $0xffff, v2;
	v2 =	vnsel vm3, $0xFF800000, v3;
	vm3 =	veq.s32 v8, v0;
	v3 =	vmov s28;
	s26 =	sand.u32 $0xF, s30;
	s30 =	sand.u32 $0x70, s29  }
0x25a: {  	(xrf0) =	vmax.scan.msk.f32 $0xffff, v2;
	v2 =	vnsel vm3, $0xFF800000, v4;
	vm3 =	veq.s32 v3, v0;
	v33 =	vld [tilespmem:s30+$0x700];
	s30 =	sld [smem:$0x7E6]  }
0x25b: {  	(xrf0) =	vmax.scan.msk.f32 $0xffff, v2;
	v2 =	vnsel vm3, $0xFF800000, v6;
	vm3 =	veq.s32 v29, v0  }
0x25c: {  	(xrf0) =	vmax.scan.msk.f32 $0xffff, v2;
	v2 =	vnsel vm3, $0xFF800000, v9  }
0x25d: {  	v18 =	vld [tilespmem:$0x1FF30];
	v3, _, _ =	vpop (xrf0);
	(xrf0) =	vmax.scan.msk.f32 $0xffff, v2;
	s28 =	sand.u32 $0xF, s29;
	s29 =	sand.u32 $0x70, s30  }
0x25e: {  	v10 =	vld [tilespmem:s29+$0x780];
	s29 =	sld [smem:$0x7E7]  }
0x25f: {  	v2, _, _ =	vpop (xrf0)  }
0x260: {  	v53 =	vld [tilespmem:$0x1FF40];
	v30, _, _ =	vpop (xrf0);
	s30 =	sand.u32 $0xF, s30  }
0x261: {  	v34 =	vmov s26;
	v35 =	vmov s28;
	v32, _, _ =	vpop (xrf0);
	v12 =	vmov s30;
	s30 =	sand.u32 $0x70, s29;
	s28 =	sand.u32 $0xF, s29;
	s29 =	sld [smem:$0x7E8]  }
0x262: {  	v21 =	vld [tilespmem:$0x1FF80];
	vm3 =	veq.s32 v34, v0;
	v4 =	vbroadcast v30, $0xF;
	v6 =	vbroadcast v32, $0xF;
	v11, _, _ =	vpop (xrf0)  }
0x263: {  	v24 =	vld [tilespmem:$0x1FF90];
	vm0 =	vnez.u8 v18;
	v5 =	vnsel vm3, $0xFF800000, v31;
	v36 =	vbroadcast v11, $0xF;
	v37, _, _ =	vpop (xrf0)  }
0x264: {  	v4 =	vsel vm2, v4, v6;
	v11 =	vbroadcast v37, $0xF;
	v13 =	vld [tilespmem:s30+$0x800];
	v14 =	vmov s28;
	s30 =	sand.u32 $0x70, s29;
	s28 =	sand.u32 $0xF, s29;
	s29 =	sld [smem:$0x7E9]  }
0x265: {  	vm1 =	vnez.u8 v53;
	v18 =	vld [tilespmem:$0x1FF70];
	(xrf0) =	vmax.scan.msk.f32 $0xffff, v5;
	v4 =	vsel vm0, v4, v36  }
0x266: {  	v4 =	vsel vm1, v4, v11;
	v11 =	vld [tilespmem:$0x1FF50]  }
0x267: {  	vm3 =	veq.s32 v35, v0;
	v15 =	vld [tilespmem:s30+$0x880];
	s30 =	sand.u32 $0x70, s29  }
0x268: {  	v40 =	vnsel vm3, $0xFF800000, v33;
	v38 =	vmov s28;
	s28 =	sand.u32 $0xF, s29;
	s29 =	sand.u32 $0x70, s1;
	v16 =	vld [tilespmem:s30+$0x900]  }
0x269: {  	vm8 =	vnez.u8 v21;
	vm9 =	vnez.u8 v24;
	s26 =	sand.u32 $0xF, s11;
	(xrf0) =	vmax.scan.msk.f32 $0xffff, v40;
	v39 =	vmov s28;
	s28 =	sand.u32 $0x70, s25;
	v42 =	vld [tilespmem:s29+$0xA00]  }
0x26a: {  	vm7 =	vnez.u8 v18;
	v50 =	vmov s26;
	vm3 =	veq.s32 v12, v0;
	s25 =	sand.u32 $0xF, s25;
	s30 =	sand.u32 $0x70, s9;
	v17 =	vld [tilespmem:s28+$0x980]  }
0x26b: {  	v55, _, _ =	vpop (xrf0);
	v43 =	vnsel vm3, $0xFF800000, v10;
	vm3 =	veq.s32 v14, v0;
	v41 =	vmov s25;
	v45 =	vld [tilespmem:s30+$0xA80];
	s25 =	sand.u32 $0x70, s11  }
0x26c: {  	v6 =	vbroadcast v55, $0xF;
	(xrf0) =	vmax.scan.msk.f32 $0xffff, v43;
	v46 =	vnsel vm3, $0xFF800000, v13;
	vm3 =	veq.s32 v38, v0;
	s28 =	sand.u32 $0x70, s10;
	v48 =	vld [tilespmem:s25+$0xB00]  }
0x26d: {  	vm5 =	vnez.u8 v11;
	s1 =	sand.u32 $0xF, s1;
	(xrf0) =	vmax.scan.msk.f32 $0xffff, v46;
	v49 =	vnsel vm3, $0xFF800000, v15;
	vm3 =	veq.s32 v39, v0;
	v51 =	vld [tilespmem:s28+$0xB80]  }
0x26e: {  	v44 =	vmov s1;
	s9 =	sand.u32 $0xF, s9;
	v15 =	vld [tilespmem:$0x1FF60];
	(xrf0) =	vmax.scan.msk.f32 $0xffff, v49;
	v52 =	vnsel vm3, $0xFF800000, v16;
	vm3 =	veq.s32 v41, v0  }
0x26f: {  	v59, _, _ =	vpop (xrf0);
	v47 =	vmov s9;
	(xrf0) =	vmax.scan.msk.f32 $0xffff, v52;
	v54 =	vnsel vm3, $0xFF800000, v17;
	vm3 =	veq.s32 v44, v0  }
0x270: {  	v61 =	vbroadcast v59, $0xF;
	s29 =	sand.u32 $0xF, s10;
	s30 =	sand.u32 $0x70, s6;
	(xrf0) =	vmax.scan.msk.f32 $0xffff, v54;
	v56 =	vnsel vm3, $0xFF800000, v42;
	vm3 =	veq.s32 v47, v0  }
0x271: {  	v57 =	vmov s29;
	v58 =	vld [tilespmem:s30+$0xC00];
	(xrf0) =	vmax.scan.msk.f32 $0xffff, v56;
	v60 =	vnsel vm3, $0xFF800000, v45;
	vm3 =	veq.s32 v50, v0  }
0x272: {  	v27 =	vld [tilespmem:$0x1FFA0];
	v4 =	vsel vm5, v4, v6;
	v62, _, _ =	vpop (xrf0);
	(xrf0) =	vmax.scan.msk.f32 $0xffff, v60;
	v63 =	vnsel vm3, $0xFF800000, v48;
	vm3 =	veq.s32 v57, v0  }
0x273: {  	v30 =	vld [tilespmem:$0x1FFB0];
	s6 =	sand.u32 $0xF, s6;
	v12 =	vbroadcast v62, $0xF;
	v13, _, _ =	vpop (xrf0);
	vm6 =	vnez.u8 v15;
	(xrf0) =	vmax.scan.msk.f32 $0xffff, v63;
	v14 =	vnsel vm3, $0xFF800000, v51  }
0x274: {  	v33 =	vld [tilespmem:$0x1FFC0];
	v17 =	vmov s6;
	v7 =	vbroadcast v13, $0xF;
	v4 =	vsel vm6, v4, v61;
	v16, _, _ =	vpop (xrf0);
	(xrf0) =	vmax.scan.msk.f32 $0xffff, v14  }
0x275: {  	v36 =	vld [tilespmem:$0x1FFD0];
	v4 =	vsel vm7, v4, v12;
	v19 =	vbroadcast v16, $0xF;
	vm3 =	veq.s32 v17, v0;
	v20, _, _ =	vpop (xrf0)  }
0x276: {  	v38 =	vld [tilespmem:$0x1FFE0];
	v4 =	vsel vm8, v4, v7;
	v8 =	vnsel vm3, $0xFF800000, v58;
	v22 =	vbroadcast v20, $0xF;
	v23, _, _ =	vpop (xrf0)  }
0x277: {  	vm10 =	vnez.u8 v27;
	v39 =	vld [tilespmem:$0x1FFF0];
	v4 =	vsel vm9, v4, v19;
	(xrf0) =	vmax.scan.msk.f32 $0xffff, v8;
	v25 =	vbroadcast v23, $0xF;
	v26, _, _ =	vpop (xrf0)  }
0x278: {  	vm11 =	vnez.u8 v30;
	v4 =	vsel vm10, v4, v22;
	v28 =	vbroadcast v26, $0xF;
	v29, _, _ =	vpop (xrf0)  }
0x279: {  	vm12 =	vnez.u8 v33;
	v4 =	vsel vm11, v4, v25;
	v31 =	vbroadcast v29, $0xF;
	v32, _, _ =	vpop (xrf0)  }
0x27a: {  	vm13 =	vnez.u8 v36;
	v4 =	vsel vm12, v4, v28;
	v34 =	vbroadcast v32, $0xF;
	v35, _, _ =	vpop (xrf0)  }
0x27b: {  	vm14 =	vnez.u8 v38;
	v4 =	vsel vm13, v4, v31;
	v37 =	vbroadcast v35, $0xF  }
0x27c: {  	vm15 =	vnez.u8 v39;
	v4 =	vsel vm14, v4, v34  }
0x27d: {  	v3 =	vbroadcast v3, $0xF;
	v40, _, _ =	vpop (xrf0);
	v4 =	vsel vm15, v4, v37  }
0x27e: {  	s9 =	sld [smem:$0x7EA];
	v4 =	vsel vm4, v4, v40  }
0x27f: {  	s11 =	sld [smem:$0x7EB];
	v3 =	vmul.f32 v4, v3;
	_ =	sdelay $0x1  }
0x280: {  	s10 =	sand.u32 $0x70, s9;
	[tilespmem:$0x1480] =	vst v3  }
0x281: {  	s25 =	sand.u32 $0x70, s11;
	v3 =	vld [tilespmem:s10+$0xC80]  }
0x282: {  	s28 =	sand.u32 $0x70, s2;
	v41 =	vld [tilespmem:s25+$0xD00]  }
0x283: {  	s26 =	sand.u32 $0xF, s9;
	s6 =	sand.u32 $0xF, s2;
	v43 =	vld [tilespmem:s28+$0xD80]  }
0x284: {  	s30 =	sand.u32 $0x70, s7;
	s29 =	sand.u32 $0xF, s11;
	v42 =	vmov s26;
	v46 =	vmov s6;
	s6 =	sand.u32 $0xF, s19  }
0x285: {  	s9 =	sand.u32 $0x70, s8;
	v44 =	vmov s29;
	v61 =	vmov s6;
	vm3 =	veq.s32 v42, v0;
	v45 =	vld [tilespmem:s30+$0xE00];
	s10 =	sand.u32 $0xF, s8  }
0x286: {  	s11 =	sand.u32 $0x70, s12;
	v49 =	vld [tilespmem:s9+$0xE80];
	s25 =	sand.u32 $0xF, s12;
	v51 =	vmov s10;
	v3 =	vnsel vm3, $0xFF800000, v3;
	vm3 =	veq.s32 v44, v0  }
0x287: {  	s7 =	sand.u32 $0xF, s7;
	s26 =	sand.u32 $0x70, s17;
	v50 =	vld [tilespmem:s11+$0xF00];
	s28 =	sand.u32 $0xF, s17;
	v52 =	vmov s25;
	(xrf0) =	vmax.scan.msk.f32 $0xffff, v3;
	v3 =	vnsel vm3, $0xFF800000, v41;
	vm3 =	veq.s32 v46, v0  }
0x288: {  	s29 =	sand.u32 $0x70, s16;
	v53 =	vld [tilespmem:s26+$0xF80];
	s30 =	sand.u32 $0xF, s16;
	s8 =	sand.u32 $0xF, s20;
	v55 =	vmov s28;
	(xrf0) =	vmax.scan.msk.f32 $0xffff, v3;
	v3 =	vmov s7;
	v47 =	vnsel vm3, $0xFF800000, v43  }
0x289: {  	s2 =	sand.u32 $0x70, s19;
	v56 =	vld [tilespmem:s29+$0x1000];
	s12 =	sand.u32 $0xF, s22;
	v59 =	vmov s30;
	v63 =	vmov s8;
	vm3 =	veq.s32 v3, v0;
	(xrf0) =	vmax.scan.msk.f32 $0xffff, v47  }
0x28a: {  	v60 =	vld [tilespmem:s2+$0x1080];
	s9 =	sand.u32 $0x70, s21;
	s17 =	sand.u32 $0xF, s24;
	v25 =	vmov s12;
	s7 =	sand.u32 $0x70, s20;
	v3 =	vnsel vm3, $0xFF800000, v45;
	vm3 =	veq.s32 v51, v0  }
0x28b: {  	s11 =	sand.u32 $0x70, s22;
	s22 =	sand.u32 $0x70, s0;
	s0 =	sand.u32 $0xF, s0;
	v28 =	vmov s17;
	v62 =	vld [tilespmem:s7+$0x1100];
	(xrf0) =	vmax.scan.msk.f32 $0xffff, v3;
	v5 =	vnsel vm3, $0xFF800000, v49;
	vm3 =	veq.s32 v52, v0  }
0x28c: {  	s10 =	sand.u32 $0xF, s21;
	v20 =	vld [tilespmem:s9+$0x1180];
	v37 =	vmov s0;
	(xrf0) =	vmax.scan.msk.f32 $0xffff, v5;
	v21 =	vnsel vm3, $0xFF800000, v50;
	vm3 =	veq.s32 v55, v0  }
0x28d: {  	v22 =	vmov s10;
	v3, _, _ =	vpop (xrf0);
	v24 =	vnsel vm3, $0xFF800000, v53;
	vm3 =	veq.s32 v59, v0  }
0x28e: {  	s16 =	sand.u32 $0x70, s24;
	v23 =	vld [tilespmem:s11+$0x1200];
	(xrf0) =	vmax.scan.msk.f32 $0xffff, v21;
	v48, _, _ =	vpop (xrf0);
	v3 =	vbroadcast v3, $0xF;
	v27 =	vnsel vm3, $0xFF800000, v56;
	vm3 =	veq.s32 v61, v0  }
0x28f: {  	s19 =	sand.u32 $0x70, s5;
	v26 =	vld [tilespmem:s16+$0x1280];
	(xrf0) =	vmax.scan.msk.f32 $0xffff, v24;
	v4 =	vbroadcast v48, $0xF;
	v54, _, _ =	vpop (xrf0);
	v30 =	vnsel vm3, $0xFF800000, v60;
	vm3 =	veq.s32 v63, v0  }
0x290: {  	v29 =	vld [tilespmem:s19+$0x1300];
	s20 =	sand.u32 $0xF, s5;
	(xrf0) =	vmax.scan.msk.f32 $0xffff, v27;
	v57 =	vbroadcast v54, $0xF;
	v33 =	vnsel vm3, $0xFF800000, v62;
	vm3 =	veq.s32 v22, v0  }
0x291: {  	v32 =	vld [tilespmem:s22+$0x1380];
	v31 =	vmov s20;
	(xrf0) =	vmax.scan.msk.f32 $0xffff, v30;
	v3 =	vsel vm2, v3, v4;
	v58, _, _ =	vpop (xrf0);
	v34 =	vnsel vm3, $0xFF800000, v20  }
0x292: {  	(xrf0) =	vmax.scan.msk.f32 $0xffff, v33;
	vm3 =	veq.s32 v25, v0;
	v10 =	vbroadcast v58, $0xF;
	v3 =	vsel vm0, v3, v57;
	v35, _, _ =	vpop (xrf0)  }
0x293: {  	s24 =	sand.u32 $0x70, s23;
	(xrf0) =	vmax.scan.msk.f32 $0xffff, v34;
	v36 =	vnsel vm3, $0xFF800000, v23;
	vm3 =	veq.s32 v28, v0;
	v5 =	vbroadcast v35, $0xF  }
0x294: {  	v40 =	vld [tilespmem:s24+$0x1400];
	v38, _, _ =	vpop (xrf0);
	(xrf0) =	vmax.scan.msk.f32 $0xffff, v36;
	v39 =	vnsel vm3, $0xFF800000, v26;
	vm3 =	veq.s32 v31, v0;
	v3 =	vsel vm1, v3, v10  }
0x295: {  	v41, _, _ =	vpop (xrf0);
	(xrf0) =	vmax.scan.msk.f32 $0xffff, v39;
	v42 =	vnsel vm3, $0xFF800000, v29;
	vm3 =	veq.s32 v37, v0;
	v43 =	vbroadcast v38, $0xF  }
0x296: {  	s25 =	sand.u32 $0xF, s23;
	v3 =	vsel vm5, v3, v5;
	v44, _, _ =	vpop (xrf0);
	(xrf0) =	vmax.scan.msk.f32 $0xffff, v42;
	v45 =	vbroadcast v41, $0xF;
	v46 =	vnsel vm3, $0xFF800000, v32  }
0x297: {  	v48 =	vmov s25;
	v3 =	vsel vm6, v3, v43;
	v5 =	vbroadcast v44, $0xF;
	v47, _, _ =	vpop (xrf0);
	(xrf0) =	vmax.scan.msk.f32 $0xffff, v46  }
0x298: {  	vm3 =	veq.s32 v48, v0;
	v49, _, _ =	vpop (xrf0);
	v3 =	vsel vm7, v3, v45;
	v50 =	vbroadcast v47, $0xF  }
0x299: {  	v51 =	vnsel vm3, $0xFF800000, v40;
	v52, _, _ =	vpop (xrf0);
	v3 =	vsel vm8, v3, v5;
	v53 =	vbroadcast v49, $0xF  }
0x29a: {  	(xrf0) =	vmax.scan.msk.f32 $0xffff, v51;
	v3 =	vsel vm9, v3, v50;
	v54 =	vbroadcast v52, $0xF;
	v55, _, _ =	vpop (xrf0)  }
0x29b: {  	v56, _, _ =	vpop (xrf0);
	v3 =	vsel vm10, v3, v53;
	v57 =	vbroadcast v55, $0xF  }
0x29c: {  	v58, _, _ =	vpop (xrf0);
	v3 =	vsel vm11, v3, v54;
	v59 =	vbroadcast v56, $0xF  }
0x29d: {  	v60, _, _ =	vpop (xrf0);
	v3 =	vsel vm12, v3, v57;
	v61 =	vbroadcast v58, $0xF  }
0x29e: {  	[tilespmem:$0x14A0] =	vst v1;
	v3 =	vsel vm13, v3, v59;
	v62 =	vbroadcast v60, $0xF  }
0x29f: {  	[tilespmem:$0x14B0] =	vst v1;
	v3 =	vsel vm14, v3, v61  }
0x2a0: {  	v2 =	vbroadcast v2, $0xF;
	s21 =	sld [smem:$0x7EC];
	[tilespmem:$0x14C0] =	vst v1;
	v63, _, _ =	vpop (xrf0);
	v3 =	vsel vm15, v3, v62  }
0x2a1: {  	[tilespmem:$0x14D0] =	vst v1;
	v3 =	vsel vm4, v3, v63  }
0x2a2: {  	s28 =	sld [smem:$0x7FD];
	[tilespmem:$0x14E0] =	vst v1;
	v2 =	vmul.f32 v3, v2  }
0x2a3: {  	p0 =	sne.s32 s21, $0x1;
	[tilespmem:$0x14F0] =	vst v1  }
.Ltmp0:
0x2a4: {  	s26 =	rddreg [dreg:$0x7];
	s29 =	simm.s32 $0x2;
	[tilespmem:$0x1490] =	vst v2;
	(pc) =	sbr.rel @p0 .LBB2_1-.Ltmp0, $4  }
0x2a5: {  	[hbm4b:s26+s3] =	stream.linear.scatter [tilespmem:s28], [sflag:$0x2], $0x80, $0x38;
	[tilespmem:$0x1500] =	vst v63  }
0x2a6: {  	_ =	swait.ge [sflag:s29], $0x80  }
0x2a7: {  	s30 =	simm.s32 $0x2;
	[sflag:s29] =	ssyncset.done $0x0  }
0x2a8: {  	s2 =	sadd.s32 $0xFFFFFFFF, s21;
	[sflag:s30] =	ssyncadd.s32 $0xFFFFFF80  }
0x2a9: {  	_ =	sfence.sel $0x180000  }
0x2aa: {  	[bflag:$0x0] =	sbarrier.arrive $0xFFFF  }
0x2ab: {  	_ =	strace $0x90000047  }
0x2ac: {  	s0 =	stileid.u32;
	[bflag:$0x2] =	sbarrier.arrive $0xFFFF  }
0x2ad: {  	p0 =	sne.s32 s0, $0x0;
	s0 =	rddreg [dreg:$0x3]  }
0x2ae: {  	s0 =	sadd.s32 @!p0 $0x100000, s0  }
0x2af: {  	[sflag:s0] =	ssyncadd.tile.s32 @!p0 $0x1;
	_ =	shalt  }
.Lfunc_end2:
_tile_overlayer_lowered:
.L_overlay_start_2:
0x2b0: {  	(tag) =	ssettag $0x2  }
0x2b1: {  	s0 =	rddreg [dreg:$0x0];
	s2 =	stileid.u32  }
0x2b2: {  	s1 =	rddreg [dreg:$0x1];
	p0 =	sne.s32 s2, $0x0  }
0x2b3: {  	s3 =	rddreg [dreg:$0x2];
	[bflag:$0x3] =	sbarrier.arrive $0xFFFF;
	s2 =	simm.s32 @!p0 $0x1C02  }
0x2b4: {  	[timem:s3], [sflag:s2] =	dma.local @!p0 [hbm:s0], s1  }
0x2b5: {  	s0 =	simm.s32 @!p0 $0x2  }
0x2b6: {  	_ =	swait.ge @!p0 [sflag:s0], s1  }
0x2b7: {  	s1 =	ssub.s32 @!p0 $0x0, s1;
	[sflag:s0] =	ssyncset.done @!p0 $0x0  }
0x2b8: {  	[sflag:s0] =	ssyncadd.s32 @!p0 s1  }
0x2b9: {  	[bflag:$0x3] =	sbarrier.arrive $0xFFFF  }
0x2ba: {  	_ =	shalt  }

</sc_bundles>
